<compile_context>
chip_gen: v7x
topology: tpu7x:2x2x1
jax: 0.10.2.dev20260603
libtpu: 0.0.44.dev20260713+nightly
codegen_flags: <defaults>
</compile_context>

<pallas_src>
import dataclasses
import functools

import jax
import jax.numpy as jnp
from jax import lax
from jax.experimental import pallas as pl
from jax.experimental.pallas import tpu as pltpu
from jax.experimental.pallas import tpu_sc as plsc

_N = 10000
_E = 320000
_D = 128
_G = 64
_NC, _NS = 2, 16
_NW = _NC * _NS
_NPAD = 10240
_EPW = _E // _NW
_K = 80
_CPW = _EPW // _K
_BLK = 5120
_NB = _NPAD // _BLK
_HI = lax.Precision.DEFAULT

def _mesh():
    return plsc.VectorSubcoreMesh(core_axis_name="c", subcore_axis_name="s",
                                  num_cores=_NC, num_subcores=_NS)


def _sc_params():
    cp = pltpu.CompilerParams()
    if "needs_layout_passes" in pltpu.CompilerParams.__dataclass_fields__:
        cp = dataclasses.replace(cp, needs_layout_passes=False)
    return cp



def _sc_degree(ei3, tail3, z1):

    @functools.partial(
        pl.kernel,
        out_type=jax.ShapeDtypeStruct((_NW, _NPAD), jnp.float32),
        mesh=_mesh(),
        scratch_types=[
            pltpu.VMEM((_RPW, 128), jnp.int32),
            pltpu.VMEM((_NPAD,), jnp.float32),
        ],
        compiler_params=_sc_params(),
    )
    def k(ei_hbm, tail_hbm, z1_hbm, out_hbm, dst_v, deg_v):
        c = lax.axis_index("c")
        s = lax.axis_index("s")
        wid = s * _NC + c
        ones16 = jnp.ones((16,), jnp.float32)

        pltpu.sync_copy(z1_hbm, deg_v)

        def count_rows(n):
            @plsc.parallel_loop(0, n, 1, unroll=2)
            def _(r):
                for kk in range(128 // 16):
                    idx = dst_v[r, pl.ds(kk * 16, 16)]
                    plsc.addupdate_scatter(deg_v, [idx], ones16)

        @pl.when(wid < _NW - 1)
        def _():
            pltpu.sync_copy(ei_hbm.at[1, pl.ds(wid * _RPW, _RPW)], dst_v)
            count_rows(_RPW)

        @pl.when(wid == _NW - 1)
        def _():
            pltpu.sync_copy(tail_hbm.at[1], dst_v.at[pl.ds(0, _TAIL)])
            count_rows(_TAIL)

        pltpu.sync_copy(deg_v, out_hbm.at[wid])

    return k(ei3, tail3, z1)


_RPW = 80
_ROWS = _E // 128
_TAIL = _ROWS - 31 * _RPW


def _sc_aggregate(y, ei3, tail3, z):

    @functools.partial(
        pl.kernel,
        out_type=jax.ShapeDtypeStruct((_NC, _NPAD, _D), jnp.float32),
        mesh=_mesh(),
        scratch_types=[
            pltpu.VMEM((_RPW // 2, 128), jnp.int32),
            pltpu.VMEM((_RPW // 2, 128), jnp.int32),
            pltpu.VMEM((128, _D), jnp.float32),
            pltpu.VMEM((128, _D), jnp.float32),
            pltpu.VMEM_SHARED((_NPAD, _D), jnp.float32),
            pltpu.SemaphoreType.DMA,
            pltpu.SemaphoreType.DMA,
            pltpu.SemaphoreType.DMA,
            pltpu.SemaphoreType.DMA,
        ],
    )
    def k(y_hbm, ei_hbm, tail_hbm, z_hbm, out_hbm, src_v, dst_v, b0, b1,
          acc_sh, gs0, gs1, ss0, ss1):
        c = lax.axis_index("c")
        s = lax.axis_index("s")
        wid = s * _NC + c
        rps = _NPAD // _NS
        base = wid * _RPW
        half = _RPW // 2

        pltpu.sync_copy(z_hbm, acc_sh.at[pl.ds(s * rps, rps)])
        plsc.subcore_barrier()

        def g_start(j, buf, sem):
            pltpu.async_copy(y_hbm.at[src_v.at[j]], buf, sem)

        def g_wait(j, buf, sem):
            pltpu.make_async_copy(y_hbm.at[src_v.at[j]], buf, sem).wait()

        def scat(j, buf):
            pltpu.sync_copy(buf, acc_sh.at[dst_v.at[j]], add=True)

        def pipeline(n):
            g_start(0, b0, gs0)

            @pl.loop(0, n - 2, step=2)
            def _(j):
                g_start(j + 1, b1, gs1)
                g_wait(j, b0, gs0)
                scat(j, b0)
                g_start(j + 2, b0, gs0)
                g_wait(j + 1, b1, gs1)
                scat(j + 1, b1)

            g_start(n - 1, b1, gs1)
            g_wait(n - 2, b0, gs0)
            scat(n - 2, b0)
            g_wait(n - 1, b1, gs1)
            scat(n - 1, b1)

        @pl.when(wid < _NW - 1)
        def _():
            @pl.loop(0, 2)
            def _(p):
                row0 = base + p * half
                pltpu.sync_copy(ei_hbm.at[0, pl.ds(row0, half)], src_v)
                pltpu.sync_copy(ei_hbm.at[1, pl.ds(row0, half)], dst_v)
                pipeline(half)

        @pl.when(wid == _NW - 1)
        def _():
            pltpu.sync_copy(tail_hbm.at[0], src_v.at[pl.ds(0, _TAIL)])
            pltpu.sync_copy(tail_hbm.at[1], dst_v.at[pl.ds(0, _TAIL)])
            pipeline(_TAIL)

        plsc.subcore_barrier()
        pltpu.sync_copy(acc_sh.at[pl.ds(s * rps, rps)],
                        out_hbm.at[c, pl.ds(s * rps, rps)])

    return k(y, ei3, tail3, z)



def _dis_of(degp_blk):
    deg = jnp.sum(degp_blk, axis=0) + 1.0
    return lax.rsqrt(deg)


def _mm_scale_body(x_ref, w_ref, degp_ref, o_ref):
    xw = jnp.dot(x_ref[...], w_ref[...], precision=_HI,
                 preferred_element_type=jnp.float32)
    dis = _dis_of(degp_ref[...])
    o_ref[...] = xw * dis[:, None]


def _mm_scale(x, w, degp):
    return pl.pallas_call(
        _mm_scale_body,
        grid=(_NB,),
        in_specs=[
            pl.BlockSpec((_BLK, _D), lambda i: (i, 0)),
            pl.BlockSpec((_D, _D), lambda i: (0, 0)),
            pl.BlockSpec((_NW, _BLK), lambda i: (0, i)),
        ],
        out_specs=pl.BlockSpec((_BLK, _D), lambda i: (i, 0)),
        out_shape=jax.ShapeDtypeStruct((_NPAD, _D), jnp.float32),
    )(x, w, degp)


def _layer2_body(p_ref, y_ref, degp_ref, b1_ref, w2_ref, o_ref):
    dis = _dis_of(degp_ref[...])
    h = dis[:, None] * (p_ref[0] + p_ref[1] + y_ref[...]) + b1_ref[...]
    h = jnp.maximum(h, 0.0)
    y2 = jnp.dot(h, w2_ref[...], precision=_HI,
                 preferred_element_type=jnp.float32)
    o_ref[...] = y2 * dis[:, None]


def _layer2(p, y1, degp, b1, w2):
    return pl.pallas_call(
        _layer2_body,
        grid=(_NB,),
        in_specs=[
            pl.BlockSpec((_NC, _BLK, _D), lambda i: (0, i, 0)),
            pl.BlockSpec((_BLK, _D), lambda i: (i, 0)),
            pl.BlockSpec((_NW, _BLK), lambda i: (0, i)),
            pl.BlockSpec((1, _D), lambda i: (0, 0)),
            pl.BlockSpec((_D, _D), lambda i: (0, 0)),
        ],
        out_specs=pl.BlockSpec((_BLK, _D), lambda i: (i, 0)),
        out_shape=jax.ShapeDtypeStruct((_NPAD, _D), jnp.float32),
    )(p, y1, degp, b1, w2)


def _pool_body(q_ref, y2_ref, degp_ref, batch_ref, b2_ref, o_ref, cnt_ref):
    i = pl.program_id(0)
    dis = _dis_of(degp_ref[...])
    nodes = dis[:, None] * (q_ref[0] + q_ref[1] + y2_ref[...])
    gids = lax.broadcasted_iota(jnp.int32, (_BLK, _G), 1)
    onehot = (batch_ref[0, 0, :][:, None] == gids).astype(jnp.float32)
    sums = lax.dot_general(onehot, nodes, (((0,), (0,)), ((), ())),
                           precision=_HI,
                           preferred_element_type=jnp.float32)
    cnts = jnp.sum(onehot, axis=0)

    @pl.when(i == 0)
    def _():
        o_ref[...] = jnp.zeros_like(o_ref)
        cnt_ref[...] = jnp.zeros_like(cnt_ref)

    o_ref[...] += sums
    cnt_ref[...] += cnts[:, None]

    @pl.when(i == _NB - 1)
    def _():
        o_ref[...] = o_ref[...] / jnp.maximum(cnt_ref[...], 1.0) + b2_ref[...]


def _pool(q, y2, degp, batch3, b2):
    return pl.pallas_call(
        _pool_body,
        grid=(_NB,),
        in_specs=[
            pl.BlockSpec((_NC, _BLK, _D), lambda i: (0, i, 0)),
            pl.BlockSpec((_BLK, _D), lambda i: (i, 0)),
            pl.BlockSpec((_NW, _BLK), lambda i: (0, i)),
            pl.BlockSpec((1, 1, _BLK), lambda i: (i, 0, 0)),
            pl.BlockSpec((1, _D), lambda i: (0, 0)),
        ],
        out_specs=pl.BlockSpec((_G, _D), lambda i: (0, 0)),
        out_shape=jax.ShapeDtypeStruct((_G, _D), jnp.float32),
        scratch_shapes=[pltpu.VMEM((_G, _D), jnp.float32)],
    )(q, y2, degp, batch3, b2)



def kernel(x, edge_index, batch, W1, b1, W2, b2):
    ei3 = edge_index.reshape(2, _ROWS, 128)
    tail3 = ei3[:, 31 * _RPW:, :]
    z = jnp.zeros((_NPAD // _NS, _D), jnp.float32)
    b1r = b1.reshape(1, _D)
    b2r = b2.reshape(1, _D)
    xp = jnp.pad(x, ((0, _NPAD - _N), (0, 0)))
    batch3 = jnp.pad(batch, (0, _NPAD - _N),
                     constant_values=_G).reshape(_NB, 1, _BLK)

    z1 = jnp.zeros((_NPAD,), jnp.float32)
    degp = _sc_degree(ei3, tail3, z1)
    y1 = _mm_scale(xp, W1, degp)
    p = _sc_aggregate(y1, ei3, tail3, z)
    y2 = _layer2(p, y1, degp, b1r, W2)
    q = _sc_aggregate(y2, ei3, tail3, z)
    return _pool(q, y2, degp, batch3, b2r)

# --- scband reference (transcript-rebuilt; emitter-appended) ---
"""Pipeline reference for scband-graph2-vec-54889682043380 (READ-ONLY COPY).

The authoritative reference and input builder live on the scoring server;
editing this copy changes nothing except your own understanding.
"""

import jax, jax.numpy as jnp
import numpy as np

N_NODES = 10000
N_EDGES = 320000
D_IN = 128
D_HID = 128
D_OUT = 128
N_GRAPHS = 64


def gcn_conv(x, edge_index, W, b, num_nodes):
    # GCNConv: x' = D^{-1/2} (A + I) D^{-1/2} X W + b
    src = edge_index[0]
    dst = edge_index[1]
    loop = jnp.arange(num_nodes, dtype=edge_index.dtype)
    src = jnp.concatenate([src, loop])
    dst = jnp.concatenate([dst, loop])
    deg = jnp.zeros((num_nodes,), dtype=x.dtype).at[dst].add(1.0)
    deg_inv_sqrt = jnp.where(deg > 0, jax.lax.rsqrt(jnp.maximum(deg, 1e-12)), 0.0)
    norm = deg_inv_sqrt[src] * deg_inv_sqrt[dst]
    xw = x @ W
    msg = xw[src] * norm[:, None]
    out = jnp.zeros((num_nodes, W.shape[1]), dtype=x.dtype).at[dst].add(msg)
    return out + b


def setup_inputs(seed: int = 0) -> dict:
    key = jax.random.key(seed)
    k_x, k_e, k_b, k_w1, k_b1, k_w2, k_b2 = jax.random.split(key, 7)
    x = jax.random.normal(k_x, (N_NODES, D_IN), dtype=jnp.float32)
    edge_index = jax.random.randint(k_e, (2, N_EDGES), 0, N_NODES, dtype=jnp.int64 if jax.config.jax_enable_x64 else jnp.int32).astype(jnp.int32)
    batch = jnp.sort(jax.random.randint(k_b, (N_NODES,), 0, N_GRAPHS)).astype(jnp.int32)
    # Glorot-style init for GCN weights
    s1 = float(np.sqrt(6.0 / (D_IN + D_HID)))
    s2 = float(np.sqrt(6.0 / (D_HID + D_OUT)))
    W1 = jax.random.uniform(k_w1, (D_IN, D_HID), dtype=jnp.float32, minval=-s1, maxval=s1)
    b1 = jnp.zeros((D_HID,), dtype=jnp.float32)
    W2 = jax.random.uniform(k_w2, (D_HID, D_OUT), dtype=jnp.float32, minval=-s2, maxval=s2)
    b2 = jnp.zeros((D_OUT,), dtype=jnp.float32)
    return {"x": x, "edge_index": edge_index, "batch": batch, "W1": W1, "b1": b1, "W2": W2, "b2": b2}


def reference(x, edge_index, batch, W1, b1, W2, b2):
    h = gcn_conv(x, edge_index, W1, b1, N_NODES)
    h = jax.nn.relu(h)
    h = gcn_conv(h, edge_index, W2, b2, N_NODES)
    # global_mean_pool over batch (graph ids)
    sums = jax.ops.segment_sum(h, batch, num_segments=N_GRAPHS)
    counts = jax.ops.segment_sum(jnp.ones((N_NODES,), dtype=h.dtype), batch, num_segments=N_GRAPHS)
    graph_embedding = sums / jnp.maximum(counts, 1.0)[:, None]
    return graph_embedding

if __name__ == "__main__":
    import jax
    _d = setup_inputs()
    print(jax.jit(kernel)(*tuple(_d.values())))

</pallas_src>

<mosaic_0001>
#map = affine_map<(d0, d1) -> (0, 0)>
#map1 = affine_map<(d0, d1) -> (0, 0, 0)>
module attributes {stable_mosaic.version = 14 : i64} {
  func.func @k(%arg0: i32, %arg1: i32, %arg2: memref<10240x128xf32, #tpu.memory_space<hbm>>, %arg3: memref<2x2500x128xi32, #tpu.memory_space<hbm>>, %arg4: memref<2x20x128xi32, #tpu.memory_space<hbm>>, %arg5: memref<640x128xf32, #tpu.memory_space<hbm>>, %arg6: memref<2x10240x128xf32, #tpu.memory_space<hbm>>, %arg7: memref<40x128xi32, #tpu.memory_space<vmem>>, %arg8: memref<40x128xi32, #tpu.memory_space<vmem>>, %arg9: memref<128x128xf32, #tpu.memory_space<vmem>>, %arg10: memref<128x128xf32, #tpu.memory_space<vmem>>, %arg11: memref<10240x128xf32, #tpu.memory_space<vmem_shared>>, %arg12: memref<!tpu.dma_semaphore, #tpu.memory_space<semaphore_mem>>, %arg13: memref<!tpu.dma_semaphore, #tpu.memory_space<semaphore_mem>>, %arg14: memref<!tpu.dma_semaphore, #tpu.memory_space<semaphore_mem>>, %arg15: memref<!tpu.dma_semaphore, #tpu.memory_space<semaphore_mem>>) attributes {dimension_semantics = [#tpu.dimension_semantics<core_parallel>, #tpu.dimension_semantics<subcore_parallel>], iteration_bounds = array<i64: 2, 16>, scalar_prefetch = 0 : i64, scratch_operands = 9 : i64, tpu.core_type = #tpu.core_type<sc_vector_subcore>, window_params = [{transform_indices = #map}, {transform_indices = #map1}, {transform_indices = #map1}, {transform_indices = #map}, {transform_indices = #map1}]} {
    %mul3A = arith.constant 2 : i32
    %mul3A_0 = arith.muli %arg1, %mul3A : i32
    %add3A = arith.addi %mul3A_0, %arg0 : i32
    %mul3A_1 = arith.constant 80 : i32
    %mul3A_2 = arith.muli %add3A, %mul3A_1 : i32
    %mul3A_3 = arith.constant 640 : i32
    %mul3A_4 = arith.muli %arg1, %mul3A_3 : i32
    "tpu.region"() ({
      %run_scoped3A = tpu.sem_alloc : memref<!tpu.dma_semaphore, #tpu.memory_space<semaphore_mem>>
      %dma_start3A = arith.constant 0 : i32
      %dma_start3A_16 = tpu.memref_slice %arg11[%mul3A_4, %dma_start3A] : memref<10240x128xf32, #tpu.memory_space<vmem_shared>> -> memref<640x128xf32, #tpu.memory_space<vmem_shared>>
      tpu.enqueue_dma source(%arg5 : memref<640x128xf32, #tpu.memory_space<hbm>>) target(%dma_start3A_16 : memref<640x128xf32, #tpu.memory_space<vmem_shared>>) target_semaphore(%run_scoped3A : memref<!tpu.dma_semaphore, #tpu.memory_space<semaphore_mem>>)
      %dma_wait3A = arith.constant 0 : i32
      %dma_wait3A_17 = tpu.memref_slice %arg11[%mul3A_4, %dma_wait3A] : memref<10240x128xf32, #tpu.memory_space<vmem_shared>> -> memref<640x128xf32, #tpu.memory_space<vmem_shared>>
      tpu.wait_dma2 semaphore(%run_scoped3A : memref<!tpu.dma_semaphore, #tpu.memory_space<semaphore_mem>>) src(%arg5 : memref<640x128xf32, #tpu.memory_space<hbm>>) dst(%dma_wait3A_17 : memref<640x128xf32, #tpu.memory_space<vmem_shared>>)
      tpu.yield
    }) : () -> ()
    %barrier3A = arith.constant 0 : index
    tpu.barrier barrier_id(%barrier3A)
    %lt3A = arith.constant 31 : i32
    %lt3A_5 = arith.cmpi slt, %add3A, %lt3A : i32
    %convert_element_type3A = arith.extui %lt3A_5 : i1 to i32
    %cond3A = arith.constant 0 : i32
    %cond3A_6 = arith.cmpi ne, %convert_element_type3A, %cond3A : i32
    scf.if %cond3A_6 {
      %scan3A = arith.constant 0 : i32
      %scan3A_16 = arith.constant 2 : i32
      %scan3A_17 = arith.addi %scan3A, %scan3A_16 : i32
      %scan3A_18 = arith.constant 1 : i32
      scf.for %scan3A_20 = %scan3A to %scan3A_17 step %scan3A_18  : i32 {
        %mul3A_21 = arith.constant 1 : i32
        %mul3A_22 = arith.muli %scan3A_20, %mul3A_21 : i32
        %add3A_23 = arith.constant 0 : i32
        %add3A_24 = arith.addi %add3A_23, %mul3A_22 : i32
        %mul3A_25 = arith.constant 40 : i32
        %mul3A_26 = arith.muli %add3A_24, %mul3A_25 : i32
        %add3A_27 = arith.addi %mul3A_2, %mul3A_26 : i32
        %run_scoped3A = arith.constant 0 : i32
        "tpu.region"() ({
          %run_scoped3A_62 = tpu.sem_alloc : memref<!tpu.dma_semaphore, #tpu.memory_space<semaphore_mem>>
          %dma_start3A_63 = arith.constant 0 : i32
          %dma_start3A_64 = tpu.memref_slice %arg3[%run_scoped3A, %add3A_27, %dma_start3A_63] : memref<2x2500x128xi32, #tpu.memory_space<hbm>> -> memref<1x40x128xi32, #tpu.memory_space<hbm>>
          %dma_start3A_65 = tpu.memref_squeeze %dma_start3A_64 : memref<1x40x128xi32, #tpu.memory_space<hbm>> -> memref<40x128xi32, #tpu.memory_space<hbm>>
          %dma_start3A_66 = arith.constant 0 : i32
          %dma_start3A_67 = tpu.memref_slice %arg3[%run_scoped3A, %add3A_27, %dma_start3A_66] : memref<2x2500x128xi32, #tpu.memory_space<hbm>> -> memref<1x40x128xi32, #tpu.memory_space<hbm>>
          %dma_start3A_68 = tpu.memref_squeeze %dma_start3A_67 : memref<1x40x128xi32, #tpu.memory_space<hbm>> -> memref<40x128xi32, #tpu.memory_space<hbm>>
          tpu.enqueue_dma source(%dma_start3A_68 : memref<40x128xi32, #tpu.memory_space<hbm>>) target(%arg7 : memref<40x128xi32, #tpu.memory_space<vmem>>) target_semaphore(%run_scoped3A_62 : memref<!tpu.dma_semaphore, #tpu.memory_space<semaphore_mem>>)
          %dma_wait3A_69 = arith.constant 0 : i32
          %dma_wait3A_70 = tpu.memref_slice %arg3[%run_scoped3A, %add3A_27, %dma_wait3A_69] : memref<2x2500x128xi32, #tpu.memory_space<hbm>> -> memref<1x40x128xi32, #tpu.memory_space<hbm>>
          %dma_wait3A_71 = tpu.memref_squeeze %dma_wait3A_70 : memref<1x40x128xi32, #tpu.memory_space<hbm>> -> memref<40x128xi32, #tpu.memory_space<hbm>>
          %dma_wait3A_72 = arith.constant 0 : i32
          %dma_wait3A_73 = tpu.memref_slice %arg3[%run_scoped3A, %add3A_27, %dma_wait3A_72] : memref<2x2500x128xi32, #tpu.memory_space<hbm>> -> memref<1x40x128xi32, #tpu.memory_space<hbm>>
          %dma_wait3A_74 = tpu.memref_squeeze %dma_wait3A_73 : memref<1x40x128xi32, #tpu.memory_space<hbm>> -> memref<40x128xi32, #tpu.memory_space<hbm>>
          tpu.wait_dma2 semaphore(%run_scoped3A_62 : memref<!tpu.dma_semaphore, #tpu.memory_space<semaphore_mem>>) src(%dma_wait3A_74 : memref<40x128xi32, #tpu.memory_space<hbm>>) dst(%arg7 : memref<40x128xi32, #tpu.memory_space<vmem>>)
          tpu.yield
        }) : () -> ()
        %run_scoped3A_28 = arith.constant 1 : i32
        "tpu.region"() ({
          %run_scoped3A_62 = tpu.sem_alloc : memref<!tpu.dma_semaphore, #tpu.memory_space<semaphore_mem>>
          %dma_start3A_63 = arith.constant 0 : i32
          %dma_start3A_64 = tpu.memref_slice %arg3[%run_scoped3A_28, %add3A_27, %dma_start3A_63] : memref<2x2500x128xi32, #tpu.memory_space<hbm>> -> memref<1x40x128xi32, #tpu.memory_space<hbm>>
          %dma_start3A_65 = tpu.memref_squeeze %dma_start3A_64 : memref<1x40x128xi32, #tpu.memory_space<hbm>> -> memref<40x128xi32, #tpu.memory_space<hbm>>
          %dma_start3A_66 = arith.constant 0 : i32
          %dma_start3A_67 = tpu.memref_slice %arg3[%run_scoped3A_28, %add3A_27, %dma_start3A_66] : memref<2x2500x128xi32, #tpu.memory_space<hbm>> -> memref<1x40x128xi32, #tpu.memory_space<hbm>>
          %dma_start3A_68 = tpu.memref_squeeze %dma_start3A_67 : memref<1x40x128xi32, #tpu.memory_space<hbm>> -> memref<40x128xi32, #tpu.memory_space<hbm>>
          tpu.enqueue_dma source(%dma_start3A_68 : memref<40x128xi32, #tpu.memory_space<hbm>>) target(%arg8 : memref<40x128xi32, #tpu.memory_space<vmem>>) target_semaphore(%run_scoped3A_62 : memref<!tpu.dma_semaphore, #tpu.memory_space<semaphore_mem>>)
          %dma_wait3A_69 = arith.constant 0 : i32
          %dma_wait3A_70 = tpu.memref_slice %arg3[%run_scoped3A_28, %add3A_27, %dma_wait3A_69] : memref<2x2500x128xi32, #tpu.memory_space<hbm>> -> memref<1x40x128xi32, #tpu.memory_space<hbm>>
          %dma_wait3A_71 = tpu.memref_squeeze %dma_wait3A_70 : memref<1x40x128xi32, #tpu.memory_space<hbm>> -> memref<40x128xi32, #tpu.memory_space<hbm>>
          %dma_wait3A_72 = arith.constant 0 : i32
          %dma_wait3A_73 = tpu.memref_slice %arg3[%run_scoped3A_28, %add3A_27, %dma_wait3A_72] : memref<2x2500x128xi32, #tpu.memory_space<hbm>> -> memref<1x40x128xi32, #tpu.memory_space<hbm>>
          %dma_wait3A_74 = tpu.memref_squeeze %dma_wait3A_73 : memref<1x40x128xi32, #tpu.memory_space<hbm>> -> memref<40x128xi32, #tpu.memory_space<hbm>>
          tpu.wait_dma2 semaphore(%run_scoped3A_62 : memref<!tpu.dma_semaphore, #tpu.memory_space<semaphore_mem>>) src(%dma_wait3A_74 : memref<40x128xi32, #tpu.memory_space<hbm>>) dst(%arg8 : memref<40x128xi32, #tpu.memory_space<vmem>>)
          tpu.yield
        }) : () -> ()
        %dma_start3A = arith.constant 0 : i32
        %dma_start3A_29 = arith.constant 0 : i32
        %dma_start3A_30 = tpu.memref_slice %arg7[%dma_start3A, %dma_start3A_29] : memref<40x128xi32, #tpu.memory_space<vmem>> -> memref<1x128xi32, #tpu.memory_space<vmem>>
        %dma_start3A_31 = tpu.memref_squeeze %dma_start3A_30 : memref<1x128xi32, #tpu.memory_space<vmem>> -> memref<128xi32, #tpu.memory_space<vmem>>
        %dma_start3A_32 = arith.constant 0 : i32
        %dma_start3A_33 = arith.constant 0 : i32
        %dma_start3A_34 = tpu.memref_slice %arg2[%dma_start3A_32, %dma_start3A_33] : memref<10240x128xf32, #tpu.memory_space<hbm>> -> memref<10240x128xf32, #tpu.memory_space<hbm>>
        tpu.enqueue_indirect_dma source(%dma_start3A_34 : memref<10240x128xf32, #tpu.memory_space<hbm>>) target(%arg9 : memref<128x128xf32, #tpu.memory_space<vmem>>) offsets(%dma_start3A_31 : memref<128xi32, #tpu.memory_space<vmem>>) semaphore(%arg12 : memref<!tpu.dma_semaphore, #tpu.memory_space<semaphore_mem>>)
        %scan3A_35 = arith.constant 0 : i32
        %scan3A_36 = arith.constant 19 : i32
        %scan3A_37 = arith.addi %scan3A_35, %scan3A_36 : i32
        %scan3A_38 = arith.constant 1 : i32
        scf.for %scan3A_62 = %scan3A_35 to %scan3A_37 step %scan3A_38  : i32 {
          %mul3A_63 = arith.constant 2 : i32
          %mul3A_64 = arith.muli %scan3A_62, %mul3A_63 : i32
          %add3A_65 = arith.constant 0 : i32
          %add3A_66 = arith.addi %add3A_65, %mul3A_64 : i32
          %add3A_67 = arith.constant 1 : i32
          %add3A_68 = arith.addi %add3A_66, %add3A_67 : i32
          %dma_start3A_69 = arith.constant 0 : i32
          %dma_start3A_70 = tpu.memref_slice %arg7[%add3A_68, %dma_start3A_69] : memref<40x128xi32, #tpu.memory_space<vmem>> -> memref<1x128xi32, #tpu.memory_space<vmem>>
          %dma_start3A_71 = tpu.memref_squeeze %dma_start3A_70 : memref<1x128xi32, #tpu.memory_space<vmem>> -> memref<128xi32, #tpu.memory_space<vmem>>
          %dma_start3A_72 = arith.constant 0 : i32
          %dma_start3A_73 = arith.constant 0 : i32
          %dma_start3A_74 = tpu.memref_slice %arg2[%dma_start3A_72, %dma_start3A_73] : memref<10240x128xf32, #tpu.memory_space<hbm>> -> memref<10240x128xf32, #tpu.memory_space<hbm>>
          tpu.enqueue_indirect_dma source(%dma_start3A_74 : memref<10240x128xf32, #tpu.memory_space<hbm>>) target(%arg10 : memref<128x128xf32, #tpu.memory_space<vmem>>) offsets(%dma_start3A_71 : memref<128xi32, #tpu.memory_space<vmem>>) semaphore(%arg13 : memref<!tpu.dma_semaphore, #tpu.memory_space<semaphore_mem>>)
          %dma_wait3A_75 = arith.constant 0 : i32
          %dma_wait3A_76 = tpu.memref_slice %arg7[%add3A_66, %dma_wait3A_75] : memref<40x128xi32, #tpu.memory_space<vmem>> -> memref<1x128xi32, #tpu.memory_space<vmem>>
          %dma_wait3A_77 = tpu.memref_squeeze %dma_wait3A_76 : memref<1x128xi32, #tpu.memory_space<vmem>> -> memref<128xi32, #tpu.memory_space<vmem>>
          %dma_wait3A_78 = arith.constant 0 : i32
          %dma_wait3A_79 = arith.constant 0 : i32
          %dma_wait3A_80 = tpu.memref_slice %arg2[%dma_wait3A_78, %dma_wait3A_79] : memref<10240x128xf32, #tpu.memory_space<hbm>> -> memref<10240x128xf32, #tpu.memory_space<hbm>>
          tpu.wait_indirect_dma semaphore(%arg12 : memref<!tpu.dma_semaphore, #tpu.memory_space<semaphore_mem>>) src(%dma_wait3A_80 : memref<10240x128xf32, #tpu.memory_space<hbm>>) dst(%arg9 : memref<128x128xf32, #tpu.memory_space<vmem>>)
          "tpu.region"() ({
            %run_scoped3A_99 = tpu.sem_alloc : memref<!tpu.dma_semaphore, #tpu.memory_space<semaphore_mem>>
            %dma_start3A_100 = arith.constant 0 : i32
            %dma_start3A_101 = tpu.memref_slice %arg8[%add3A_66, %dma_start3A_100] : memref<40x128xi32, #tpu.memory_space<vmem>> -> memref<1x128xi32, #tpu.memory_space<vmem>>
            %dma_start3A_102 = tpu.memref_squeeze %dma_start3A_101 : memref<1x128xi32, #tpu.memory_space<vmem>> -> memref<128xi32, #tpu.memory_space<vmem>>
            %dma_start3A_103 = arith.constant 0 : i32
            %dma_start3A_104 = arith.constant 0 : i32
            %dma_start3A_105 = tpu.memref_slice %arg11[%dma_start3A_103, %dma_start3A_104] : memref<10240x128xf32, #tpu.memory_space<vmem_shared>> -> memref<10240x128xf32, #tpu.memory_space<vmem_shared>>
            tpu.enqueue_indirect_dma source(%arg9 : memref<128x128xf32, #tpu.memory_space<vmem>>) target(%dma_start3A_105 : memref<10240x128xf32, #tpu.memory_space<vmem_shared>>) offsets(%dma_start3A_102 : memref<128xi32, #tpu.memory_space<vmem>>) semaphore(%run_scoped3A_99 : memref<!tpu.dma_semaphore, #tpu.memory_space<semaphore_mem>>) {add = true}
            %dma_wait3A_106 = arith.constant 0 : i32
            %dma_wait3A_107 = tpu.memref_slice %arg8[%add3A_66, %dma_wait3A_106] : memref<40x128xi32, #tpu.memory_space<vmem>> -> memref<1x128xi32, #tpu.memory_space<vmem>>
            %dma_wait3A_108 = tpu.memref_squeeze %dma_wait3A_107 : memref<1x128xi32, #tpu.memory_space<vmem>> -> memref<128xi32, #tpu.memory_space<vmem>>
            %dma_wait3A_109 = arith.constant 0 : i32
            %dma_wait3A_110 = arith.constant 0 : i32
            %dma_wait3A_111 = tpu.memref_slice %arg11[%dma_wait3A_109, %dma_wait3A_110] : memref<10240x128xf32, #tpu.memory_space<vmem_shared>> -> memref<10240x128xf32, #tpu.memory_space<vmem_shared>>
            tpu.wait_indirect_dma semaphore(%run_scoped3A_99 : memref<!tpu.dma_semaphore, #tpu.memory_space<semaphore_mem>>) src(%arg9 : memref<128x128xf32, #tpu.memory_space<vmem>>) dst(%dma_wait3A_111 : memref<10240x128xf32, #tpu.memory_space<vmem_shared>>)
            tpu.yield
          }) : () -> ()
          %add3A_81 = arith.constant 2 : i32
          %add3A_82 = arith.addi %add3A_66, %add3A_81 : i32
          %dma_start3A_83 = arith.constant 0 : i32
          %dma_start3A_84 = tpu.memref_slice %arg7[%add3A_82, %dma_start3A_83] : memref<40x128xi32, #tpu.memory_space<vmem>> -> memref<1x128xi32, #tpu.memory_space<vmem>>
          %dma_start3A_85 = tpu.memref_squeeze %dma_start3A_84 : memref<1x128xi32, #tpu.memory_space<vmem>> -> memref<128xi32, #tpu.memory_space<vmem>>
          %dma_start3A_86 = arith.constant 0 : i32
          %dma_start3A_87 = arith.constant 0 : i32
          %dma_start3A_88 = tpu.memref_slice %arg2[%dma_start3A_86, %dma_start3A_87] : memref<10240x128xf32, #tpu.memory_space<hbm>> -> memref<10240x128xf32, #tpu.memory_space<hbm>>
          tpu.enqueue_indirect_dma source(%dma_start3A_88 : memref<10240x128xf32, #tpu.memory_space<hbm>>) target(%arg9 : memref<128x128xf32, #tpu.memory_space<vmem>>) offsets(%dma_start3A_85 : memref<128xi32, #tpu.memory_space<vmem>>) semaphore(%arg12 : memref<!tpu.dma_semaphore, #tpu.memory_space<semaphore_mem>>)
          %add3A_89 = arith.constant 1 : i32
          %add3A_90 = arith.addi %add3A_66, %add3A_89 : i32
          %dma_wait3A_91 = arith.constant 0 : i32
          %dma_wait3A_92 = tpu.memref_slice %arg7[%add3A_90, %dma_wait3A_91] : memref<40x128xi32, #tpu.memory_space<vmem>> -> memref<1x128xi32, #tpu.memory_space<vmem>>
          %dma_wait3A_93 = tpu.memref_squeeze %dma_wait3A_92 : memref<1x128xi32, #tpu.memory_space<vmem>> -> memref<128xi32, #tpu.memory_space<vmem>>
          %dma_wait3A_94 = arith.constant 0 : i32
          %dma_wait3A_95 = arith.constant 0 : i32
          %dma_wait3A_96 = tpu.memref_slice %arg2[%dma_wait3A_94, %dma_wait3A_95] : memref<10240x128xf32, #tpu.memory_space<hbm>> -> memref<10240x128xf32, #tpu.memory_space<hbm>>
          tpu.wait_indirect_dma semaphore(%arg13 : memref<!tpu.dma_semaphore, #tpu.memory_space<semaphore_mem>>) src(%dma_wait3A_96 : memref<10240x128xf32, #tpu.memory_space<hbm>>) dst(%arg10 : memref<128x128xf32, #tpu.memory_space<vmem>>)
          %add3A_97 = arith.constant 1 : i32
          %add3A_98 = arith.addi %add3A_66, %add3A_97 : i32
          "tpu.region"() ({
            %run_scoped3A_99 = tpu.sem_alloc : memref<!tpu.dma_semaphore, #tpu.memory_space<semaphore_mem>>
            %dma_start3A_100 = arith.constant 0 : i32
            %dma_start3A_101 = tpu.memref_slice %arg8[%add3A_98, %dma_start3A_100] : memref<40x128xi32, #tpu.memory_space<vmem>> -> memref<1x128xi32, #tpu.memory_space<vmem>>
            %dma_start3A_102 = tpu.memref_squeeze %dma_start3A_101 : memref<1x128xi32, #tpu.memory_space<vmem>> -> memref<128xi32, #tpu.memory_space<vmem>>
            %dma_start3A_103 = arith.constant 0 : i32
            %dma_start3A_104 = arith.constant 0 : i32
            %dma_start3A_105 = tpu.memref_slice %arg11[%dma_start3A_103, %dma_start3A_104] : memref<10240x128xf32, #tpu.memory_space<vmem_shared>> -> memref<10240x128xf32, #tpu.memory_space<vmem_shared>>
            tpu.enqueue_indirect_dma source(%arg10 : memref<128x128xf32, #tpu.memory_space<vmem>>) target(%dma_start3A_105 : memref<10240x128xf32, #tpu.memory_space<vmem_shared>>) offsets(%dma_start3A_102 : memref<128xi32, #tpu.memory_space<vmem>>) semaphore(%run_scoped3A_99 : memref<!tpu.dma_semaphore, #tpu.memory_space<semaphore_mem>>) {add = true}
            %dma_wait3A_106 = arith.constant 0 : i32
            %dma_wait3A_107 = tpu.memref_slice %arg8[%add3A_98, %dma_wait3A_106] : memref<40x128xi32, #tpu.memory_space<vmem>> -> memref<1x128xi32, #tpu.memory_space<vmem>>
            %dma_wait3A_108 = tpu.memref_squeeze %dma_wait3A_107 : memref<1x128xi32, #tpu.memory_space<vmem>> -> memref<128xi32, #tpu.memory_space<vmem>>
            %dma_wait3A_109 = arith.constant 0 : i32
            %dma_wait3A_110 = arith.constant 0 : i32
            %dma_wait3A_111 = tpu.memref_slice %arg11[%dma_wait3A_109, %dma_wait3A_110] : memref<10240x128xf32, #tpu.memory_space<vmem_shared>> -> memref<10240x128xf32, #tpu.memory_space<vmem_shared>>
            tpu.wait_indirect_dma semaphore(%run_scoped3A_99 : memref<!tpu.dma_semaphore, #tpu.memory_space<semaphore_mem>>) src(%arg10 : memref<128x128xf32, #tpu.memory_space<vmem>>) dst(%dma_wait3A_111 : memref<10240x128xf32, #tpu.memory_space<vmem_shared>>)
            tpu.yield
          }) : () -> ()
        }
        %scan3A_39 = arith.constant 19 : i32
        %dma_start3A_40 = arith.constant 39 : i32
        %dma_start3A_41 = arith.constant 0 : i32
        %dma_start3A_42 = tpu.memref_slice %arg7[%dma_start3A_40, %dma_start3A_41] : memref<40x128xi32, #tpu.memory_space<vmem>> -> memref<1x128xi32, #tpu.memory_space<vmem>>
        %dma_start3A_43 = tpu.memref_squeeze %dma_start3A_42 : memref<1x128xi32, #tpu.memory_space<vmem>> -> memref<128xi32, #tpu.memory_space<vmem>>
        %dma_start3A_44 = arith.constant 0 : i32
        %dma_start3A_45 = arith.constant 0 : i32
        %dma_start3A_46 = tpu.memref_slice %arg2[%dma_start3A_44, %dma_start3A_45] : memref<10240x128xf32, #tpu.memory_space<hbm>> -> memref<10240x128xf32, #tpu.memory_space<hbm>>
        tpu.enqueue_indirect_dma source(%dma_start3A_46 : memref<10240x128xf32, #tpu.memory_space<hbm>>) target(%arg10 : memref<128x128xf32, #tpu.memory_space<vmem>>) offsets(%dma_start3A_43 : memref<128xi32, #tpu.memory_space<vmem>>) semaphore(%arg13 : memref<!tpu.dma_semaphore, #tpu.memory_space<semaphore_mem>>)
        %dma_wait3A = arith.constant 38 : i32
        %dma_wait3A_47 = arith.constant 0 : i32
        %dma_wait3A_48 = tpu.memref_slice %arg7[%dma_wait3A, %dma_wait3A_47] : memref<40x128xi32, #tpu.memory_space<vmem>> -> memref<1x128xi32, #tpu.memory_space<vmem>>
        %dma_wait3A_49 = tpu.memref_squeeze %dma_wait3A_48 : memref<1x128xi32, #tpu.memory_space<vmem>> -> memref<128xi32, #tpu.memory_space<vmem>>
        %dma_wait3A_50 = arith.constant 0 : i32
        %dma_wait3A_51 = arith.constant 0 : i32
        %dma_wait3A_52 = tpu.memref_slice %arg2[%dma_wait3A_50, %dma_wait3A_51] : memref<10240x128xf32, #tpu.memory_space<hbm>> -> memref<10240x128xf32, #tpu.memory_space<hbm>>
        tpu.wait_indirect_dma semaphore(%arg12 : memref<!tpu.dma_semaphore, #tpu.memory_space<semaphore_mem>>) src(%dma_wait3A_52 : memref<10240x128xf32, #tpu.memory_space<hbm>>) dst(%arg9 : memref<128x128xf32, #tpu.memory_space<vmem>>)
        %run_scoped3A_53 = arith.constant 38 : i32
        "tpu.region"() ({
          %run_scoped3A_62 = tpu.sem_alloc : memref<!tpu.dma_semaphore, #tpu.memory_space<semaphore_mem>>
          %dma_start3A_63 = arith.constant 0 : i32
          %dma_start3A_64 = tpu.memref_slice %arg8[%run_scoped3A_53, %dma_start3A_63] : memref<40x128xi32, #tpu.memory_space<vmem>> -> memref<1x128xi32, #tpu.memory_space<vmem>>
          %dma_start3A_65 = tpu.memref_squeeze %dma_start3A_64 : memref<1x128xi32, #tpu.memory_space<vmem>> -> memref<128xi32, #tpu.memory_space<vmem>>
          %dma_start3A_66 = arith.constant 0 : i32
          %dma_start3A_67 = arith.constant 0 : i32
          %dma_start3A_68 = tpu.memref_slice %arg11[%dma_start3A_66, %dma_start3A_67] : memref<10240x128xf32, #tpu.memory_space<vmem_shared>> -> memref<10240x128xf32, #tpu.memory_space<vmem_shared>>
          tpu.enqueue_indirect_dma source(%arg9 : memref<128x128xf32, #tpu.memory_space<vmem>>) target(%dma_start3A_68 : memref<10240x128xf32, #tpu.memory_space<vmem_shared>>) offsets(%dma_start3A_65 : memref<128xi32, #tpu.memory_space<vmem>>) semaphore(%run_scoped3A_62 : memref<!tpu.dma_semaphore, #tpu.memory_space<semaphore_mem>>) {add = true}
          %dma_wait3A_69 = arith.constant 0 : i32
          %dma_wait3A_70 = tpu.memref_slice %arg8[%run_scoped3A_53, %dma_wait3A_69] : memref<40x128xi32, #tpu.memory_space<vmem>> -> memref<1x128xi32, #tpu.memory_space<vmem>>
          %dma_wait3A_71 = tpu.memref_squeeze %dma_wait3A_70 : memref<1x128xi32, #tpu.memory_space<vmem>> -> memref<128xi32, #tpu.memory_space<vmem>>
          %dma_wait3A_72 = arith.constant 0 : i32
          %dma_wait3A_73 = arith.constant 0 : i32
          %dma_wait3A_74 = tpu.memref_slice %arg11[%dma_wait3A_72, %dma_wait3A_73] : memref<10240x128xf32, #tpu.memory_space<vmem_shared>> -> memref<10240x128xf32, #tpu.memory_space<vmem_shared>>
          tpu.wait_indirect_dma semaphore(%run_scoped3A_62 : memref<!tpu.dma_semaphore, #tpu.memory_space<semaphore_mem>>) src(%arg9 : memref<128x128xf32, #tpu.memory_space<vmem>>) dst(%dma_wait3A_74 : memref<10240x128xf32, #tpu.memory_space<vmem_shared>>)
          tpu.yield
        }) : () -> ()
        %dma_wait3A_54 = arith.constant 39 : i32
        %dma_wait3A_55 = arith.constant 0 : i32
        %dma_wait3A_56 = tpu.memref_slice %arg7[%dma_wait3A_54, %dma_wait3A_55] : memref<40x128xi32, #tpu.memory_space<vmem>> -> memref<1x128xi32, #tpu.memory_space<vmem>>
        %dma_wait3A_57 = tpu.memref_squeeze %dma_wait3A_56 : memref<1x128xi32, #tpu.memory_space<vmem>> -> memref<128xi32, #tpu.memory_space<vmem>>
        %dma_wait3A_58 = arith.constant 0 : i32
        %dma_wait3A_59 = arith.constant 0 : i32
        %dma_wait3A_60 = tpu.memref_slice %arg2[%dma_wait3A_58, %dma_wait3A_59] : memref<10240x128xf32, #tpu.memory_space<hbm>> -> memref<10240x128xf32, #tpu.memory_space<hbm>>
        tpu.wait_indirect_dma semaphore(%arg13 : memref<!tpu.dma_semaphore, #tpu.memory_space<semaphore_mem>>) src(%dma_wait3A_60 : memref<10240x128xf32, #tpu.memory_space<hbm>>) dst(%arg10 : memref<128x128xf32, #tpu.memory_space<vmem>>)
        %run_scoped3A_61 = arith.constant 39 : i32
        "tpu.region"() ({
          %run_scoped3A_62 = tpu.sem_alloc : memref<!tpu.dma_semaphore, #tpu.memory_space<semaphore_mem>>
          %dma_start3A_63 = arith.constant 0 : i32
          %dma_start3A_64 = tpu.memref_slice %arg8[%run_scoped3A_61, %dma_start3A_63] : memref<40x128xi32, #tpu.memory_space<vmem>> -> memref<1x128xi32, #tpu.memory_space<vmem>>
          %dma_start3A_65 = tpu.memref_squeeze %dma_start3A_64 : memref<1x128xi32, #tpu.memory_space<vmem>> -> memref<128xi32, #tpu.memory_space<vmem>>
          %dma_start3A_66 = arith.constant 0 : i32
          %dma_start3A_67 = arith.constant 0 : i32
          %dma_start3A_68 = tpu.memref_slice %arg11[%dma_start3A_66, %dma_start3A_67] : memref<10240x128xf32, #tpu.memory_space<vmem_shared>> -> memref<10240x128xf32, #tpu.memory_space<vmem_shared>>
          tpu.enqueue_indirect_dma source(%arg10 : memref<128x128xf32, #tpu.memory_space<vmem>>) target(%dma_start3A_68 : memref<10240x128xf32, #tpu.memory_space<vmem_shared>>) offsets(%dma_start3A_65 : memref<128xi32, #tpu.memory_space<vmem>>) semaphore(%run_scoped3A_62 : memref<!tpu.dma_semaphore, #tpu.memory_space<semaphore_mem>>) {add = true}
          %dma_wait3A_69 = arith.constant 0 : i32
          %dma_wait3A_70 = tpu.memref_slice %arg8[%run_scoped3A_61, %dma_wait3A_69] : memref<40x128xi32, #tpu.memory_space<vmem>> -> memref<1x128xi32, #tpu.memory_space<vmem>>
          %dma_wait3A_71 = tpu.memref_squeeze %dma_wait3A_70 : memref<1x128xi32, #tpu.memory_space<vmem>> -> memref<128xi32, #tpu.memory_space<vmem>>
          %dma_wait3A_72 = arith.constant 0 : i32
          %dma_wait3A_73 = arith.constant 0 : i32
          %dma_wait3A_74 = tpu.memref_slice %arg11[%dma_wait3A_72, %dma_wait3A_73] : memref<10240x128xf32, #tpu.memory_space<vmem_shared>> -> memref<10240x128xf32, #tpu.memory_space<vmem_shared>>
          tpu.wait_indirect_dma semaphore(%run_scoped3A_62 : memref<!tpu.dma_semaphore, #tpu.memory_space<semaphore_mem>>) src(%arg10 : memref<128x128xf32, #tpu.memory_space<vmem>>) dst(%dma_wait3A_74 : memref<10240x128xf32, #tpu.memory_space<vmem_shared>>)
          tpu.yield
        }) : () -> ()
      }
      %scan3A_19 = arith.constant 2 : i32
    } else {
    }
    %eq3A = arith.constant 31 : i32
    %eq3A_7 = arith.cmpi eq, %add3A, %eq3A : i32
    %convert_element_type3A_8 = arith.extui %eq3A_7 : i1 to i32
    %cond3A_9 = arith.constant 0 : i32
    %cond3A_10 = arith.cmpi ne, %convert_element_type3A_8, %cond3A_9 : i32
    scf.if %cond3A_10 {
      %run_scoped3A = arith.constant 0 : i32
      "tpu.region"() ({
        %run_scoped3A_49 = tpu.sem_alloc : memref<!tpu.dma_semaphore, #tpu.memory_space<semaphore_mem>>
        %dma_start3A_50 = arith.constant 0 : i32
        %dma_start3A_51 = arith.constant 0 : i32
        %dma_start3A_52 = tpu.memref_slice %arg7[%dma_start3A_50, %dma_start3A_51] : memref<40x128xi32, #tpu.memory_space<vmem>> -> memref<20x128xi32, #tpu.memory_space<vmem>>
        %dma_start3A_53 = arith.constant 0 : i32
        %dma_start3A_54 = arith.constant 0 : i32
        %dma_start3A_55 = tpu.memref_slice %arg4[%run_scoped3A, %dma_start3A_53, %dma_start3A_54] : memref<2x20x128xi32, #tpu.memory_space<hbm>> -> memref<1x20x128xi32, #tpu.memory_space<hbm>>
        %dma_start3A_56 = tpu.memref_squeeze %dma_start3A_55 : memref<1x20x128xi32, #tpu.memory_space<hbm>> -> memref<20x128xi32, #tpu.memory_space<hbm>>
        %dma_start3A_57 = arith.constant 0 : i32
        %dma_start3A_58 = arith.constant 0 : i32
        %dma_start3A_59 = tpu.memref_slice %arg7[%dma_start3A_57, %dma_start3A_58] : memref<40x128xi32, #tpu.memory_space<vmem>> -> memref<20x128xi32, #tpu.memory_space<vmem>>
        %dma_start3A_60 = arith.constant 0 : i32
        %dma_start3A_61 = arith.constant 0 : i32
        %dma_start3A_62 = tpu.memref_slice %arg4[%run_scoped3A, %dma_start3A_60, %dma_start3A_61] : memref<2x20x128xi32, #tpu.memory_space<hbm>> -> memref<1x20x128xi32, #tpu.memory_space<hbm>>
        %dma_start3A_63 = tpu.memref_squeeze %dma_start3A_62 : memref<1x20x128xi32, #tpu.memory_space<hbm>> -> memref<20x128xi32, #tpu.memory_space<hbm>>
        tpu.enqueue_dma source(%dma_start3A_63 : memref<20x128xi32, #tpu.memory_space<hbm>>) target(%dma_start3A_59 : memref<20x128xi32, #tpu.memory_space<vmem>>) target_semaphore(%run_scoped3A_49 : memref<!tpu.dma_semaphore, #tpu.memory_space<semaphore_mem>>)
        %dma_wait3A_64 = arith.constant 0 : i32
        %dma_wait3A_65 = arith.constant 0 : i32
        %dma_wait3A_66 = tpu.memref_slice %arg7[%dma_wait3A_64, %dma_wait3A_65] : memref<40x128xi32, #tpu.memory_space<vmem>> -> memref<20x128xi32, #tpu.memory_space<vmem>>
        %dma_wait3A_67 = arith.constant 0 : i32
        %dma_wait3A_68 = arith.constant 0 : i32
        %dma_wait3A_69 = tpu.memref_slice %arg4[%run_scoped3A, %dma_wait3A_67, %dma_wait3A_68] : memref<2x20x128xi32, #tpu.memory_space<hbm>> -> memref<1x20x128xi32, #tpu.memory_space<hbm>>
        %dma_wait3A_70 = tpu.memref_squeeze %dma_wait3A_69 : memref<1x20x128xi32, #tpu.memory_space<hbm>> -> memref<20x128xi32, #tpu.memory_space<hbm>>
        %dma_wait3A_71 = arith.constant 0 : i32
        %dma_wait3A_72 = arith.constant 0 : i32
        %dma_wait3A_73 = tpu.memref_slice %arg7[%dma_wait3A_71, %dma_wait3A_72] : memref<40x128xi32, #tpu.memory_space<vmem>> -> memref<20x128xi32, #tpu.memory_space<vmem>>
        %dma_wait3A_74 = arith.constant 0 : i32
        %dma_wait3A_75 = arith.constant 0 : i32
        %dma_wait3A_76 = tpu.memref_slice %arg4[%run_scoped3A, %dma_wait3A_74, %dma_wait3A_75] : memref<2x20x128xi32, #tpu.memory_space<hbm>> -> memref<1x20x128xi32, #tpu.memory_space<hbm>>
        %dma_wait3A_77 = tpu.memref_squeeze %dma_wait3A_76 : memref<1x20x128xi32, #tpu.memory_space<hbm>> -> memref<20x128xi32, #tpu.memory_space<hbm>>
        tpu.wait_dma2 semaphore(%run_scoped3A_49 : memref<!tpu.dma_semaphore, #tpu.memory_space<semaphore_mem>>) src(%dma_wait3A_77 : memref<20x128xi32, #tpu.memory_space<hbm>>) dst(%dma_wait3A_73 : memref<20x128xi32, #tpu.memory_space<vmem>>)
        tpu.yield
      }) : () -> ()
      %run_scoped3A_16 = arith.constant 1 : i32
      "tpu.region"() ({
        %run_scoped3A_49 = tpu.sem_alloc : memref<!tpu.dma_semaphore, #tpu.memory_space<semaphore_mem>>
        %dma_start3A_50 = arith.constant 0 : i32
        %dma_start3A_51 = arith.constant 0 : i32
        %dma_start3A_52 = tpu.memref_slice %arg8[%dma_start3A_50, %dma_start3A_51] : memref<40x128xi32, #tpu.memory_space<vmem>> -> memref<20x128xi32, #tpu.memory_space<vmem>>
        %dma_start3A_53 = arith.constant 0 : i32
        %dma_start3A_54 = arith.constant 0 : i32
        %dma_start3A_55 = tpu.memref_slice %arg4[%run_scoped3A_16, %dma_start3A_53, %dma_start3A_54] : memref<2x20x128xi32, #tpu.memory_space<hbm>> -> memref<1x20x128xi32, #tpu.memory_space<hbm>>
        %dma_start3A_56 = tpu.memref_squeeze %dma_start3A_55 : memref<1x20x128xi32, #tpu.memory_space<hbm>> -> memref<20x128xi32, #tpu.memory_space<hbm>>
        %dma_start3A_57 = arith.constant 0 : i32
        %dma_start3A_58 = arith.constant 0 : i32
        %dma_start3A_59 = tpu.memref_slice %arg8[%dma_start3A_57, %dma_start3A_58] : memref<40x128xi32, #tpu.memory_space<vmem>> -> memref<20x128xi32, #tpu.memory_space<vmem>>
        %dma_start3A_60 = arith.constant 0 : i32
        %dma_start3A_61 = arith.constant 0 : i32
        %dma_start3A_62 = tpu.memref_slice %arg4[%run_scoped3A_16, %dma_start3A_60, %dma_start3A_61] : memref<2x20x128xi32, #tpu.memory_space<hbm>> -> memref<1x20x128xi32, #tpu.memory_space<hbm>>
        %dma_start3A_63 = tpu.memref_squeeze %dma_start3A_62 : memref<1x20x128xi32, #tpu.memory_space<hbm>> -> memref<20x128xi32, #tpu.memory_space<hbm>>
        tpu.enqueue_dma source(%dma_start3A_63 : memref<20x128xi32, #tpu.memory_space<hbm>>) target(%dma_start3A_59 : memref<20x128xi32, #tpu.memory_space<vmem>>) target_semaphore(%run_scoped3A_49 : memref<!tpu.dma_semaphore, #tpu.memory_space<semaphore_mem>>)
        %dma_wait3A_64 = arith.constant 0 : i32
        %dma_wait3A_65 = arith.constant 0 : i32
        %dma_wait3A_66 = tpu.memref_slice %arg8[%dma_wait3A_64, %dma_wait3A_65] : memref<40x128xi32, #tpu.memory_space<vmem>> -> memref<20x128xi32, #tpu.memory_space<vmem>>
        %dma_wait3A_67 = arith.constant 0 : i32
        %dma_wait3A_68 = arith.constant 0 : i32
        %dma_wait3A_69 = tpu.memref_slice %arg4[%run_scoped3A_16, %dma_wait3A_67, %dma_wait3A_68] : memref<2x20x128xi32, #tpu.memory_space<hbm>> -> memref<1x20x128xi32, #tpu.memory_space<hbm>>
        %dma_wait3A_70 = tpu.memref_squeeze %dma_wait3A_69 : memref<1x20x128xi32, #tpu.memory_space<hbm>> -> memref<20x128xi32, #tpu.memory_space<hbm>>
        %dma_wait3A_71 = arith.constant 0 : i32
        %dma_wait3A_72 = arith.constant 0 : i32
        %dma_wait3A_73 = tpu.memref_slice %arg8[%dma_wait3A_71, %dma_wait3A_72] : memref<40x128xi32, #tpu.memory_space<vmem>> -> memref<20x128xi32, #tpu.memory_space<vmem>>
        %dma_wait3A_74 = arith.constant 0 : i32
        %dma_wait3A_75 = arith.constant 0 : i32
        %dma_wait3A_76 = tpu.memref_slice %arg4[%run_scoped3A_16, %dma_wait3A_74, %dma_wait3A_75] : memref<2x20x128xi32, #tpu.memory_space<hbm>> -> memref<1x20x128xi32, #tpu.memory_space<hbm>>
        %dma_wait3A_77 = tpu.memref_squeeze %dma_wait3A_76 : memref<1x20x128xi32, #tpu.memory_space<hbm>> -> memref<20x128xi32, #tpu.memory_space<hbm>>
        tpu.wait_dma2 semaphore(%run_scoped3A_49 : memref<!tpu.dma_semaphore, #tpu.memory_space<semaphore_mem>>) src(%dma_wait3A_77 : memref<20x128xi32, #tpu.memory_space<hbm>>) dst(%dma_wait3A_73 : memref<20x128xi32, #tpu.memory_space<vmem>>)
        tpu.yield
      }) : () -> ()
      %dma_start3A = arith.constant 0 : i32
      %dma_start3A_17 = arith.constant 0 : i32
      %dma_start3A_18 = tpu.memref_slice %arg7[%dma_start3A, %dma_start3A_17] : memref<40x128xi32, #tpu.memory_space<vmem>> -> memref<1x128xi32, #tpu.memory_space<vmem>>
      %dma_start3A_19 = tpu.memref_squeeze %dma_start3A_18 : memref<1x128xi32, #tpu.memory_space<vmem>> -> memref<128xi32, #tpu.memory_space<vmem>>
      %dma_start3A_20 = arith.constant 0 : i32
      %dma_start3A_21 = arith.constant 0 : i32
      %dma_start3A_22 = tpu.memref_slice %arg2[%dma_start3A_20, %dma_start3A_21] : memref<10240x128xf32, #tpu.memory_space<hbm>> -> memref<10240x128xf32, #tpu.memory_space<hbm>>
      tpu.enqueue_indirect_dma source(%dma_start3A_22 : memref<10240x128xf32, #tpu.memory_space<hbm>>) target(%arg9 : memref<128x128xf32, #tpu.memory_space<vmem>>) offsets(%dma_start3A_19 : memref<128xi32, #tpu.memory_space<vmem>>) semaphore(%arg12 : memref<!tpu.dma_semaphore, #tpu.memory_space<semaphore_mem>>)
      %scan3A = arith.constant 0 : i32
      %scan3A_23 = arith.constant 9 : i32
      %scan3A_24 = arith.addi %scan3A, %scan3A_23 : i32
      %scan3A_25 = arith.constant 1 : i32
      scf.for %scan3A_49 = %scan3A to %scan3A_24 step %scan3A_25  : i32 {
        %mul3A_50 = arith.constant 2 : i32
        %mul3A_51 = arith.muli %scan3A_49, %mul3A_50 : i32
        %add3A_52 = arith.constant 0 : i32
        %add3A_53 = arith.addi %add3A_52, %mul3A_51 : i32
        %add3A_54 = arith.constant 1 : i32
        %add3A_55 = arith.addi %add3A_53, %add3A_54 : i32
        %dma_start3A_56 = arith.constant 0 : i32
        %dma_start3A_57 = tpu.memref_slice %arg7[%add3A_55, %dma_start3A_56] : memref<40x128xi32, #tpu.memory_space<vmem>> -> memref<1x128xi32, #tpu.memory_space<vmem>>
        %dma_start3A_58 = tpu.memref_squeeze %dma_start3A_57 : memref<1x128xi32, #tpu.memory_space<vmem>> -> memref<128xi32, #tpu.memory_space<vmem>>
        %dma_start3A_59 = arith.constant 0 : i32
        %dma_start3A_60 = arith.constant 0 : i32
        %dma_start3A_61 = tpu.memref_slice %arg2[%dma_start3A_59, %dma_start3A_60] : memref<10240x128xf32, #tpu.memory_space<hbm>> -> memref<10240x128xf32, #tpu.memory_space<hbm>>
        tpu.enqueue_indirect_dma source(%dma_start3A_61 : memref<10240x128xf32, #tpu.memory_space<hbm>>) target(%arg10 : memref<128x128xf32, #tpu.memory_space<vmem>>) offsets(%dma_start3A_58 : memref<128xi32, #tpu.memory_space<vmem>>) semaphore(%arg13 : memref<!tpu.dma_semaphore, #tpu.memory_space<semaphore_mem>>)
        %dma_wait3A_62 = arith.constant 0 : i32
        %dma_wait3A_63 = tpu.memref_slice %arg7[%add3A_53, %dma_wait3A_62] : memref<40x128xi32, #tpu.memory_space<vmem>> -> memref<1x128xi32, #tpu.memory_space<vmem>>
        %dma_wait3A_64 = tpu.memref_squeeze %dma_wait3A_63 : memref<1x128xi32, #tpu.memory_space<vmem>> -> memref<128xi32, #tpu.memory_space<vmem>>
        %dma_wait3A_65 = arith.constant 0 : i32
        %dma_wait3A_66 = arith.constant 0 : i32
        %dma_wait3A_67 = tpu.memref_slice %arg2[%dma_wait3A_65, %dma_wait3A_66] : memref<10240x128xf32, #tpu.memory_space<hbm>> -> memref<10240x128xf32, #tpu.memory_space<hbm>>
        tpu.wait_indirect_dma semaphore(%arg12 : memref<!tpu.dma_semaphore, #tpu.memory_space<semaphore_mem>>) src(%dma_wait3A_67 : memref<10240x128xf32, #tpu.memory_space<hbm>>) dst(%arg9 : memref<128x128xf32, #tpu.memory_space<vmem>>)
        "tpu.region"() ({
          %run_scoped3A_86 = tpu.sem_alloc : memref<!tpu.dma_semaphore, #tpu.memory_space<semaphore_mem>>
          %dma_start3A_87 = arith.constant 0 : i32
          %dma_start3A_88 = tpu.memref_slice %arg8[%add3A_53, %dma_start3A_87] : memref<40x128xi32, #tpu.memory_space<vmem>> -> memref<1x128xi32, #tpu.memory_space<vmem>>
          %dma_start3A_89 = tpu.memref_squeeze %dma_start3A_88 : memref<1x128xi32, #tpu.memory_space<vmem>> -> memref<128xi32, #tpu.memory_space<vmem>>
          %dma_start3A_90 = arith.constant 0 : i32
          %dma_start3A_91 = arith.constant 0 : i32
          %dma_start3A_92 = tpu.memref_slice %arg11[%dma_start3A_90, %dma_start3A_91] : memref<10240x128xf32, #tpu.memory_space<vmem_shared>> -> memref<10240x128xf32, #tpu.memory_space<vmem_shared>>
          tpu.enqueue_indirect_dma source(%arg9 : memref<128x128xf32, #tpu.memory_space<vmem>>) target(%dma_start3A_92 : memref<10240x128xf32, #tpu.memory_space<vmem_shared>>) offsets(%dma_start3A_89 : memref<128xi32, #tpu.memory_space<vmem>>) semaphore(%run_scoped3A_86 : memref<!tpu.dma_semaphore, #tpu.memory_space<semaphore_mem>>) {add = true}
          %dma_wait3A_93 = arith.constant 0 : i32
          %dma_wait3A_94 = tpu.memref_slice %arg8[%add3A_53, %dma_wait3A_93] : memref<40x128xi32, #tpu.memory_space<vmem>> -> memref<1x128xi32, #tpu.memory_space<vmem>>
          %dma_wait3A_95 = tpu.memref_squeeze %dma_wait3A_94 : memref<1x128xi32, #tpu.memory_space<vmem>> -> memref<128xi32, #tpu.memory_space<vmem>>
          %dma_wait3A_96 = arith.constant 0 : i32
          %dma_wait3A_97 = arith.constant 0 : i32
          %dma_wait3A_98 = tpu.memref_slice %arg11[%dma_wait3A_96, %dma_wait3A_97] : memref<10240x128xf32, #tpu.memory_space<vmem_shared>> -> memref<10240x128xf32, #tpu.memory_space<vmem_shared>>
          tpu.wait_indirect_dma semaphore(%run_scoped3A_86 : memref<!tpu.dma_semaphore, #tpu.memory_space<semaphore_mem>>) src(%arg9 : memref<128x128xf32, #tpu.memory_space<vmem>>) dst(%dma_wait3A_98 : memref<10240x128xf32, #tpu.memory_space<vmem_shared>>)
          tpu.yield
        }) : () -> ()
        %add3A_68 = arith.constant 2 : i32
        %add3A_69 = arith.addi %add3A_53, %add3A_68 : i32
        %dma_start3A_70 = arith.constant 0 : i32
        %dma_start3A_71 = tpu.memref_slice %arg7[%add3A_69, %dma_start3A_70] : memref<40x128xi32, #tpu.memory_space<vmem>> -> memref<1x128xi32, #tpu.memory_space<vmem>>
        %dma_start3A_72 = tpu.memref_squeeze %dma_start3A_71 : memref<1x128xi32, #tpu.memory_space<vmem>> -> memref<128xi32, #tpu.memory_space<vmem>>
        %dma_start3A_73 = arith.constant 0 : i32
        %dma_start3A_74 = arith.constant 0 : i32
        %dma_start3A_75 = tpu.memref_slice %arg2[%dma_start3A_73, %dma_start3A_74] : memref<10240x128xf32, #tpu.memory_space<hbm>> -> memref<10240x128xf32, #tpu.memory_space<hbm>>
        tpu.enqueue_indirect_dma source(%dma_start3A_75 : memref<10240x128xf32, #tpu.memory_space<hbm>>) target(%arg9 : memref<128x128xf32, #tpu.memory_space<vmem>>) offsets(%dma_start3A_72 : memref<128xi32, #tpu.memory_space<vmem>>) semaphore(%arg12 : memref<!tpu.dma_semaphore, #tpu.memory_space<semaphore_mem>>)
        %add3A_76 = arith.constant 1 : i32
        %add3A_77 = arith.addi %add3A_53, %add3A_76 : i32
        %dma_wait3A_78 = arith.constant 0 : i32
        %dma_wait3A_79 = tpu.memref_slice %arg7[%add3A_77, %dma_wait3A_78] : memref<40x128xi32, #tpu.memory_space<vmem>> -> memref<1x128xi32, #tpu.memory_space<vmem>>
        %dma_wait3A_80 = tpu.memref_squeeze %dma_wait3A_79 : memref<1x128xi32, #tpu.memory_space<vmem>> -> memref<128xi32, #tpu.memory_space<vmem>>
        %dma_wait3A_81 = arith.constant 0 : i32
        %dma_wait3A_82 = arith.constant 0 : i32
        %dma_wait3A_83 = tpu.memref_slice %arg2[%dma_wait3A_81, %dma_wait3A_82] : memref<10240x128xf32, #tpu.memory_space<hbm>> -> memref<10240x128xf32, #tpu.memory_space<hbm>>
        tpu.wait_indirect_dma semaphore(%arg13 : memref<!tpu.dma_semaphore, #tpu.memory_space<semaphore_mem>>) src(%dma_wait3A_83 : memref<10240x128xf32, #tpu.memory_space<hbm>>) dst(%arg10 : memref<128x128xf32, #tpu.memory_space<vmem>>)
        %add3A_84 = arith.constant 1 : i32
        %add3A_85 = arith.addi %add3A_53, %add3A_84 : i32
        "tpu.region"() ({
          %run_scoped3A_86 = tpu.sem_alloc : memref<!tpu.dma_semaphore, #tpu.memory_space<semaphore_mem>>
          %dma_start3A_87 = arith.constant 0 : i32
          %dma_start3A_88 = tpu.memref_slice %arg8[%add3A_85, %dma_start3A_87] : memref<40x128xi32, #tpu.memory_space<vmem>> -> memref<1x128xi32, #tpu.memory_space<vmem>>
          %dma_start3A_89 = tpu.memref_squeeze %dma_start3A_88 : memref<1x128xi32, #tpu.memory_space<vmem>> -> memref<128xi32, #tpu.memory_space<vmem>>
          %dma_start3A_90 = arith.constant 0 : i32
          %dma_start3A_91 = arith.constant 0 : i32
          %dma_start3A_92 = tpu.memref_slice %arg11[%dma_start3A_90, %dma_start3A_91] : memref<10240x128xf32, #tpu.memory_space<vmem_shared>> -> memref<10240x128xf32, #tpu.memory_space<vmem_shared>>
          tpu.enqueue_indirect_dma source(%arg10 : memref<128x128xf32, #tpu.memory_space<vmem>>) target(%dma_start3A_92 : memref<10240x128xf32, #tpu.memory_space<vmem_shared>>) offsets(%dma_start3A_89 : memref<128xi32, #tpu.memory_space<vmem>>) semaphore(%run_scoped3A_86 : memref<!tpu.dma_semaphore, #tpu.memory_space<semaphore_mem>>) {add = true}
          %dma_wait3A_93 = arith.constant 0 : i32
          %dma_wait3A_94 = tpu.memref_slice %arg8[%add3A_85, %dma_wait3A_93] : memref<40x128xi32, #tpu.memory_space<vmem>> -> memref<1x128xi32, #tpu.memory_space<vmem>>
          %dma_wait3A_95 = tpu.memref_squeeze %dma_wait3A_94 : memref<1x128xi32, #tpu.memory_space<vmem>> -> memref<128xi32, #tpu.memory_space<vmem>>
          %dma_wait3A_96 = arith.constant 0 : i32
          %dma_wait3A_97 = arith.constant 0 : i32
          %dma_wait3A_98 = tpu.memref_slice %arg11[%dma_wait3A_96, %dma_wait3A_97] : memref<10240x128xf32, #tpu.memory_space<vmem_shared>> -> memref<10240x128xf32, #tpu.memory_space<vmem_shared>>
          tpu.wait_indirect_dma semaphore(%run_scoped3A_86 : memref<!tpu.dma_semaphore, #tpu.memory_space<semaphore_mem>>) src(%arg10 : memref<128x128xf32, #tpu.memory_space<vmem>>) dst(%dma_wait3A_98 : memref<10240x128xf32, #tpu.memory_space<vmem_shared>>)
          tpu.yield
        }) : () -> ()
      }
      %scan3A_26 = arith.constant 9 : i32
      %dma_start3A_27 = arith.constant 19 : i32
      %dma_start3A_28 = arith.constant 0 : i32
      %dma_start3A_29 = tpu.memref_slice %arg7[%dma_start3A_27, %dma_start3A_28] : memref<40x128xi32, #tpu.memory_space<vmem>> -> memref<1x128xi32, #tpu.memory_space<vmem>>
      %dma_start3A_30 = tpu.memref_squeeze %dma_start3A_29 : memref<1x128xi32, #tpu.memory_space<vmem>> -> memref<128xi32, #tpu.memory_space<vmem>>
      %dma_start3A_31 = arith.constant 0 : i32
      %dma_start3A_32 = arith.constant 0 : i32
      %dma_start3A_33 = tpu.memref_slice %arg2[%dma_start3A_31, %dma_start3A_32] : memref<10240x128xf32, #tpu.memory_space<hbm>> -> memref<10240x128xf32, #tpu.memory_space<hbm>>
      tpu.enqueue_indirect_dma source(%dma_start3A_33 : memref<10240x128xf32, #tpu.memory_space<hbm>>) target(%arg10 : memref<128x128xf32, #tpu.memory_space<vmem>>) offsets(%dma_start3A_30 : memref<128xi32, #tpu.memory_space<vmem>>) semaphore(%arg13 : memref<!tpu.dma_semaphore, #tpu.memory_space<semaphore_mem>>)
      %dma_wait3A = arith.constant 18 : i32
      %dma_wait3A_34 = arith.constant 0 : i32
      %dma_wait3A_35 = tpu.memref_slice %arg7[%dma_wait3A, %dma_wait3A_34] : memref<40x128xi32, #tpu.memory_space<vmem>> -> memref<1x128xi32, #tpu.memory_space<vmem>>
      %dma_wait3A_36 = tpu.memref_squeeze %dma_wait3A_35 : memref<1x128xi32, #tpu.memory_space<vmem>> -> memref<128xi32, #tpu.memory_space<vmem>>
      %dma_wait3A_37 = arith.constant 0 : i32
      %dma_wait3A_38 = arith.constant 0 : i32
      %dma_wait3A_39 = tpu.memref_slice %arg2[%dma_wait3A_37, %dma_wait3A_38] : memref<10240x128xf32, #tpu.memory_space<hbm>> -> memref<10240x128xf32, #tpu.memory_space<hbm>>
      tpu.wait_indirect_dma semaphore(%arg12 : memref<!tpu.dma_semaphore, #tpu.memory_space<semaphore_mem>>) src(%dma_wait3A_39 : memref<10240x128xf32, #tpu.memory_space<hbm>>) dst(%arg9 : memref<128x128xf32, #tpu.memory_space<vmem>>)
      %run_scoped3A_40 = arith.constant 18 : i32
      "tpu.region"() ({
        %run_scoped3A_49 = tpu.sem_alloc : memref<!tpu.dma_semaphore, #tpu.memory_space<semaphore_mem>>
        %dma_start3A_50 = arith.constant 0 : i32
        %dma_start3A_51 = tpu.memref_slice %arg8[%run_scoped3A_40, %dma_start3A_50] : memref<40x128xi32, #tpu.memory_space<vmem>> -> memref<1x128xi32, #tpu.memory_space<vmem>>
        %dma_start3A_52 = tpu.memref_squeeze %dma_start3A_51 : memref<1x128xi32, #tpu.memory_space<vmem>> -> memref<128xi32, #tpu.memory_space<vmem>>
        %dma_start3A_53 = arith.constant 0 : i32
        %dma_start3A_54 = arith.constant 0 : i32
        %dma_start3A_55 = tpu.memref_slice %arg11[%dma_start3A_53, %dma_start3A_54] : memref<10240x128xf32, #tpu.memory_space<vmem_shared>> -> memref<10240x128xf32, #tpu.memory_space<vmem_shared>>
        tpu.enqueue_indirect_dma source(%arg9 : memref<128x128xf32, #tpu.memory_space<vmem>>) target(%dma_start3A_55 : memref<10240x128xf32, #tpu.memory_space<vmem_shared>>) offsets(%dma_start3A_52 : memref<128xi32, #tpu.memory_space<vmem>>) semaphore(%run_scoped3A_49 : memref<!tpu.dma_semaphore, #tpu.memory_space<semaphore_mem>>) {add = true}
        %dma_wait3A_56 = arith.constant 0 : i32
        %dma_wait3A_57 = tpu.memref_slice %arg8[%run_scoped3A_40, %dma_wait3A_56] : memref<40x128xi32, #tpu.memory_space<vmem>> -> memref<1x128xi32, #tpu.memory_space<vmem>>
        %dma_wait3A_58 = tpu.memref_squeeze %dma_wait3A_57 : memref<1x128xi32, #tpu.memory_space<vmem>> -> memref<128xi32, #tpu.memory_space<vmem>>
        %dma_wait3A_59 = arith.constant 0 : i32
        %dma_wait3A_60 = arith.constant 0 : i32
        %dma_wait3A_61 = tpu.memref_slice %arg11[%dma_wait3A_59, %dma_wait3A_60] : memref<10240x128xf32, #tpu.memory_space<vmem_shared>> -> memref<10240x128xf32, #tpu.memory_space<vmem_shared>>
        tpu.wait_indirect_dma semaphore(%run_scoped3A_49 : memref<!tpu.dma_semaphore, #tpu.memory_space<semaphore_mem>>) src(%arg9 : memref<128x128xf32, #tpu.memory_space<vmem>>) dst(%dma_wait3A_61 : memref<10240x128xf32, #tpu.memory_space<vmem_shared>>)
        tpu.yield
      }) : () -> ()
      %dma_wait3A_41 = arith.constant 19 : i32
      %dma_wait3A_42 = arith.constant 0 : i32
      %dma_wait3A_43 = tpu.memref_slice %arg7[%dma_wait3A_41, %dma_wait3A_42] : memref<40x128xi32, #tpu.memory_space<vmem>> -> memref<1x128xi32, #tpu.memory_space<vmem>>
      %dma_wait3A_44 = tpu.memref_squeeze %dma_wait3A_43 : memref<1x128xi32, #tpu.memory_space<vmem>> -> memref<128xi32, #tpu.memory_space<vmem>>
      %dma_wait3A_45 = arith.constant 0 : i32
      %dma_wait3A_46 = arith.constant 0 : i32
      %dma_wait3A_47 = tpu.memref_slice %arg2[%dma_wait3A_45, %dma_wait3A_46] : memref<10240x128xf32, #tpu.memory_space<hbm>> -> memref<10240x128xf32, #tpu.memory_space<hbm>>
      tpu.wait_indirect_dma semaphore(%arg13 : memref<!tpu.dma_semaphore, #tpu.memory_space<semaphore_mem>>) src(%dma_wait3A_47 : memref<10240x128xf32, #tpu.memory_space<hbm>>) dst(%arg10 : memref<128x128xf32, #tpu.memory_space<vmem>>)
      %run_scoped3A_48 = arith.constant 19 : i32
      "tpu.region"() ({
        %run_scoped3A_49 = tpu.sem_alloc : memref<!tpu.dma_semaphore, #tpu.memory_space<semaphore_mem>>
        %dma_start3A_50 = arith.constant 0 : i32
        %dma_start3A_51 = tpu.memref_slice %arg8[%run_scoped3A_48, %dma_start3A_50] : memref<40x128xi32, #tpu.memory_space<vmem>> -> memref<1x128xi32, #tpu.memory_space<vmem>>
        %dma_start3A_52 = tpu.memref_squeeze %dma_start3A_51 : memref<1x128xi32, #tpu.memory_space<vmem>> -> memref<128xi32, #tpu.memory_space<vmem>>
        %dma_start3A_53 = arith.constant 0 : i32
        %dma_start3A_54 = arith.constant 0 : i32
        %dma_start3A_55 = tpu.memref_slice %arg11[%dma_start3A_53, %dma_start3A_54] : memref<10240x128xf32, #tpu.memory_space<vmem_shared>> -> memref<10240x128xf32, #tpu.memory_space<vmem_shared>>
        tpu.enqueue_indirect_dma source(%arg10 : memref<128x128xf32, #tpu.memory_space<vmem>>) target(%dma_start3A_55 : memref<10240x128xf32, #tpu.memory_space<vmem_shared>>) offsets(%dma_start3A_52 : memref<128xi32, #tpu.memory_space<vmem>>) semaphore(%run_scoped3A_49 : memref<!tpu.dma_semaphore, #tpu.memory_space<semaphore_mem>>) {add = true}
        %dma_wait3A_56 = arith.constant 0 : i32
        %dma_wait3A_57 = tpu.memref_slice %arg8[%run_scoped3A_48, %dma_wait3A_56] : memref<40x128xi32, #tpu.memory_space<vmem>> -> memref<1x128xi32, #tpu.memory_space<vmem>>
        %dma_wait3A_58 = tpu.memref_squeeze %dma_wait3A_57 : memref<1x128xi32, #tpu.memory_space<vmem>> -> memref<128xi32, #tpu.memory_space<vmem>>
        %dma_wait3A_59 = arith.constant 0 : i32
        %dma_wait3A_60 = arith.constant 0 : i32
        %dma_wait3A_61 = tpu.memref_slice %arg11[%dma_wait3A_59, %dma_wait3A_60] : memref<10240x128xf32, #tpu.memory_space<vmem_shared>> -> memref<10240x128xf32, #tpu.memory_space<vmem_shared>>
        tpu.wait_indirect_dma semaphore(%run_scoped3A_49 : memref<!tpu.dma_semaphore, #tpu.memory_space<semaphore_mem>>) src(%arg10 : memref<128x128xf32, #tpu.memory_space<vmem>>) dst(%dma_wait3A_61 : memref<10240x128xf32, #tpu.memory_space<vmem_shared>>)
        tpu.yield
      }) : () -> ()
    } else {
    }
    %barrier3A_11 = arith.constant 0 : index
    tpu.barrier barrier_id(%barrier3A_11)
    %mul3A_12 = arith.constant 640 : i32
    %mul3A_13 = arith.muli %arg1, %mul3A_12 : i32
    %mul3A_14 = arith.constant 640 : i32
    %mul3A_15 = arith.muli %arg1, %mul3A_14 : i32
    "tpu.region"() ({
      %run_scoped3A = tpu.sem_alloc : memref<!tpu.dma_semaphore, #tpu.memory_space<semaphore_mem>>
      %dma_start3A = arith.constant 0 : i32
      %dma_start3A_16 = tpu.memref_slice %arg6[%arg0, %mul3A_15, %dma_start3A] : memref<2x10240x128xf32, #tpu.memory_space<hbm>> -> memref<1x640x128xf32, #tpu.memory_space<hbm>>
      %dma_start3A_17 = tpu.memref_squeeze %dma_start3A_16 : memref<1x640x128xf32, #tpu.memory_space<hbm>> -> memref<640x128xf32, #tpu.memory_space<hbm>>
      %dma_start3A_18 = arith.constant 0 : i32
      %dma_start3A_19 = tpu.memref_slice %arg11[%mul3A_13, %dma_start3A_18] : memref<10240x128xf32, #tpu.memory_space<vmem_shared>> -> memref<640x128xf32, #tpu.memory_space<vmem_shared>>
      tpu.enqueue_dma source(%dma_start3A_19 : memref<640x128xf32, #tpu.memory_space<vmem_shared>>) target(%dma_start3A_17 : memref<640x128xf32, #tpu.memory_space<hbm>>) target_semaphore(%run_scoped3A : memref<!tpu.dma_semaphore, #tpu.memory_space<semaphore_mem>>)
      %dma_wait3A = arith.constant 0 : i32
      %dma_wait3A_20 = tpu.memref_slice %arg6[%arg0, %mul3A_15, %dma_wait3A] : memref<2x10240x128xf32, #tpu.memory_space<hbm>> -> memref<1x640x128xf32, #tpu.memory_space<hbm>>
      %dma_wait3A_21 = tpu.memref_squeeze %dma_wait3A_20 : memref<1x640x128xf32, #tpu.memory_space<hbm>> -> memref<640x128xf32, #tpu.memory_space<hbm>>
      %dma_wait3A_22 = arith.constant 0 : i32
      %dma_wait3A_23 = tpu.memref_slice %arg11[%mul3A_13, %dma_wait3A_22] : memref<10240x128xf32, #tpu.memory_space<vmem_shared>> -> memref<640x128xf32, #tpu.memory_space<vmem_shared>>
      tpu.wait_dma2 semaphore(%run_scoped3A : memref<!tpu.dma_semaphore, #tpu.memory_space<semaphore_mem>>) src(%dma_wait3A_23 : memref<640x128xf32, #tpu.memory_space<vmem_shared>>) dst(%dma_wait3A_21 : memref<640x128xf32, #tpu.memory_space<hbm>>)
      tpu.yield
    }) : () -> ()
    return
  }
}

#map = affine_map<(d0, d1) -> (0, 0, 0)>
#map1 = affine_map<(d0, d1) -> (0)>
#map2 = affine_map<(d0, d1) -> (0, 0)>
module attributes {stable_mosaic.version = 14 : i64} {
  func.func @k(%arg0: i32, %arg1: i32, %arg2: memref<2x2500x128xi32, #tpu.memory_space<hbm>>, %arg3: memref<2x20x128xi32, #tpu.memory_space<hbm>>, %arg4: memref<10240xf32, #tpu.memory_space<hbm>>, %arg5: memref<32x10240xf32, #tpu.memory_space<hbm>>, %arg6: memref<80x128xi32, #tpu.memory_space<vmem>>, %arg7: memref<10240xf32, #tpu.memory_space<vmem>>) attributes {dimension_semantics = [#tpu.dimension_semantics<core_parallel>, #tpu.dimension_semantics<subcore_parallel>], iteration_bounds = array<i64: 2, 16>, scalar_prefetch = 0 : i64, scratch_operands = 2 : i64, tpu.core_type = #tpu.core_type<sc_vector_subcore>, window_params = [{transform_indices = #map}, {transform_indices = #map}, {transform_indices = #map1}, {transform_indices = #map2}]} {
    %mul3A = arith.constant 2 : i32
    %mul3A_0 = arith.muli %arg1, %mul3A : i32
    %add3A = arith.addi %mul3A_0, %arg0 : i32
    %broadcast_in_dim3A = arith.constant 1.000000e+00 : f32
    %broadcast_in_dim3A_1 = vector.broadcast %broadcast_in_dim3A : f32 to vector<16xf32>
    "tpu.region"() ({
      %run_scoped3A = tpu.sem_alloc : memref<!tpu.dma_semaphore, #tpu.memory_space<semaphore_mem>>
      tpu.enqueue_dma source(%arg4 : memref<10240xf32, #tpu.memory_space<hbm>>) target(%arg7 : memref<10240xf32, #tpu.memory_space<vmem>>) target_semaphore(%run_scoped3A : memref<!tpu.dma_semaphore, #tpu.memory_space<semaphore_mem>>)
      tpu.wait_dma2 semaphore(%run_scoped3A : memref<!tpu.dma_semaphore, #tpu.memory_space<semaphore_mem>>) src(%arg4 : memref<10240xf32, #tpu.memory_space<hbm>>) dst(%arg7 : memref<10240xf32, #tpu.memory_space<vmem>>)
      tpu.yield
    }) : () -> ()
    %lt3A = arith.constant 31 : i32
    %lt3A_2 = arith.cmpi slt, %add3A, %lt3A : i32
    %convert_element_type3A = arith.extui %lt3A_2 : i1 to i32
    %cond3A = arith.constant 0 : i32
    %cond3A_3 = arith.cmpi ne, %convert_element_type3A, %cond3A : i32
    scf.if %cond3A_3 {
      %mul3A_8 = arith.constant 80 : i32
      %mul3A_9 = arith.muli %add3A, %mul3A_8 : i32
      %run_scoped3A = arith.constant 1 : i32
      "tpu.region"() ({
        %run_scoped3A_12 = tpu.sem_alloc : memref<!tpu.dma_semaphore, #tpu.memory_space<semaphore_mem>>
        %dma_start3A = arith.constant 0 : i32
        %dma_start3A_13 = tpu.memref_slice %arg2[%run_scoped3A, %mul3A_9, %dma_start3A] : memref<2x2500x128xi32, #tpu.memory_space<hbm>> -> memref<1x80x128xi32, #tpu.memory_space<hbm>>
        %dma_start3A_14 = tpu.memref_squeeze %dma_start3A_13 : memref<1x80x128xi32, #tpu.memory_space<hbm>> -> memref<80x128xi32, #tpu.memory_space<hbm>>
        %dma_start3A_15 = arith.constant 0 : i32
        %dma_start3A_16 = tpu.memref_slice %arg2[%run_scoped3A, %mul3A_9, %dma_start3A_15] : memref<2x2500x128xi32, #tpu.memory_space<hbm>> -> memref<1x80x128xi32, #tpu.memory_space<hbm>>
        %dma_start3A_17 = tpu.memref_squeeze %dma_start3A_16 : memref<1x80x128xi32, #tpu.memory_space<hbm>> -> memref<80x128xi32, #tpu.memory_space<hbm>>
        tpu.enqueue_dma source(%dma_start3A_17 : memref<80x128xi32, #tpu.memory_space<hbm>>) target(%arg6 : memref<80x128xi32, #tpu.memory_space<vmem>>) target_semaphore(%run_scoped3A_12 : memref<!tpu.dma_semaphore, #tpu.memory_space<semaphore_mem>>)
        %dma_wait3A = arith.constant 0 : i32
        %dma_wait3A_18 = tpu.memref_slice %arg2[%run_scoped3A, %mul3A_9, %dma_wait3A] : memref<2x2500x128xi32, #tpu.memory_space<hbm>> -> memref<1x80x128xi32, #tpu.memory_space<hbm>>
        %dma_wait3A_19 = tpu.memref_squeeze %dma_wait3A_18 : memref<1x80x128xi32, #tpu.memory_space<hbm>> -> memref<80x128xi32, #tpu.memory_space<hbm>>
        %dma_wait3A_20 = arith.constant 0 : i32
        %dma_wait3A_21 = tpu.memref_slice %arg2[%run_scoped3A, %mul3A_9, %dma_wait3A_20] : memref<2x2500x128xi32, #tpu.memory_space<hbm>> -> memref<1x80x128xi32, #tpu.memory_space<hbm>>
        %dma_wait3A_22 = tpu.memref_squeeze %dma_wait3A_21 : memref<1x80x128xi32, #tpu.memory_space<hbm>> -> memref<80x128xi32, #tpu.memory_space<hbm>>
        tpu.wait_dma2 semaphore(%run_scoped3A_12 : memref<!tpu.dma_semaphore, #tpu.memory_space<semaphore_mem>>) src(%dma_wait3A_22 : memref<80x128xi32, #tpu.memory_space<hbm>>) dst(%arg6 : memref<80x128xi32, #tpu.memory_space<vmem>>)
        tpu.yield
      }) : () -> ()
      %parallel_loop3A = arith.constant 0 : i32
      %parallel_loop3A_10 = arith.constant 80 : i32
      %parallel_loop3A_11 = arith.constant 1 : i32
      scf.for %parallel_loop3A_12 = %parallel_loop3A to %parallel_loop3A_10 step %parallel_loop3A_11  : i32 {
        %parallel_loop3A_13 = arith.index_cast %parallel_loop3A_12 : i32 to index
        %parallel_loop3A_14 = arith.constant 0 : index
        %parallel_loop3A_15 = tpu.vector_load %arg6[%parallel_loop3A_13, %parallel_loop3A_14] {strides = array<i32>} : memref<80x128xi32, #tpu.memory_space<vmem>>, vector<16xi32>,
        tpu.vector_store_idx %arg7[%parallel_loop3A_15], %broadcast_in_dim3A_1 {add = true} : memref<10240xf32, #tpu.memory_space<vmem>>[vector<16xi32>], vector<16xf32>,
        %parallel_loop3A_16 = arith.index_cast %parallel_loop3A_12 : i32 to index
        %parallel_loop3A_17 = arith.constant 16 : index
        %parallel_loop3A_18 = tpu.vector_load %arg6[%parallel_loop3A_16, %parallel_loop3A_17] {strides = array<i32>} : memref<80x128xi32, #tpu.memory_space<vmem>>, vector<16xi32>,
        tpu.vector_store_idx %arg7[%parallel_loop3A_18], %broadcast_in_dim3A_1 {add = true} : memref<10240xf32, #tpu.memory_space<vmem>>[vector<16xi32>], vector<16xf32>,
        %parallel_loop3A_19 = arith.index_cast %parallel_loop3A_12 : i32 to index
        %parallel_loop3A_20 = arith.constant 32 : index
        %parallel_loop3A_21 = tpu.vector_load %arg6[%parallel_loop3A_19, %parallel_loop3A_20] {strides = array<i32>} : memref<80x128xi32, #tpu.memory_space<vmem>>, vector<16xi32>,
        tpu.vector_store_idx %arg7[%parallel_loop3A_21], %broadcast_in_dim3A_1 {add = true} : memref<10240xf32, #tpu.memory_space<vmem>>[vector<16xi32>], vector<16xf32>,
        %parallel_loop3A_22 = arith.index_cast %parallel_loop3A_12 : i32 to index
        %parallel_loop3A_23 = arith.constant 48 : index
        %parallel_loop3A_24 = tpu.vector_load %arg6[%parallel_loop3A_22, %parallel_loop3A_23] {strides = array<i32>} : memref<80x128xi32, #tpu.memory_space<vmem>>, vector<16xi32>,
        tpu.vector_store_idx %arg7[%parallel_loop3A_24], %broadcast_in_dim3A_1 {add = true} : memref<10240xf32, #tpu.memory_space<vmem>>[vector<16xi32>], vector<16xf32>,
        %parallel_loop3A_25 = arith.index_cast %parallel_loop3A_12 : i32 to index
        %parallel_loop3A_26 = arith.constant 64 : index
        %parallel_loop3A_27 = tpu.vector_load %arg6[%parallel_loop3A_25, %parallel_loop3A_26] {strides = array<i32>} : memref<80x128xi32, #tpu.memory_space<vmem>>, vector<16xi32>,
        tpu.vector_store_idx %arg7[%parallel_loop3A_27], %broadcast_in_dim3A_1 {add = true} : memref<10240xf32, #tpu.memory_space<vmem>>[vector<16xi32>], vector<16xf32>,
        %parallel_loop3A_28 = arith.index_cast %parallel_loop3A_12 : i32 to index
        %parallel_loop3A_29 = arith.constant 80 : index
        %parallel_loop3A_30 = tpu.vector_load %arg6[%parallel_loop3A_28, %parallel_loop3A_29] {strides = array<i32>} : memref<80x128xi32, #tpu.memory_space<vmem>>, vector<16xi32>,
        tpu.vector_store_idx %arg7[%parallel_loop3A_30], %broadcast_in_dim3A_1 {add = true} : memref<10240xf32, #tpu.memory_space<vmem>>[vector<16xi32>], vector<16xf32>,
        %parallel_loop3A_31 = arith.index_cast %parallel_loop3A_12 : i32 to index
        %parallel_loop3A_32 = arith.constant 96 : index
        %parallel_loop3A_33 = tpu.vector_load %arg6[%parallel_loop3A_31, %parallel_loop3A_32] {strides = array<i32>} : memref<80x128xi32, #tpu.memory_space<vmem>>, vector<16xi32>,
        tpu.vector_store_idx %arg7[%parallel_loop3A_33], %broadcast_in_dim3A_1 {add = true} : memref<10240xf32, #tpu.memory_space<vmem>>[vector<16xi32>], vector<16xf32>,
        %parallel_loop3A_34 = arith.index_cast %parallel_loop3A_12 : i32 to index
        %parallel_loop3A_35 = arith.constant 112 : index
        %parallel_loop3A_36 = tpu.vector_load %arg6[%parallel_loop3A_34, %parallel_loop3A_35] {strides = array<i32>} : memref<80x128xi32, #tpu.memory_space<vmem>>, vector<16xi32>,
        tpu.vector_store_idx %arg7[%parallel_loop3A_36], %broadcast_in_dim3A_1 {add = true} : memref<10240xf32, #tpu.memory_space<vmem>>[vector<16xi32>], vector<16xf32>,
      } {sc.loop_unroll_factor = 2 : i64, sc.parallel_access}
    } else {
    }
    %eq3A = arith.constant 31 : i32
    %eq3A_4 = arith.cmpi eq, %add3A, %eq3A : i32
    %convert_element_type3A_5 = arith.extui %eq3A_4 : i1 to i32
    %cond3A_6 = arith.constant 0 : i32
    %cond3A_7 = arith.cmpi ne, %convert_element_type3A_5, %cond3A_6 : i32
    scf.if %cond3A_7 {
      %run_scoped3A = arith.constant 1 : i32
      "tpu.region"() ({
        %run_scoped3A_10 = tpu.sem_alloc : memref<!tpu.dma_semaphore, #tpu.memory_space<semaphore_mem>>
        %dma_start3A = arith.constant 0 : i32
        %dma_start3A_11 = arith.constant 0 : i32
        %dma_start3A_12 = tpu.memref_slice %arg6[%dma_start3A, %dma_start3A_11] : memref<80x128xi32, #tpu.memory_space<vmem>> -> memref<20x128xi32, #tpu.memory_space<vmem>>
        %dma_start3A_13 = arith.constant 0 : i32
        %dma_start3A_14 = arith.constant 0 : i32
        %dma_start3A_15 = tpu.memref_slice %arg3[%run_scoped3A, %dma_start3A_13, %dma_start3A_14] : memref<2x20x128xi32, #tpu.memory_space<hbm>> -> memref<1x20x128xi32, #tpu.memory_space<hbm>>
        %dma_start3A_16 = tpu.memref_squeeze %dma_start3A_15 : memref<1x20x128xi32, #tpu.memory_space<hbm>> -> memref<20x128xi32, #tpu.memory_space<hbm>>
        %dma_start3A_17 = arith.constant 0 : i32
        %dma_start3A_18 = arith.constant 0 : i32
        %dma_start3A_19 = tpu.memref_slice %arg6[%dma_start3A_17, %dma_start3A_18] : memref<80x128xi32, #tpu.memory_space<vmem>> -> memref<20x128xi32, #tpu.memory_space<vmem>>
        %dma_start3A_20 = arith.constant 0 : i32
        %dma_start3A_21 = arith.constant 0 : i32
        %dma_start3A_22 = tpu.memref_slice %arg3[%run_scoped3A, %dma_start3A_20, %dma_start3A_21] : memref<2x20x128xi32, #tpu.memory_space<hbm>> -> memref<1x20x128xi32, #tpu.memory_space<hbm>>
        %dma_start3A_23 = tpu.memref_squeeze %dma_start3A_22 : memref<1x20x128xi32, #tpu.memory_space<hbm>> -> memref<20x128xi32, #tpu.memory_space<hbm>>
        tpu.enqueue_dma source(%dma_start3A_23 : memref<20x128xi32, #tpu.memory_space<hbm>>) target(%dma_start3A_19 : memref<20x128xi32, #tpu.memory_space<vmem>>) target_semaphore(%run_scoped3A_10 : memref<!tpu.dma_semaphore, #tpu.memory_space<semaphore_mem>>)
        %dma_wait3A = arith.constant 0 : i32
        %dma_wait3A_24 = arith.constant 0 : i32
        %dma_wait3A_25 = tpu.memref_slice %arg6[%dma_wait3A, %dma_wait3A_24] : memref<80x128xi32, #tpu.memory_space<vmem>> -> memref<20x128xi32, #tpu.memory_space<vmem>>
        %dma_wait3A_26 = arith.constant 0 : i32
        %dma_wait3A_27 = arith.constant 0 : i32
        %dma_wait3A_28 = tpu.memref_slice %arg3[%run_scoped3A, %dma_wait3A_26, %dma_wait3A_27] : memref<2x20x128xi32, #tpu.memory_space<hbm>> -> memref<1x20x128xi32, #tpu.memory_space<hbm>>
        %dma_wait3A_29 = tpu.memref_squeeze %dma_wait3A_28 : memref<1x20x128xi32, #tpu.memory_space<hbm>> -> memref<20x128xi32, #tpu.memory_space<hbm>>
        %dma_wait3A_30 = arith.constant 0 : i32
        %dma_wait3A_31 = arith.constant 0 : i32
        %dma_wait3A_32 = tpu.memref_slice %arg6[%dma_wait3A_30, %dma_wait3A_31] : memref<80x128xi32, #tpu.memory_space<vmem>> -> memref<20x128xi32, #tpu.memory_space<vmem>>
        %dma_wait3A_33 = arith.constant 0 : i32
        %dma_wait3A_34 = arith.constant 0 : i32
        %dma_wait3A_35 = tpu.memref_slice %arg3[%run_scoped3A, %dma_wait3A_33, %dma_wait3A_34] : memref<2x20x128xi32, #tpu.memory_space<hbm>> -> memref<1x20x128xi32, #tpu.memory_space<hbm>>
        %dma_wait3A_36 = tpu.memref_squeeze %dma_wait3A_35 : memref<1x20x128xi32, #tpu.memory_space<hbm>> -> memref<20x128xi32, #tpu.memory_space<hbm>>
        tpu.wait_dma2 semaphore(%run_scoped3A_10 : memref<!tpu.dma_semaphore, #tpu.memory_space<semaphore_mem>>) src(%dma_wait3A_36 : memref<20x128xi32, #tpu.memory_space<hbm>>) dst(%dma_wait3A_32 : memref<20x128xi32, #tpu.memory_space<vmem>>)
        tpu.yield
      }) : () -> ()
      %parallel_loop3A = arith.constant 0 : i32
      %parallel_loop3A_8 = arith.constant 20 : i32
      %parallel_loop3A_9 = arith.constant 1 : i32
      scf.for %parallel_loop3A_10 = %parallel_loop3A to %parallel_loop3A_8 step %parallel_loop3A_9  : i32 {
        %parallel_loop3A_11 = arith.index_cast %parallel_loop3A_10 : i32 to index
        %parallel_loop3A_12 = arith.constant 0 : index
        %parallel_loop3A_13 = tpu.vector_load %arg6[%parallel_loop3A_11, %parallel_loop3A_12] {strides = array<i32>} : memref<80x128xi32, #tpu.memory_space<vmem>>, vector<16xi32>,
        tpu.vector_store_idx %arg7[%parallel_loop3A_13], %broadcast_in_dim3A_1 {add = true} : memref<10240xf32, #tpu.memory_space<vmem>>[vector<16xi32>], vector<16xf32>,
        %parallel_loop3A_14 = arith.index_cast %parallel_loop3A_10 : i32 to index
        %parallel_loop3A_15 = arith.constant 16 : index
        %parallel_loop3A_16 = tpu.vector_load %arg6[%parallel_loop3A_14, %parallel_loop3A_15] {strides = array<i32>} : memref<80x128xi32, #tpu.memory_space<vmem>>, vector<16xi32>,
        tpu.vector_store_idx %arg7[%parallel_loop3A_16], %broadcast_in_dim3A_1 {add = true} : memref<10240xf32, #tpu.memory_space<vmem>>[vector<16xi32>], vector<16xf32>,
        %parallel_loop3A_17 = arith.index_cast %parallel_loop3A_10 : i32 to index
        %parallel_loop3A_18 = arith.constant 32 : index
        %parallel_loop3A_19 = tpu.vector_load %arg6[%parallel_loop3A_17, %parallel_loop3A_18] {strides = array<i32>} : memref<80x128xi32, #tpu.memory_space<vmem>>, vector<16xi32>,
        tpu.vector_store_idx %arg7[%parallel_loop3A_19], %broadcast_in_dim3A_1 {add = true} : memref<10240xf32, #tpu.memory_space<vmem>>[vector<16xi32>], vector<16xf32>,
        %parallel_loop3A_20 = arith.index_cast %parallel_loop3A_10 : i32 to index
        %parallel_loop3A_21 = arith.constant 48 : index
        %parallel_loop3A_22 = tpu.vector_load %arg6[%parallel_loop3A_20, %parallel_loop3A_21] {strides = array<i32>} : memref<80x128xi32, #tpu.memory_space<vmem>>, vector<16xi32>,
        tpu.vector_store_idx %arg7[%parallel_loop3A_22], %broadcast_in_dim3A_1 {add = true} : memref<10240xf32, #tpu.memory_space<vmem>>[vector<16xi32>], vector<16xf32>,
        %parallel_loop3A_23 = arith.index_cast %parallel_loop3A_10 : i32 to index
        %parallel_loop3A_24 = arith.constant 64 : index
        %parallel_loop3A_25 = tpu.vector_load %arg6[%parallel_loop3A_23, %parallel_loop3A_24] {strides = array<i32>} : memref<80x128xi32, #tpu.memory_space<vmem>>, vector<16xi32>,
        tpu.vector_store_idx %arg7[%parallel_loop3A_25], %broadcast_in_dim3A_1 {add = true} : memref<10240xf32, #tpu.memory_space<vmem>>[vector<16xi32>], vector<16xf32>,
        %parallel_loop3A_26 = arith.index_cast %parallel_loop3A_10 : i32 to index
        %parallel_loop3A_27 = arith.constant 80 : index
        %parallel_loop3A_28 = tpu.vector_load %arg6[%parallel_loop3A_26, %parallel_loop3A_27] {strides = array<i32>} : memref<80x128xi32, #tpu.memory_space<vmem>>, vector<16xi32>,
        tpu.vector_store_idx %arg7[%parallel_loop3A_28], %broadcast_in_dim3A_1 {add = true} : memref<10240xf32, #tpu.memory_space<vmem>>[vector<16xi32>], vector<16xf32>,
        %parallel_loop3A_29 = arith.index_cast %parallel_loop3A_10 : i32 to index
        %parallel_loop3A_30 = arith.constant 96 : index
        %parallel_loop3A_31 = tpu.vector_load %arg6[%parallel_loop3A_29, %parallel_loop3A_30] {strides = array<i32>} : memref<80x128xi32, #tpu.memory_space<vmem>>, vector<16xi32>,
        tpu.vector_store_idx %arg7[%parallel_loop3A_31], %broadcast_in_dim3A_1 {add = true} : memref<10240xf32, #tpu.memory_space<vmem>>[vector<16xi32>], vector<16xf32>,
        %parallel_loop3A_32 = arith.index_cast %parallel_loop3A_10 : i32 to index
        %parallel_loop3A_33 = arith.constant 112 : index
        %parallel_loop3A_34 = tpu.vector_load %arg6[%parallel_loop3A_32, %parallel_loop3A_33] {strides = array<i32>} : memref<80x128xi32, #tpu.memory_space<vmem>>, vector<16xi32>,
        tpu.vector_store_idx %arg7[%parallel_loop3A_34], %broadcast_in_dim3A_1 {add = true} : memref<10240xf32, #tpu.memory_space<vmem>>[vector<16xi32>], vector<16xf32>,
      } {sc.loop_unroll_factor = 2 : i64, sc.parallel_access}
    } else {
    }
    "tpu.region"() ({
      %run_scoped3A = tpu.sem_alloc : memref<!tpu.dma_semaphore, #tpu.memory_space<semaphore_mem>>
      %dma_start3A = arith.constant 0 : i32
      %dma_start3A_8 = tpu.memref_slice %arg5[%add3A, %dma_start3A] : memref<32x10240xf32, #tpu.memory_space<hbm>> -> memref<1x10240xf32, #tpu.memory_space<hbm>>
      %dma_start3A_9 = tpu.memref_squeeze %dma_start3A_8 : memref<1x10240xf32, #tpu.memory_space<hbm>> -> memref<10240xf32, #tpu.memory_space<hbm>>
      %dma_start3A_10 = arith.constant 0 : i32
      %dma_start3A_11 = tpu.memref_slice %arg5[%add3A, %dma_start3A_10] : memref<32x10240xf32, #tpu.memory_space<hbm>> -> memref<1x10240xf32, #tpu.memory_space<hbm>>
      %dma_start3A_12 = tpu.memref_squeeze %dma_start3A_11 : memref<1x10240xf32, #tpu.memory_space<hbm>> -> memref<10240xf32, #tpu.memory_space<hbm>>
      tpu.enqueue_dma source(%arg7 : memref<10240xf32, #tpu.memory_space<vmem>>) target(%dma_start3A_12 : memref<10240xf32, #tpu.memory_space<hbm>>) target_semaphore(%run_scoped3A : memref<!tpu.dma_semaphore, #tpu.memory_space<semaphore_mem>>)
      %dma_wait3A = arith.constant 0 : i32
      %dma_wait3A_13 = tpu.memref_slice %arg5[%add3A, %dma_wait3A] : memref<32x10240xf32, #tpu.memory_space<hbm>> -> memref<1x10240xf32, #tpu.memory_space<hbm>>
      %dma_wait3A_14 = tpu.memref_squeeze %dma_wait3A_13 : memref<1x10240xf32, #tpu.memory_space<hbm>> -> memref<10240xf32, #tpu.memory_space<hbm>>
      %dma_wait3A_15 = arith.constant 0 : i32
      %dma_wait3A_16 = tpu.memref_slice %arg5[%add3A, %dma_wait3A_15] : memref<32x10240xf32, #tpu.memory_space<hbm>> -> memref<1x10240xf32, #tpu.memory_space<hbm>>
      %dma_wait3A_17 = tpu.memref_squeeze %dma_wait3A_16 : memref<1x10240xf32, #tpu.memory_space<hbm>> -> memref<10240xf32, #tpu.memory_space<hbm>>
      tpu.wait_dma2 semaphore(%run_scoped3A : memref<!tpu.dma_semaphore, #tpu.memory_space<semaphore_mem>>) src(%arg7 : memref<10240xf32, #tpu.memory_space<vmem>>) dst(%dma_wait3A_17 : memref<10240xf32, #tpu.memory_space<hbm>>)
      tpu.yield
    }) : () -> ()
    return
  }
}

#map = affine_map<(d0, d1) -> (0, 0)>
#map1 = affine_map<(d0, d1) -> (0, 0, 0)>
module attributes {stable_mosaic.version = 14 : i64} {
  func.func @k(%arg0: i32, %arg1: i32, %arg2: memref<10240x128xf32, #tpu.memory_space<hbm>>, %arg3: memref<2x2500x128xi32, #tpu.memory_space<hbm>>, %arg4: memref<2x20x128xi32, #tpu.memory_space<hbm>>, %arg5: memref<640x128xf32, #tpu.memory_space<hbm>>, %arg6: memref<2x10240x128xf32, #tpu.memory_space<hbm>>, %arg7: memref<40x128xi32, #tpu.memory_space<vmem>>, %arg8: memref<40x128xi32, #tpu.memory_space<vmem>>, %arg9: memref<128x128xf32, #tpu.memory_space<vmem>>, %arg10: memref<128x128xf32, #tpu.memory_space<vmem>>, %arg11: memref<10240x128xf32, #tpu.memory_space<vmem_shared>>, %arg12: memref<!tpu.dma_semaphore, #tpu.memory_space<semaphore_mem>>, %arg13: memref<!tpu.dma_semaphore, #tpu.memory_space<semaphore_mem>>, %arg14: memref<!tpu.dma_semaphore, #tpu.memory_space<semaphore_mem>>, %arg15: memref<!tpu.dma_semaphore, #tpu.memory_space<semaphore_mem>>) attributes {dimension_semantics = [#tpu.dimension_semantics<core_parallel>, #tpu.dimension_semantics<subcore_parallel>], iteration_bounds = array<i64: 2, 16>, scalar_prefetch = 0 : i64, scratch_operands = 9 : i64, tpu.core_type = #tpu.core_type<sc_vector_subcore>, window_params = [{transform_indices = #map}, {transform_indices = #map1}, {transform_indices = #map1}, {transform_indices = #map}, {transform_indices = #map1}]} {
    %mul3A = arith.constant 2 : i32
    %mul3A_0 = arith.muli %arg1, %mul3A : i32
    %add3A = arith.addi %mul3A_0, %arg0 : i32
    %mul3A_1 = arith.constant 80 : i32
    %mul3A_2 = arith.muli %add3A, %mul3A_1 : i32
    %mul3A_3 = arith.constant 640 : i32
    %mul3A_4 = arith.muli %arg1, %mul3A_3 : i32
    "tpu.region"() ({
      %run_scoped3A = tpu.sem_alloc : memref<!tpu.dma_semaphore, #tpu.memory_space<semaphore_mem>>
      %dma_start3A = arith.constant 0 : i32
      %dma_start3A_16 = tpu.memref_slice %arg11[%mul3A_4, %dma_start3A] : memref<10240x128xf32, #tpu.memory_space<vmem_shared>> -> memref<640x128xf32, #tpu.memory_space<vmem_shared>>
      tpu.enqueue_dma source(%arg5 : memref<640x128xf32, #tpu.memory_space<hbm>>) target(%dma_start3A_16 : memref<640x128xf32, #tpu.memory_space<vmem_shared>>) target_semaphore(%run_scoped3A : memref<!tpu.dma_semaphore, #tpu.memory_space<semaphore_mem>>)
      %dma_wait3A = arith.constant 0 : i32
      %dma_wait3A_17 = tpu.memref_slice %arg11[%mul3A_4, %dma_wait3A] : memref<10240x128xf32, #tpu.memory_space<vmem_shared>> -> memref<640x128xf32, #tpu.memory_space<vmem_shared>>
      tpu.wait_dma2 semaphore(%run_scoped3A : memref<!tpu.dma_semaphore, #tpu.memory_space<semaphore_mem>>) src(%arg5 : memref<640x128xf32, #tpu.memory_space<hbm>>) dst(%dma_wait3A_17 : memref<640x128xf32, #tpu.memory_space<vmem_shared>>)
      tpu.yield
    }) : () -> ()
    %barrier3A = arith.constant 0 : index
    tpu.barrier barrier_id(%barrier3A)
    %lt3A = arith.constant 31 : i32
    %lt3A_5 = arith.cmpi slt, %add3A, %lt3A : i32
    %convert_element_type3A = arith.extui %lt3A_5 : i1 to i32
    %cond3A = arith.constant 0 : i32
    %cond3A_6 = arith.cmpi ne, %convert_element_type3A, %cond3A : i32
    scf.if %cond3A_6 {
      %scan3A = arith.constant 0 : i32
      %scan3A_16 = arith.constant 2 : i32
      %scan3A_17 = arith.addi %scan3A, %scan3A_16 : i32
      %scan3A_18 = arith.constant 1 : i32
      scf.for %scan3A_20 = %scan3A to %scan3A_17 step %scan3A_18  : i32 {
        %mul3A_21 = arith.constant 1 : i32
        %mul3A_22 = arith.muli %scan3A_20, %mul3A_21 : i32
        %add3A_23 = arith.constant 0 : i32
        %add3A_24 = arith.addi %add3A_23, %mul3A_22 : i32
        %mul3A_25 = arith.constant 40 : i32
        %mul3A_26 = arith.muli %add3A_24, %mul3A_25 : i32
        %add3A_27 = arith.addi %mul3A_2, %mul3A_26 : i32
        %run_scoped3A = arith.constant 0 : i32
        "tpu.region"() ({
          %run_scoped3A_62 = tpu.sem_alloc : memref<!tpu.dma_semaphore, #tpu.memory_space<semaphore_mem>>
          %dma_start3A_63 = arith.constant 0 : i32
          %dma_start3A_64 = tpu.memref_slice %arg3[%run_scoped3A, %add3A_27, %dma_start3A_63] : memref<2x2500x128xi32, #tpu.memory_space<hbm>> -> memref<1x40x128xi32, #tpu.memory_space<hbm>>
          %dma_start3A_65 = tpu.memref_squeeze %dma_start3A_64 : memref<1x40x128xi32, #tpu.memory_space<hbm>> -> memref<40x128xi32, #tpu.memory_space<hbm>>
          %dma_start3A_66 = arith.constant 0 : i32
          %dma_start3A_67 = tpu.memref_slice %arg3[%run_scoped3A, %add3A_27, %dma_start3A_66] : memref<2x2500x128xi32, #tpu.memory_space<hbm>> -> memref<1x40x128xi32, #tpu.memory_space<hbm>>
          %dma_start3A_68 = tpu.memref_squeeze %dma_start3A_67 : memref<1x40x128xi32, #tpu.memory_space<hbm>> -> memref<40x128xi32, #tpu.memory_space<hbm>>
          tpu.enqueue_dma source(%dma_start3A_68 : memref<40x128xi32, #tpu.memory_space<hbm>>) target(%arg7 : memref<40x128xi32, #tpu.memory_space<vmem>>) target_semaphore(%run_scoped3A_62 : memref<!tpu.dma_semaphore, #tpu.memory_space<semaphore_mem>>)
          %dma_wait3A_69 = arith.constant 0 : i32
          %dma_wait3A_70 = tpu.memref_slice %arg3[%run_scoped3A, %add3A_27, %dma_wait3A_69] : memref<2x2500x128xi32, #tpu.memory_space<hbm>> -> memref<1x40x128xi32, #tpu.memory_space<hbm>>
          %dma_wait3A_71 = tpu.memref_squeeze %dma_wait3A_70 : memref<1x40x128xi32, #tpu.memory_space<hbm>> -> memref<40x128xi32, #tpu.memory_space<hbm>>
          %dma_wait3A_72 = arith.constant 0 : i32
          %dma_wait3A_73 = tpu.memref_slice %arg3[%run_scoped3A, %add3A_27, %dma_wait3A_72] : memref<2x2500x128xi32, #tpu.memory_space<hbm>> -> memref<1x40x128xi32, #tpu.memory_space<hbm>>
          %dma_wait3A_74 = tpu.memref_squeeze %dma_wait3A_73 : memref<1x40x128xi32, #tpu.memory_space<hbm>> -> memref<40x128xi32, #tpu.memory_space<hbm>>
          tpu.wait_dma2 semaphore(%run_scoped3A_62 : memref<!tpu.dma_semaphore, #tpu.memory_space<semaphore_mem>>) src(%dma_wait3A_74 : memref<40x128xi32, #tpu.memory_space<hbm>>) dst(%arg7 : memref<40x128xi32, #tpu.memory_space<vmem>>)
          tpu.yield
        }) : () -> ()
        %run_scoped3A_28 = arith.constant 1 : i32
        "tpu.region"() ({
          %run_scoped3A_62 = tpu.sem_alloc : memref<!tpu.dma_semaphore, #tpu.memory_space<semaphore_mem>>
          %dma_start3A_63 = arith.constant 0 : i32
          %dma_start3A_64 = tpu.memref_slice %arg3[%run_scoped3A_28, %add3A_27, %dma_start3A_63] : memref<2x2500x128xi32, #tpu.memory_space<hbm>> -> memref<1x40x128xi32, #tpu.memory_space<hbm>>
          %dma_start3A_65 = tpu.memref_squeeze %dma_start3A_64 : memref<1x40x128xi32, #tpu.memory_space<hbm>> -> memref<40x128xi32, #tpu.memory_space<hbm>>
          %dma_start3A_66 = arith.constant 0 : i32
          %dma_start3A_67 = tpu.memref_slice %arg3[%run_scoped3A_28, %add3A_27, %dma_start3A_66] : memref<2x2500x128xi32, #tpu.memory_space<hbm>> -> memref<1x40x128xi32, #tpu.memory_space<hbm>>
          %dma_start3A_68 = tpu.memref_squeeze %dma_start3A_67 : memref<1x40x128xi32, #tpu.memory_space<hbm>> -> memref<40x128xi32, #tpu.memory_space<hbm>>
          tpu.enqueue_dma source(%dma_start3A_68 : memref<40x128xi32, #tpu.memory_space<hbm>>) target(%arg8 : memref<40x128xi32, #tpu.memory_space<vmem>>) target_semaphore(%run_scoped3A_62 : memref<!tpu.dma_semaphore, #tpu.memory_space<semaphore_mem>>)
          %dma_wait3A_69 = arith.constant 0 : i32
          %dma_wait3A_70 = tpu.memref_slice %arg3[%run_scoped3A_28, %add3A_27, %dma_wait3A_69] : memref<2x2500x128xi32, #tpu.memory_space<hbm>> -> memref<1x40x128xi32, #tpu.memory_space<hbm>>
          %dma_wait3A_71 = tpu.memref_squeeze %dma_wait3A_70 : memref<1x40x128xi32, #tpu.memory_space<hbm>> -> memref<40x128xi32, #tpu.memory_space<hbm>>
          %dma_wait3A_72 = arith.constant 0 : i32
          %dma_wait3A_73 = tpu.memref_slice %arg3[%run_scoped3A_28, %add3A_27, %dma_wait3A_72] : memref<2x2500x128xi32, #tpu.memory_space<hbm>> -> memref<1x40x128xi32, #tpu.memory_space<hbm>>
          %dma_wait3A_74 = tpu.memref_squeeze %dma_wait3A_73 : memref<1x40x128xi32, #tpu.memory_space<hbm>> -> memref<40x128xi32, #tpu.memory_space<hbm>>
          tpu.wait_dma2 semaphore(%run_scoped3A_62 : memref<!tpu.dma_semaphore, #tpu.memory_space<semaphore_mem>>) src(%dma_wait3A_74 : memref<40x128xi32, #tpu.memory_space<hbm>>) dst(%arg8 : memref<40x128xi32, #tpu.memory_space<vmem>>)
          tpu.yield
        }) : () -> ()
        %dma_start3A = arith.constant 0 : i32
        %dma_start3A_29 = arith.constant 0 : i32
        %dma_start3A_30 = tpu.memref_slice %arg7[%dma_start3A, %dma_start3A_29] : memref<40x128xi32, #tpu.memory_space<vmem>> -> memref<1x128xi32, #tpu.memory_space<vmem>>
        %dma_start3A_31 = tpu.memref_squeeze %dma_start3A_30 : memref<1x128xi32, #tpu.memory_space<vmem>> -> memref<128xi32, #tpu.memory_space<vmem>>
        %dma_start3A_32 = arith.constant 0 : i32
        %dma_start3A_33 = arith.constant 0 : i32
        %dma_start3A_34 = tpu.memref_slice %arg2[%dma_start3A_32, %dma_start3A_33] : memref<10240x128xf32, #tpu.memory_space<hbm>> -> memref<10240x128xf32, #tpu.memory_space<hbm>>
        tpu.enqueue_indirect_dma source(%dma_start3A_34 : memref<10240x128xf32, #tpu.memory_space<hbm>>) target(%arg9 : memref<128x128xf32, #tpu.memory_space<vmem>>) offsets(%dma_start3A_31 : memref<128xi32, #tpu.memory_space<vmem>>) semaphore(%arg12 : memref<!tpu.dma_semaphore, #tpu.memory_space<semaphore_mem>>)
        %scan3A_35 = arith.constant 0 : i32
        %scan3A_36 = arith.constant 19 : i32
        %scan3A_37 = arith.addi %scan3A_35, %scan3A_36 : i32
        %scan3A_38 = arith.constant 1 : i32
        scf.for %scan3A_62 = %scan3A_35 to %scan3A_37 step %scan3A_38  : i32 {
          %mul3A_63 = arith.constant 2 : i32
          %mul3A_64 = arith.muli %scan3A_62, %mul3A_63 : i32
          %add3A_65 = arith.constant 0 : i32
          %add3A_66 = arith.addi %add3A_65, %mul3A_64 : i32
          %add3A_67 = arith.constant 1 : i32
          %add3A_68 = arith.addi %add3A_66, %add3A_67 : i32
          %dma_start3A_69 = arith.constant 0 : i32
          %dma_start3A_70 = tpu.memref_slice %arg7[%add3A_68, %dma_start3A_69] : memref<40x128xi32, #tpu.memory_space<vmem>> -> memref<1x128xi32, #tpu.memory_space<vmem>>
          %dma_start3A_71 = tpu.memref_squeeze %dma_start3A_70 : memref<1x128xi32, #tpu.memory_space<vmem>> -> memref<128xi32, #tpu.memory_space<vmem>>
          %dma_start3A_72 = arith.constant 0 : i32
          %dma_start3A_73 = arith.constant 0 : i32
          %dma_start3A_74 = tpu.memref_slice %arg2[%dma_start3A_72, %dma_start3A_73] : memref<10240x128xf32, #tpu.memory_space<hbm>> -> memref<10240x128xf32, #tpu.memory_space<hbm>>
          tpu.enqueue_indirect_dma source(%dma_start3A_74 : memref<10240x128xf32, #tpu.memory_space<hbm>>) target(%arg10 : memref<128x128xf32, #tpu.memory_space<vmem>>) offsets(%dma_start3A_71 : memref<128xi32, #tpu.memory_space<vmem>>) semaphore(%arg13 : memref<!tpu.dma_semaphore, #tpu.memory_space<semaphore_mem>>)
          %dma_wait3A_75 = arith.constant 0 : i32
          %dma_wait3A_76 = tpu.memref_slice %arg7[%add3A_66, %dma_wait3A_75] : memref<40x128xi32, #tpu.memory_space<vmem>> -> memref<1x128xi32, #tpu.memory_space<vmem>>
          %dma_wait3A_77 = tpu.memref_squeeze %dma_wait3A_76 : memref<1x128xi32, #tpu.memory_space<vmem>> -> memref<128xi32, #tpu.memory_space<vmem>>
          %dma_wait3A_78 = arith.constant 0 : i32
          %dma_wait3A_79 = arith.constant 0 : i32
          %dma_wait3A_80 = tpu.memref_slice %arg2[%dma_wait3A_78, %dma_wait3A_79] : memref<10240x128xf32, #tpu.memory_space<hbm>> -> memref<10240x128xf32, #tpu.memory_space<hbm>>
          tpu.wait_indirect_dma semaphore(%arg12 : memref<!tpu.dma_semaphore, #tpu.memory_space<semaphore_mem>>) src(%dma_wait3A_80 : memref<10240x128xf32, #tpu.memory_space<hbm>>) dst(%arg9 : memref<128x128xf32, #tpu.memory_space<vmem>>)
          "tpu.region"() ({
            %run_scoped3A_99 = tpu.sem_alloc : memref<!tpu.dma_semaphore, #tpu.memory_space<semaphore_mem>>
            %dma_start3A_100 = arith.constant 0 : i32
            %dma_start3A_101 = tpu.memref_slice %arg8[%add3A_66, %dma_start3A_100] : memref<40x128xi32, #tpu.memory_space<vmem>> -> memref<1x128xi32, #tpu.memory_space<vmem>>
            %dma_start3A_102 = tpu.memref_squeeze %dma_start3A_101 : memref<1x128xi32, #tpu.memory_space<vmem>> -> memref<128xi32, #tpu.memory_space<vmem>>
            %dma_start3A_103 = arith.constant 0 : i32
            %dma_start3A_104 = arith.constant 0 : i32
            %dma_start3A_105 = tpu.memref_slice %arg11[%dma_start3A_103, %dma_start3A_104] : memref<10240x128xf32, #tpu.memory_space<vmem_shared>> -> memref<10240x128xf32, #tpu.memory_space<vmem_shared>>
            tpu.enqueue_indirect_dma source(%arg9 : memref<128x128xf32, #tpu.memory_space<vmem>>) target(%dma_start3A_105 : memref<10240x128xf32, #tpu.memory_space<vmem_shared>>) offsets(%dma_start3A_102 : memref<128xi32, #tpu.memory_space<vmem>>) semaphore(%run_scoped3A_99 : memref<!tpu.dma_semaphore, #tpu.memory_space<semaphore_mem>>) {add = true}
            %dma_wait3A_106 = arith.constant 0 : i32
            %dma_wait3A_107 = tpu.memref_slice %arg8[%add3A_66, %dma_wait3A_106] : memref<40x128xi32, #tpu.memory_space<vmem>> -> memref<1x128xi32, #tpu.memory_space<vmem>>
            %dma_wait3A_108 = tpu.memref_squeeze %dma_wait3A_107 : memref<1x128xi32, #tpu.memory_space<vmem>> -> memref<128xi32, #tpu.memory_space<vmem>>
            %dma_wait3A_109 = arith.constant 0 : i32
            %dma_wait3A_110 = arith.constant 0 : i32
            %dma_wait3A_111 = tpu.memref_slice %arg11[%dma_wait3A_109, %dma_wait3A_110] : memref<10240x128xf32, #tpu.memory_space<vmem_shared>> -> memref<10240x128xf32, #tpu.memory_space<vmem_shared>>
            tpu.wait_indirect_dma semaphore(%run_scoped3A_99 : memref<!tpu.dma_semaphore, #tpu.memory_space<semaphore_mem>>) src(%arg9 : memref<128x128xf32, #tpu.memory_space<vmem>>) dst(%dma_wait3A_111 : memref<10240x128xf32, #tpu.memory_space<vmem_shared>>)
            tpu.yield
          }) : () -> ()
          %add3A_81 = arith.constant 2 : i32
          %add3A_82 = arith.addi %add3A_66, %add3A_81 : i32
          %dma_start3A_83 = arith.constant 0 : i32
          %dma_start3A_84 = tpu.memref_slice %arg7[%add3A_82, %dma_start3A_83] : memref<40x128xi32, #tpu.memory_space<vmem>> -> memref<1x128xi32, #tpu.memory_space<vmem>>
          %dma_start3A_85 = tpu.memref_squeeze %dma_start3A_84 : memref<1x128xi32, #tpu.memory_space<vmem>> -> memref<128xi32, #tpu.memory_space<vmem>>
          %dma_start3A_86 = arith.constant 0 : i32
          %dma_start3A_87 = arith.constant 0 : i32
          %dma_start3A_88 = tpu.memref_slice %arg2[%dma_start3A_86, %dma_start3A_87] : memref<10240x128xf32, #tpu.memory_space<hbm>> -> memref<10240x128xf32, #tpu.memory_space<hbm>>
          tpu.enqueue_indirect_dma source(%dma_start3A_88 : memref<10240x128xf32, #tpu.memory_space<hbm>>) target(%arg9 : memref<128x128xf32, #tpu.memory_space<vmem>>) offsets(%dma_start3A_85 : memref<128xi32, #tpu.memory_space<vmem>>) semaphore(%arg12 : memref<!tpu.dma_semaphore, #tpu.memory_space<semaphore_mem>>)
          %add3A_89 = arith.constant 1 : i32
          %add3A_90 = arith.addi %add3A_66, %add3A_89 : i32
          %dma_wait3A_91 = arith.constant 0 : i32
          %dma_wait3A_92 = tpu.memref_slice %arg7[%add3A_90, %dma_wait3A_91] : memref<40x128xi32, #tpu.memory_space<vmem>> -> memref<1x128xi32, #tpu.memory_space<vmem>>
          %dma_wait3A_93 = tpu.memref_squeeze %dma_wait3A_92 : memref<1x128xi32, #tpu.memory_space<vmem>> -> memref<128xi32, #tpu.memory_space<vmem>>
          %dma_wait3A_94 = arith.constant 0 : i32
          %dma_wait3A_95 = arith.constant 0 : i32
          %dma_wait3A_96 = tpu.memref_slice %arg2[%dma_wait3A_94, %dma_wait3A_95] : memref<10240x128xf32, #tpu.memory_space<hbm>> -> memref<10240x128xf32, #tpu.memory_space<hbm>>
          tpu.wait_indirect_dma semaphore(%arg13 : memref<!tpu.dma_semaphore, #tpu.memory_space<semaphore_mem>>) src(%dma_wait3A_96 : memref<10240x128xf32, #tpu.memory_space<hbm>>) dst(%arg10 : memref<128x128xf32, #tpu.memory_space<vmem>>)
          %add3A_97 = arith.constant 1 : i32
          %add3A_98 = arith.addi %add3A_66, %add3A_97 : i32
          "tpu.region"() ({
            %run_scoped3A_99 = tpu.sem_alloc : memref<!tpu.dma_semaphore, #tpu.memory_space<semaphore_mem>>
            %dma_start3A_100 = arith.constant 0 : i32
            %dma_start3A_101 = tpu.memref_slice %arg8[%add3A_98, %dma_start3A_100] : memref<40x128xi32, #tpu.memory_space<vmem>> -> memref<1x128xi32, #tpu.memory_space<vmem>>
            %dma_start3A_102 = tpu.memref_squeeze %dma_start3A_101 : memref<1x128xi32, #tpu.memory_space<vmem>> -> memref<128xi32, #tpu.memory_space<vmem>>
            %dma_start3A_103 = arith.constant 0 : i32
            %dma_start3A_104 = arith.constant 0 : i32
            %dma_start3A_105 = tpu.memref_slice %arg11[%dma_start3A_103, %dma_start3A_104] : memref<10240x128xf32, #tpu.memory_space<vmem_shared>> -> memref<10240x128xf32, #tpu.memory_space<vmem_shared>>
            tpu.enqueue_indirect_dma source(%arg10 : memref<128x128xf32, #tpu.memory_space<vmem>>) target(%dma_start3A_105 : memref<10240x128xf32, #tpu.memory_space<vmem_shared>>) offsets(%dma_start3A_102 : memref<128xi32, #tpu.memory_space<vmem>>) semaphore(%run_scoped3A_99 : memref<!tpu.dma_semaphore, #tpu.memory_space<semaphore_mem>>) {add = true}
            %dma_wait3A_106 = arith.constant 0 : i32
            %dma_wait3A_107 = tpu.memref_slice %arg8[%add3A_98, %dma_wait3A_106] : memref<40x128xi32, #tpu.memory_space<vmem>> -> memref<1x128xi32, #tpu.memory_space<vmem>>
            %dma_wait3A_108 = tpu.memref_squeeze %dma_wait3A_107 : memref<1x128xi32, #tpu.memory_space<vmem>> -> memref<128xi32, #tpu.memory_space<vmem>>
            %dma_wait3A_109 = arith.constant 0 : i32
            %dma_wait3A_110 = arith.constant 0 : i32
            %dma_wait3A_111 = tpu.memref_slice %arg11[%dma_wait3A_109, %dma_wait3A_110] : memref<10240x128xf32, #tpu.memory_space<vmem_shared>> -> memref<10240x128xf32, #tpu.memory_space<vmem_shared>>
            tpu.wait_indirect_dma semaphore(%run_scoped3A_99 : memref<!tpu.dma_semaphore, #tpu.memory_space<semaphore_mem>>) src(%arg10 : memref<128x128xf32, #tpu.memory_space<vmem>>) dst(%dma_wait3A_111 : memref<10240x128xf32, #tpu.memory_space<vmem_shared>>)
            tpu.yield
          }) : () -> ()
        }
        %scan3A_39 = arith.constant 19 : i32
        %dma_start3A_40 = arith.constant 39 : i32
        %dma_start3A_41 = arith.constant 0 : i32
        %dma_start3A_42 = tpu.memref_slice %arg7[%dma_start3A_40, %dma_start3A_41] : memref<40x128xi32, #tpu.memory_space<vmem>> -> memref<1x128xi32, #tpu.memory_space<vmem>>
        %dma_start3A_43 = tpu.memref_squeeze %dma_start3A_42 : memref<1x128xi32, #tpu.memory_space<vmem>> -> memref<128xi32, #tpu.memory_space<vmem>>
        %dma_start3A_44 = arith.constant 0 : i32
        %dma_start3A_45 = arith.constant 0 : i32
        %dma_start3A_46 = tpu.memref_slice %arg2[%dma_start3A_44, %dma_start3A_45] : memref<10240x128xf32, #tpu.memory_space<hbm>> -> memref<10240x128xf32, #tpu.memory_space<hbm>>
        tpu.enqueue_indirect_dma source(%dma_start3A_46 : memref<10240x128xf32, #tpu.memory_space<hbm>>) target(%arg10 : memref<128x128xf32, #tpu.memory_space<vmem>>) offsets(%dma_start3A_43 : memref<128xi32, #tpu.memory_space<vmem>>) semaphore(%arg13 : memref<!tpu.dma_semaphore, #tpu.memory_space<semaphore_mem>>)
        %dma_wait3A = arith.constant 38 : i32
        %dma_wait3A_47 = arith.constant 0 : i32
        %dma_wait3A_48 = tpu.memref_slice %arg7[%dma_wait3A, %dma_wait3A_47] : memref<40x128xi32, #tpu.memory_space<vmem>> -> memref<1x128xi32, #tpu.memory_space<vmem>>
        %dma_wait3A_49 = tpu.memref_squeeze %dma_wait3A_48 : memref<1x128xi32, #tpu.memory_space<vmem>> -> memref<128xi32, #tpu.memory_space<vmem>>
        %dma_wait3A_50 = arith.constant 0 : i32
        %dma_wait3A_51 = arith.constant 0 : i32
        %dma_wait3A_52 = tpu.memref_slice %arg2[%dma_wait3A_50, %dma_wait3A_51] : memref<10240x128xf32, #tpu.memory_space<hbm>> -> memref<10240x128xf32, #tpu.memory_space<hbm>>
        tpu.wait_indirect_dma semaphore(%arg12 : memref<!tpu.dma_semaphore, #tpu.memory_space<semaphore_mem>>) src(%dma_wait3A_52 : memref<10240x128xf32, #tpu.memory_space<hbm>>) dst(%arg9 : memref<128x128xf32, #tpu.memory_space<vmem>>)
        %run_scoped3A_53 = arith.constant 38 : i32
        "tpu.region"() ({
          %run_scoped3A_62 = tpu.sem_alloc : memref<!tpu.dma_semaphore, #tpu.memory_space<semaphore_mem>>
          %dma_start3A_63 = arith.constant 0 : i32
          %dma_start3A_64 = tpu.memref_slice %arg8[%run_scoped3A_53, %dma_start3A_63] : memref<40x128xi32, #tpu.memory_space<vmem>> -> memref<1x128xi32, #tpu.memory_space<vmem>>
          %dma_start3A_65 = tpu.memref_squeeze %dma_start3A_64 : memref<1x128xi32, #tpu.memory_space<vmem>> -> memref<128xi32, #tpu.memory_space<vmem>>
          %dma_start3A_66 = arith.constant 0 : i32
          %dma_start3A_67 = arith.constant 0 : i32
          %dma_start3A_68 = tpu.memref_slice %arg11[%dma_start3A_66, %dma_start3A_67] : memref<10240x128xf32, #tpu.memory_space<vmem_shared>> -> memref<10240x128xf32, #tpu.memory_space<vmem_shared>>
          tpu.enqueue_indirect_dma source(%arg9 : memref<128x128xf32, #tpu.memory_space<vmem>>) target(%dma_start3A_68 : memref<10240x128xf32, #tpu.memory_space<vmem_shared>>) offsets(%dma_start3A_65 : memref<128xi32, #tpu.memory_space<vmem>>) semaphore(%run_scoped3A_62 : memref<!tpu.dma_semaphore, #tpu.memory_space<semaphore_mem>>) {add = true}
          %dma_wait3A_69 = arith.constant 0 : i32
          %dma_wait3A_70 = tpu.memref_slice %arg8[%run_scoped3A_53, %dma_wait3A_69] : memref<40x128xi32, #tpu.memory_space<vmem>> -> memref<1x128xi32, #tpu.memory_space<vmem>>
          %dma_wait3A_71 = tpu.memref_squeeze %dma_wait3A_70 : memref<1x128xi32, #tpu.memory_space<vmem>> -> memref<128xi32, #tpu.memory_space<vmem>>
          %dma_wait3A_72 = arith.constant 0 : i32
          %dma_wait3A_73 = arith.constant 0 : i32
          %dma_wait3A_74 = tpu.memref_slice %arg11[%dma_wait3A_72, %dma_wait3A_73] : memref<10240x128xf32, #tpu.memory_space<vmem_shared>> -> memref<10240x128xf32, #tpu.memory_space<vmem_shared>>
          tpu.wait_indirect_dma semaphore(%run_scoped3A_62 : memref<!tpu.dma_semaphore, #tpu.memory_space<semaphore_mem>>) src(%arg9 : memref<128x128xf32, #tpu.memory_space<vmem>>) dst(%dma_wait3A_74 : memref<10240x128xf32, #tpu.memory_space<vmem_shared>>)
          tpu.yield
        }) : () -> ()
        %dma_wait3A_54 = arith.constant 39 : i32
        %dma_wait3A_55 = arith.constant 0 : i32
        %dma_wait3A_56 = tpu.memref_slice %arg7[%dma_wait3A_54, %dma_wait3A_55] : memref<40x128xi32, #tpu.memory_space<vmem>> -> memref<1x128xi32, #tpu.memory_space<vmem>>
        %dma_wait3A_57 = tpu.memref_squeeze %dma_wait3A_56 : memref<1x128xi32, #tpu.memory_space<vmem>> -> memref<128xi32, #tpu.memory_space<vmem>>
        %dma_wait3A_58 = arith.constant 0 : i32
        %dma_wait3A_59 = arith.constant 0 : i32
        %dma_wait3A_60 = tpu.memref_slice %arg2[%dma_wait3A_58, %dma_wait3A_59] : memref<10240x128xf32, #tpu.memory_space<hbm>> -> memref<10240x128xf32, #tpu.memory_space<hbm>>
        tpu.wait_indirect_dma semaphore(%arg13 : memref<!tpu.dma_semaphore, #tpu.memory_space<semaphore_mem>>) src(%dma_wait3A_60 : memref<10240x128xf32, #tpu.memory_space<hbm>>) dst(%arg10 : memref<128x128xf32, #tpu.memory_space<vmem>>)
        %run_scoped3A_61 = arith.constant 39 : i32
        "tpu.region"() ({
          %run_scoped3A_62 = tpu.sem_alloc : memref<!tpu.dma_semaphore, #tpu.memory_space<semaphore_mem>>
          %dma_start3A_63 = arith.constant 0 : i32
          %dma_start3A_64 = tpu.memref_slice %arg8[%run_scoped3A_61, %dma_start3A_63] : memref<40x128xi32, #tpu.memory_space<vmem>> -> memref<1x128xi32, #tpu.memory_space<vmem>>
          %dma_start3A_65 = tpu.memref_squeeze %dma_start3A_64 : memref<1x128xi32, #tpu.memory_space<vmem>> -> memref<128xi32, #tpu.memory_space<vmem>>
          %dma_start3A_66 = arith.constant 0 : i32
          %dma_start3A_67 = arith.constant 0 : i32
          %dma_start3A_68 = tpu.memref_slice %arg11[%dma_start3A_66, %dma_start3A_67] : memref<10240x128xf32, #tpu.memory_space<vmem_shared>> -> memref<10240x128xf32, #tpu.memory_space<vmem_shared>>
          tpu.enqueue_indirect_dma source(%arg10 : memref<128x128xf32, #tpu.memory_space<vmem>>) target(%dma_start3A_68 : memref<10240x128xf32, #tpu.memory_space<vmem_shared>>) offsets(%dma_start3A_65 : memref<128xi32, #tpu.memory_space<vmem>>) semaphore(%run_scoped3A_62 : memref<!tpu.dma_semaphore, #tpu.memory_space<semaphore_mem>>) {add = true}
          %dma_wait3A_69 = arith.constant 0 : i32
          %dma_wait3A_70 = tpu.memref_slice %arg8[%run_scoped3A_61, %dma_wait3A_69] : memref<40x128xi32, #tpu.memory_space<vmem>> -> memref<1x128xi32, #tpu.memory_space<vmem>>
          %dma_wait3A_71 = tpu.memref_squeeze %dma_wait3A_70 : memref<1x128xi32, #tpu.memory_space<vmem>> -> memref<128xi32, #tpu.memory_space<vmem>>
          %dma_wait3A_72 = arith.constant 0 : i32
          %dma_wait3A_73 = arith.constant 0 : i32
          %dma_wait3A_74 = tpu.memref_slice %arg11[%dma_wait3A_72, %dma_wait3A_73] : memref<10240x128xf32, #tpu.memory_space<vmem_shared>> -> memref<10240x128xf32, #tpu.memory_space<vmem_shared>>
          tpu.wait_indirect_dma semaphore(%run_scoped3A_62 : memref<!tpu.dma_semaphore, #tpu.memory_space<semaphore_mem>>) src(%arg10 : memref<128x128xf32, #tpu.memory_space<vmem>>) dst(%dma_wait3A_74 : memref<10240x128xf32, #tpu.memory_space<vmem_shared>>)
          tpu.yield
        }) : () -> ()
      }
      %scan3A_19 = arith.constant 2 : i32
    } else {
    }
    %eq3A = arith.constant 31 : i32
    %eq3A_7 = arith.cmpi eq, %add3A, %eq3A : i32
    %convert_element_type3A_8 = arith.extui %eq3A_7 : i1 to i32
    %cond3A_9 = arith.constant 0 : i32
    %cond3A_10 = arith.cmpi ne, %convert_element_type3A_8, %cond3A_9 : i32
    scf.if %cond3A_10 {
      %run_scoped3A = arith.constant 0 : i32
      "tpu.region"() ({
        %run_scoped3A_49 = tpu.sem_alloc : memref<!tpu.dma_semaphore, #tpu.memory_space<semaphore_mem>>
        %dma_start3A_50 = arith.constant 0 : i32
        %dma_start3A_51 = arith.constant 0 : i32
        %dma_start3A_52 = tpu.memref_slice %arg7[%dma_start3A_50, %dma_start3A_51] : memref<40x128xi32, #tpu.memory_space<vmem>> -> memref<20x128xi32, #tpu.memory_space<vmem>>
        %dma_start3A_53 = arith.constant 0 : i32
        %dma_start3A_54 = arith.constant 0 : i32
        %dma_start3A_55 = tpu.memref_slice %arg4[%run_scoped3A, %dma_start3A_53, %dma_start3A_54] : memref<2x20x128xi32, #tpu.memory_space<hbm>> -> memref<1x20x128xi32, #tpu.memory_space<hbm>>
        %dma_start3A_56 = tpu.memref_squeeze %dma_start3A_55 : memref<1x20x128xi32, #tpu.memory_space<hbm>> -> memref<20x128xi32, #tpu.memory_space<hbm>>
        %dma_start3A_57 = arith.constant 0 : i32
        %dma_start3A_58 = arith.constant 0 : i32
        %dma_start3A_59 = tpu.memref_slice %arg7[%dma_start3A_57, %dma_start3A_58] : memref<40x128xi32, #tpu.memory_space<vmem>> -> memref<20x128xi32, #tpu.memory_space<vmem>>
        %dma_start3A_60 = arith.constant 0 : i32
        %dma_start3A_61 = arith.constant 0 : i32
        %dma_start3A_62 = tpu.memref_slice %arg4[%run_scoped3A, %dma_start3A_60, %dma_start3A_61] : memref<2x20x128xi32, #tpu.memory_space<hbm>> -> memref<1x20x128xi32, #tpu.memory_space<hbm>>
        %dma_start3A_63 = tpu.memref_squeeze %dma_start3A_62 : memref<1x20x128xi32, #tpu.memory_space<hbm>> -> memref<20x128xi32, #tpu.memory_space<hbm>>
        tpu.enqueue_dma source(%dma_start3A_63 : memref<20x128xi32, #tpu.memory_space<hbm>>) target(%dma_start3A_59 : memref<20x128xi32, #tpu.memory_space<vmem>>) target_semaphore(%run_scoped3A_49 : memref<!tpu.dma_semaphore, #tpu.memory_space<semaphore_mem>>)
        %dma_wait3A_64 = arith.constant 0 : i32
        %dma_wait3A_65 = arith.constant 0 : i32
        %dma_wait3A_66 = tpu.memref_slice %arg7[%dma_wait3A_64, %dma_wait3A_65] : memref<40x128xi32, #tpu.memory_space<vmem>> -> memref<20x128xi32, #tpu.memory_space<vmem>>
        %dma_wait3A_67 = arith.constant 0 : i32
        %dma_wait3A_68 = arith.constant 0 : i32
        %dma_wait3A_69 = tpu.memref_slice %arg4[%run_scoped3A, %dma_wait3A_67, %dma_wait3A_68] : memref<2x20x128xi32, #tpu.memory_space<hbm>> -> memref<1x20x128xi32, #tpu.memory_space<hbm>>
        %dma_wait3A_70 = tpu.memref_squeeze %dma_wait3A_69 : memref<1x20x128xi32, #tpu.memory_space<hbm>> -> memref<20x128xi32, #tpu.memory_space<hbm>>
        %dma_wait3A_71 = arith.constant 0 : i32
        %dma_wait3A_72 = arith.constant 0 : i32
        %dma_wait3A_73 = tpu.memref_slice %arg7[%dma_wait3A_71, %dma_wait3A_72] : memref<40x128xi32, #tpu.memory_space<vmem>> -> memref<20x128xi32, #tpu.memory_space<vmem>>
        %dma_wait3A_74 = arith.constant 0 : i32
        %dma_wait3A_75 = arith.constant 0 : i32
        %dma_wait3A_76 = tpu.memref_slice %arg4[%run_scoped3A, %dma_wait3A_74, %dma_wait3A_75] : memref<2x20x128xi32, #tpu.memory_space<hbm>> -> memref<1x20x128xi32, #tpu.memory_space<hbm>>
        %dma_wait3A_77 = tpu.memref_squeeze %dma_wait3A_76 : memref<1x20x128xi32, #tpu.memory_space<hbm>> -> memref<20x128xi32, #tpu.memory_space<hbm>>
        tpu.wait_dma2 semaphore(%run_scoped3A_49 : memref<!tpu.dma_semaphore, #tpu.memory_space<semaphore_mem>>) src(%dma_wait3A_77 : memref<20x128xi32, #tpu.memory_space<hbm>>) dst(%dma_wait3A_73 : memref<20x128xi32, #tpu.memory_space<vmem>>)
        tpu.yield
      }) : () -> ()
      %run_scoped3A_16 = arith.constant 1 : i32
      "tpu.region"() ({
        %run_scoped3A_49 = tpu.sem_alloc : memref<!tpu.dma_semaphore, #tpu.memory_space<semaphore_mem>>
        %dma_start3A_50 = arith.constant 0 : i32
        %dma_start3A_51 = arith.constant 0 : i32
        %dma_start3A_52 = tpu.memref_slice %arg8[%dma_start3A_50, %dma_start3A_51] : memref<40x128xi32, #tpu.memory_space<vmem>> -> memref<20x128xi32, #tpu.memory_space<vmem>>
        %dma_start3A_53 = arith.constant 0 : i32
        %dma_start3A_54 = arith.constant 0 : i32
        %dma_start3A_55 = tpu.memref_slice %arg4[%run_scoped3A_16, %dma_start3A_53, %dma_start3A_54] : memref<2x20x128xi32, #tpu.memory_space<hbm>> -> memref<1x20x128xi32, #tpu.memory_space<hbm>>
        %dma_start3A_56 = tpu.memref_squeeze %dma_start3A_55 : memref<1x20x128xi32, #tpu.memory_space<hbm>> -> memref<20x128xi32, #tpu.memory_space<hbm>>
        %dma_start3A_57 = arith.constant 0 : i32
        %dma_start3A_58 = arith.constant 0 : i32
        %dma_start3A_59 = tpu.memref_slice %arg8[%dma_start3A_57, %dma_start3A_58] : memref<40x128xi32, #tpu.memory_space<vmem>> -> memref<20x128xi32, #tpu.memory_space<vmem>>
        %dma_start3A_60 = arith.constant 0 : i32
        %dma_start3A_61 = arith.constant 0 : i32
        %dma_start3A_62 = tpu.memref_slice %arg4[%run_scoped3A_16, %dma_start3A_60, %dma_start3A_61] : memref<2x20x128xi32, #tpu.memory_space<hbm>> -> memref<1x20x128xi32, #tpu.memory_space<hbm>>
        %dma_start3A_63 = tpu.memref_squeeze %dma_start3A_62 : memref<1x20x128xi32, #tpu.memory_space<hbm>> -> memref<20x128xi32, #tpu.memory_space<hbm>>
        tpu.enqueue_dma source(%dma_start3A_63 : memref<20x128xi32, #tpu.memory_space<hbm>>) target(%dma_start3A_59 : memref<20x128xi32, #tpu.memory_space<vmem>>) target_semaphore(%run_scoped3A_49 : memref<!tpu.dma_semaphore, #tpu.memory_space<semaphore_mem>>)
        %dma_wait3A_64 = arith.constant 0 : i32
        %dma_wait3A_65 = arith.constant 0 : i32
        %dma_wait3A_66 = tpu.memref_slice %arg8[%dma_wait3A_64, %dma_wait3A_65] : memref<40x128xi32, #tpu.memory_space<vmem>> -> memref<20x128xi32, #tpu.memory_space<vmem>>
        %dma_wait3A_67 = arith.constant 0 : i32
        %dma_wait3A_68 = arith.constant 0 : i32
        %dma_wait3A_69 = tpu.memref_slice %arg4[%run_scoped3A_16, %dma_wait3A_67, %dma_wait3A_68] : memref<2x20x128xi32, #tpu.memory_space<hbm>> -> memref<1x20x128xi32, #tpu.memory_space<hbm>>
        %dma_wait3A_70 = tpu.memref_squeeze %dma_wait3A_69 : memref<1x20x128xi32, #tpu.memory_space<hbm>> -> memref<20x128xi32, #tpu.memory_space<hbm>>
        %dma_wait3A_71 = arith.constant 0 : i32
        %dma_wait3A_72 = arith.constant 0 : i32
        %dma_wait3A_73 = tpu.memref_slice %arg8[%dma_wait3A_71, %dma_wait3A_72] : memref<40x128xi32, #tpu.memory_space<vmem>> -> memref<20x128xi32, #tpu.memory_space<vmem>>
        %dma_wait3A_74 = arith.constant 0 : i32
        %dma_wait3A_75 = arith.constant 0 : i32
        %dma_wait3A_76 = tpu.memref_slice %arg4[%run_scoped3A_16, %dma_wait3A_74, %dma_wait3A_75] : memref<2x20x128xi32, #tpu.memory_space<hbm>> -> memref<1x20x128xi32, #tpu.memory_space<hbm>>
        %dma_wait3A_77 = tpu.memref_squeeze %dma_wait3A_76 : memref<1x20x128xi32, #tpu.memory_space<hbm>> -> memref<20x128xi32, #tpu.memory_space<hbm>>
        tpu.wait_dma2 semaphore(%run_scoped3A_49 : memref<!tpu.dma_semaphore, #tpu.memory_space<semaphore_mem>>) src(%dma_wait3A_77 : memref<20x128xi32, #tpu.memory_space<hbm>>) dst(%dma_wait3A_73 : memref<20x128xi32, #tpu.memory_space<vmem>>)
        tpu.yield
      }) : () -> ()
      %dma_start3A = arith.constant 0 : i32
      %dma_start3A_17 = arith.constant 0 : i32
      %dma_start3A_18 = tpu.memref_slice %arg7[%dma_start3A, %dma_start3A_17] : memref<40x128xi32, #tpu.memory_space<vmem>> -> memref<1x128xi32, #tpu.memory_space<vmem>>
      %dma_start3A_19 = tpu.memref_squeeze %dma_start3A_18 : memref<1x128xi32, #tpu.memory_space<vmem>> -> memref<128xi32, #tpu.memory_space<vmem>>
      %dma_start3A_20 = arith.constant 0 : i32
      %dma_start3A_21 = arith.constant 0 : i32
      %dma_start3A_22 = tpu.memref_slice %arg2[%dma_start3A_20, %dma_start3A_21] : memref<10240x128xf32, #tpu.memory_space<hbm>> -> memref<10240x128xf32, #tpu.memory_space<hbm>>
      tpu.enqueue_indirect_dma source(%dma_start3A_22 : memref<10240x128xf32, #tpu.memory_space<hbm>>) target(%arg9 : memref<128x128xf32, #tpu.memory_space<vmem>>) offsets(%dma_start3A_19 : memref<128xi32, #tpu.memory_space<vmem>>) semaphore(%arg12 : memref<!tpu.dma_semaphore, #tpu.memory_space<semaphore_mem>>)
      %scan3A = arith.constant 0 : i32
      %scan3A_23 = arith.constant 9 : i32
      %scan3A_24 = arith.addi %scan3A, %scan3A_23 : i32
      %scan3A_25 = arith.constant 1 : i32
      scf.for %scan3A_49 = %scan3A to %scan3A_24 step %scan3A_25  : i32 {
        %mul3A_50 = arith.constant 2 : i32
        %mul3A_51 = arith.muli %scan3A_49, %mul3A_50 : i32
        %add3A_52 = arith.constant 0 : i32
        %add3A_53 = arith.addi %add3A_52, %mul3A_51 : i32
        %add3A_54 = arith.constant 1 : i32
        %add3A_55 = arith.addi %add3A_53, %add3A_54 : i32
        %dma_start3A_56 = arith.constant 0 : i32
        %dma_start3A_57 = tpu.memref_slice %arg7[%add3A_55, %dma_start3A_56] : memref<40x128xi32, #tpu.memory_space<vmem>> -> memref<1x128xi32, #tpu.memory_space<vmem>>
        %dma_start3A_58 = tpu.memref_squeeze %dma_start3A_57 : memref<1x128xi32, #tpu.memory_space<vmem>> -> memref<128xi32, #tpu.memory_space<vmem>>
        %dma_start3A_59 = arith.constant 0 : i32
        %dma_start3A_60 = arith.constant 0 : i32
        %dma_start3A_61 = tpu.memref_slice %arg2[%dma_start3A_59, %dma_start3A_60] : memref<10240x128xf32, #tpu.memory_space<hbm>> -> memref<10240x128xf32, #tpu.memory_space<hbm>>
        tpu.enqueue_indirect_dma source(%dma_start3A_61 : memref<10240x128xf32, #tpu.memory_space<hbm>>) target(%arg10 : memref<128x128xf32, #tpu.memory_space<vmem>>) offsets(%dma_start3A_58 : memref<128xi32, #tpu.memory_space<vmem>>) semaphore(%arg13 : memref<!tpu.dma_semaphore, #tpu.memory_space<semaphore_mem>>)
        %dma_wait3A_62 = arith.constant 0 : i32
        %dma_wait3A_63 = tpu.memref_slice %arg7[%add3A_53, %dma_wait3A_62] : memref<40x128xi32, #tpu.memory_space<vmem>> -> memref<1x128xi32, #tpu.memory_space<vmem>>
        %dma_wait3A_64 = tpu.memref_squeeze %dma_wait3A_63 : memref<1x128xi32, #tpu.memory_space<vmem>> -> memref<128xi32, #tpu.memory_space<vmem>>
        %dma_wait3A_65 = arith.constant 0 : i32
        %dma_wait3A_66 = arith.constant 0 : i32
        %dma_wait3A_67 = tpu.memref_slice %arg2[%dma_wait3A_65, %dma_wait3A_66] : memref<10240x128xf32, #tpu.memory_space<hbm>> -> memref<10240x128xf32, #tpu.memory_space<hbm>>
        tpu.wait_indirect_dma semaphore(%arg12 : memref<!tpu.dma_semaphore, #tpu.memory_space<semaphore_mem>>) src(%dma_wait3A_67 : memref<10240x128xf32, #tpu.memory_space<hbm>>) dst(%arg9 : memref<128x128xf32, #tpu.memory_space<vmem>>)
        "tpu.region"() ({
          %run_scoped3A_86 = tpu.sem_alloc : memref<!tpu.dma_semaphore, #tpu.memory_space<semaphore_mem>>
          %dma_start3A_87 = arith.constant 0 : i32
          %dma_start3A_88 = tpu.memref_slice %arg8[%add3A_53, %dma_start3A_87] : memref<40x128xi32, #tpu.memory_space<vmem>> -> memref<1x128xi32, #tpu.memory_space<vmem>>
          %dma_start3A_89 = tpu.memref_squeeze %dma_start3A_88 : memref<1x128xi32, #tpu.memory_space<vmem>> -> memref<128xi32, #tpu.memory_space<vmem>>
          %dma_start3A_90 = arith.constant 0 : i32
          %dma_start3A_91 = arith.constant 0 : i32
          %dma_start3A_92 = tpu.memref_slice %arg11[%dma_start3A_90, %dma_start3A_91] : memref<10240x128xf32, #tpu.memory_space<vmem_shared>> -> memref<10240x128xf32, #tpu.memory_space<vmem_shared>>
          tpu.enqueue_indirect_dma source(%arg9 : memref<128x128xf32, #tpu.memory_space<vmem>>) target(%dma_start3A_92 : memref<10240x128xf32, #tpu.memory_space<vmem_shared>>) offsets(%dma_start3A_89 : memref<128xi32, #tpu.memory_space<vmem>>) semaphore(%run_scoped3A_86 : memref<!tpu.dma_semaphore, #tpu.memory_space<semaphore_mem>>) {add = true}
          %dma_wait3A_93 = arith.constant 0 : i32
          %dma_wait3A_94 = tpu.memref_slice %arg8[%add3A_53, %dma_wait3A_93] : memref<40x128xi32, #tpu.memory_space<vmem>> -> memref<1x128xi32, #tpu.memory_space<vmem>>
          %dma_wait3A_95 = tpu.memref_squeeze %dma_wait3A_94 : memref<1x128xi32, #tpu.memory_space<vmem>> -> memref<128xi32, #tpu.memory_space<vmem>>
          %dma_wait3A_96 = arith.constant 0 : i32
          %dma_wait3A_97 = arith.constant 0 : i32
          %dma_wait3A_98 = tpu.memref_slice %arg11[%dma_wait3A_96, %dma_wait3A_97] : memref<10240x128xf32, #tpu.memory_space<vmem_shared>> -> memref<10240x128xf32, #tpu.memory_space<vmem_shared>>
          tpu.wait_indirect_dma semaphore(%run_scoped3A_86 : memref<!tpu.dma_semaphore, #tpu.memory_space<semaphore_mem>>) src(%arg9 : memref<128x128xf32, #tpu.memory_space<vmem>>) dst(%dma_wait3A_98 : memref<10240x128xf32, #tpu.memory_space<vmem_shared>>)
          tpu.yield
        }) : () -> ()
        %add3A_68 = arith.constant 2 : i32
        %add3A_69 = arith.addi %add3A_53, %add3A_68 : i32
        %dma_start3A_70 = arith.constant 0 : i32
        %dma_start3A_71 = tpu.memref_slice %arg7[%add3A_69, %dma_start3A_70] : memref<40x128xi32, #tpu.memory_space<vmem>> -> memref<1x128xi32, #tpu.memory_space<vmem>>
        %dma_start3A_72 = tpu.memref_squeeze %dma_start3A_71 : memref<1x128xi32, #tpu.memory_space<vmem>> -> memref<128xi32, #tpu.memory_space<vmem>>
        %dma_start3A_73 = arith.constant 0 : i32
        %dma_start3A_74 = arith.constant 0 : i32
        %dma_start3A_75 = tpu.memref_slice %arg2[%dma_start3A_73, %dma_start3A_74] : memref<10240x128xf32, #tpu.memory_space<hbm>> -> memref<10240x128xf32, #tpu.memory_space<hbm>>
        tpu.enqueue_indirect_dma source(%dma_start3A_75 : memref<10240x128xf32, #tpu.memory_space<hbm>>) target(%arg9 : memref<128x128xf32, #tpu.memory_space<vmem>>) offsets(%dma_start3A_72 : memref<128xi32, #tpu.memory_space<vmem>>) semaphore(%arg12 : memref<!tpu.dma_semaphore, #tpu.memory_space<semaphore_mem>>)
        %add3A_76 = arith.constant 1 : i32
        %add3A_77 = arith.addi %add3A_53, %add3A_76 : i32
        %dma_wait3A_78 = arith.constant 0 : i32
        %dma_wait3A_79 = tpu.memref_slice %arg7[%add3A_77, %dma_wait3A_78] : memref<40x128xi32, #tpu.memory_space<vmem>> -> memref<1x128xi32, #tpu.memory_space<vmem>>
        %dma_wait3A_80 = tpu.memref_squeeze %dma_wait3A_79 : memref<1x128xi32, #tpu.memory_space<vmem>> -> memref<128xi32, #tpu.memory_space<vmem>>
        %dma_wait3A_81 = arith.constant 0 : i32
        %dma_wait3A_82 = arith.constant 0 : i32
        %dma_wait3A_83 = tpu.memref_slice %arg2[%dma_wait3A_81, %dma_wait3A_82] : memref<10240x128xf32, #tpu.memory_space<hbm>> -> memref<10240x128xf32, #tpu.memory_space<hbm>>
        tpu.wait_indirect_dma semaphore(%arg13 : memref<!tpu.dma_semaphore, #tpu.memory_space<semaphore_mem>>) src(%dma_wait3A_83 : memref<10240x128xf32, #tpu.memory_space<hbm>>) dst(%arg10 : memref<128x128xf32, #tpu.memory_space<vmem>>)
        %add3A_84 = arith.constant 1 : i32
        %add3A_85 = arith.addi %add3A_53, %add3A_84 : i32
        "tpu.region"() ({
          %run_scoped3A_86 = tpu.sem_alloc : memref<!tpu.dma_semaphore, #tpu.memory_space<semaphore_mem>>
          %dma_start3A_87 = arith.constant 0 : i32
          %dma_start3A_88 = tpu.memref_slice %arg8[%add3A_85, %dma_start3A_87] : memref<40x128xi32, #tpu.memory_space<vmem>> -> memref<1x128xi32, #tpu.memory_space<vmem>>
          %dma_start3A_89 = tpu.memref_squeeze %dma_start3A_88 : memref<1x128xi32, #tpu.memory_space<vmem>> -> memref<128xi32, #tpu.memory_space<vmem>>
          %dma_start3A_90 = arith.constant 0 : i32
          %dma_start3A_91 = arith.constant 0 : i32
          %dma_start3A_92 = tpu.memref_slice %arg11[%dma_start3A_90, %dma_start3A_91] : memref<10240x128xf32, #tpu.memory_space<vmem_shared>> -> memref<10240x128xf32, #tpu.memory_space<vmem_shared>>
          tpu.enqueue_indirect_dma source(%arg10 : memref<128x128xf32, #tpu.memory_space<vmem>>) target(%dma_start3A_92 : memref<10240x128xf32, #tpu.memory_space<vmem_shared>>) offsets(%dma_start3A_89 : memref<128xi32, #tpu.memory_space<vmem>>) semaphore(%run_scoped3A_86 : memref<!tpu.dma_semaphore, #tpu.memory_space<semaphore_mem>>) {add = true}
          %dma_wait3A_93 = arith.constant 0 : i32
          %dma_wait3A_94 = tpu.memref_slice %arg8[%add3A_85, %dma_wait3A_93] : memref<40x128xi32, #tpu.memory_space<vmem>> -> memref<1x128xi32, #tpu.memory_space<vmem>>
          %dma_wait3A_95 = tpu.memref_squeeze %dma_wait3A_94 : memref<1x128xi32, #tpu.memory_space<vmem>> -> memref<128xi32, #tpu.memory_space<vmem>>
          %dma_wait3A_96 = arith.constant 0 : i32
          %dma_wait3A_97 = arith.constant 0 : i32
          %dma_wait3A_98 = tpu.memref_slice %arg11[%dma_wait3A_96, %dma_wait3A_97] : memref<10240x128xf32, #tpu.memory_space<vmem_shared>> -> memref<10240x128xf32, #tpu.memory_space<vmem_shared>>
          tpu.wait_indirect_dma semaphore(%run_scoped3A_86 : memref<!tpu.dma_semaphore, #tpu.memory_space<semaphore_mem>>) src(%arg10 : memref<128x128xf32, #tpu.memory_space<vmem>>) dst(%dma_wait3A_98 : memref<10240x128xf32, #tpu.memory_space<vmem_shared>>)
          tpu.yield
        }) : () -> ()
      }
      %scan3A_26 = arith.constant 9 : i32
      %dma_start3A_27 = arith.constant 19 : i32
      %dma_start3A_28 = arith.constant 0 : i32
      %dma_start3A_29 = tpu.memref_slice %arg7[%dma_start3A_27, %dma_start3A_28] : memref<40x128xi32, #tpu.memory_space<vmem>> -> memref<1x128xi32, #tpu.memory_space<vmem>>
      %dma_start3A_30 = tpu.memref_squeeze %dma_start3A_29 : memref<1x128xi32, #tpu.memory_space<vmem>> -> memref<128xi32, #tpu.memory_space<vmem>>
      %dma_start3A_31 = arith.constant 0 : i32
      %dma_start3A_32 = arith.constant 0 : i32
      %dma_start3A_33 = tpu.memref_slice %arg2[%dma_start3A_31, %dma_start3A_32] : memref<10240x128xf32, #tpu.memory_space<hbm>> -> memref<10240x128xf32, #tpu.memory_space<hbm>>
      tpu.enqueue_indirect_dma source(%dma_start3A_33 : memref<10240x128xf32, #tpu.memory_space<hbm>>) target(%arg10 : memref<128x128xf32, #tpu.memory_space<vmem>>) offsets(%dma_start3A_30 : memref<128xi32, #tpu.memory_space<vmem>>) semaphore(%arg13 : memref<!tpu.dma_semaphore, #tpu.memory_space<semaphore_mem>>)
      %dma_wait3A = arith.constant 18 : i32
      %dma_wait3A_34 = arith.constant 0 : i32
      %dma_wait3A_35 = tpu.memref_slice %arg7[%dma_wait3A, %dma_wait3A_34] : memref<40x128xi32, #tpu.memory_space<vmem>> -> memref<1x128xi32, #tpu.memory_space<vmem>>
      %dma_wait3A_36 = tpu.memref_squeeze %dma_wait3A_35 : memref<1x128xi32, #tpu.memory_space<vmem>> -> memref<128xi32, #tpu.memory_space<vmem>>
      %dma_wait3A_37 = arith.constant 0 : i32
      %dma_wait3A_38 = arith.constant 0 : i32
      %dma_wait3A_39 = tpu.memref_slice %arg2[%dma_wait3A_37, %dma_wait3A_38] : memref<10240x128xf32, #tpu.memory_space<hbm>> -> memref<10240x128xf32, #tpu.memory_space<hbm>>
      tpu.wait_indirect_dma semaphore(%arg12 : memref<!tpu.dma_semaphore, #tpu.memory_space<semaphore_mem>>) src(%dma_wait3A_39 : memref<10240x128xf32, #tpu.memory_space<hbm>>) dst(%arg9 : memref<128x128xf32, #tpu.memory_space<vmem>>)
      %run_scoped3A_40 = arith.constant 18 : i32
      "tpu.region"() ({
        %run_scoped3A_49 = tpu.sem_alloc : memref<!tpu.dma_semaphore, #tpu.memory_space<semaphore_mem>>
        %dma_start3A_50 = arith.constant 0 : i32
        %dma_start3A_51 = tpu.memref_slice %arg8[%run_scoped3A_40, %dma_start3A_50] : memref<40x128xi32, #tpu.memory_space<vmem>> -> memref<1x128xi32, #tpu.memory_space<vmem>>
        %dma_start3A_52 = tpu.memref_squeeze %dma_start3A_51 : memref<1x128xi32, #tpu.memory_space<vmem>> -> memref<128xi32, #tpu.memory_space<vmem>>
        %dma_start3A_53 = arith.constant 0 : i32
        %dma_start3A_54 = arith.constant 0 : i32
        %dma_start3A_55 = tpu.memref_slice %arg11[%dma_start3A_53, %dma_start3A_54] : memref<10240x128xf32, #tpu.memory_space<vmem_shared>> -> memref<10240x128xf32, #tpu.memory_space<vmem_shared>>
        tpu.enqueue_indirect_dma source(%arg9 : memref<128x128xf32, #tpu.memory_space<vmem>>) target(%dma_start3A_55 : memref<10240x128xf32, #tpu.memory_space<vmem_shared>>) offsets(%dma_start3A_52 : memref<128xi32, #tpu.memory_space<vmem>>) semaphore(%run_scoped3A_49 : memref<!tpu.dma_semaphore, #tpu.memory_space<semaphore_mem>>) {add = true}
        %dma_wait3A_56 = arith.constant 0 : i32
        %dma_wait3A_57 = tpu.memref_slice %arg8[%run_scoped3A_40, %dma_wait3A_56] : memref<40x128xi32, #tpu.memory_space<vmem>> -> memref<1x128xi32, #tpu.memory_space<vmem>>
        %dma_wait3A_58 = tpu.memref_squeeze %dma_wait3A_57 : memref<1x128xi32, #tpu.memory_space<vmem>> -> memref<128xi32, #tpu.memory_space<vmem>>
        %dma_wait3A_59 = arith.constant 0 : i32
        %dma_wait3A_60 = arith.constant 0 : i32
        %dma_wait3A_61 = tpu.memref_slice %arg11[%dma_wait3A_59, %dma_wait3A_60] : memref<10240x128xf32, #tpu.memory_space<vmem_shared>> -> memref<10240x128xf32, #tpu.memory_space<vmem_shared>>
        tpu.wait_indirect_dma semaphore(%run_scoped3A_49 : memref<!tpu.dma_semaphore, #tpu.memory_space<semaphore_mem>>) src(%arg9 : memref<128x128xf32, #tpu.memory_space<vmem>>) dst(%dma_wait3A_61 : memref<10240x128xf32, #tpu.memory_space<vmem_shared>>)
        tpu.yield
      }) : () -> ()
      %dma_wait3A_41 = arith.constant 19 : i32
      %dma_wait3A_42 = arith.constant 0 : i32
      %dma_wait3A_43 = tpu.memref_slice %arg7[%dma_wait3A_41, %dma_wait3A_42] : memref<40x128xi32, #tpu.memory_space<vmem>> -> memref<1x128xi32, #tpu.memory_space<vmem>>
      %dma_wait3A_44 = tpu.memref_squeeze %dma_wait3A_43 : memref<1x128xi32, #tpu.memory_space<vmem>> -> memref<128xi32, #tpu.memory_space<vmem>>
      %dma_wait3A_45 = arith.constant 0 : i32
      %dma_wait3A_46 = arith.constant 0 : i32
      %dma_wait3A_47 = tpu.memref_slice %arg2[%dma_wait3A_45, %dma_wait3A_46] : memref<10240x128xf32, #tpu.memory_space<hbm>> -> memref<10240x128xf32, #tpu.memory_space<hbm>>
      tpu.wait_indirect_dma semaphore(%arg13 : memref<!tpu.dma_semaphore, #tpu.memory_space<semaphore_mem>>) src(%dma_wait3A_47 : memref<10240x128xf32, #tpu.memory_space<hbm>>) dst(%arg10 : memref<128x128xf32, #tpu.memory_space<vmem>>)
      %run_scoped3A_48 = arith.constant 19 : i32
      "tpu.region"() ({
        %run_scoped3A_49 = tpu.sem_alloc : memref<!tpu.dma_semaphore, #tpu.memory_space<semaphore_mem>>
        %dma_start3A_50 = arith.constant 0 : i32
        %dma_start3A_51 = tpu.memref_slice %arg8[%run_scoped3A_48, %dma_start3A_50] : memref<40x128xi32, #tpu.memory_space<vmem>> -> memref<1x128xi32, #tpu.memory_space<vmem>>
        %dma_start3A_52 = tpu.memref_squeeze %dma_start3A_51 : memref<1x128xi32, #tpu.memory_space<vmem>> -> memref<128xi32, #tpu.memory_space<vmem>>
        %dma_start3A_53 = arith.constant 0 : i32
        %dma_start3A_54 = arith.constant 0 : i32
        %dma_start3A_55 = tpu.memref_slice %arg11[%dma_start3A_53, %dma_start3A_54] : memref<10240x128xf32, #tpu.memory_space<vmem_shared>> -> memref<10240x128xf32, #tpu.memory_space<vmem_shared>>
        tpu.enqueue_indirect_dma source(%arg10 : memref<128x128xf32, #tpu.memory_space<vmem>>) target(%dma_start3A_55 : memref<10240x128xf32, #tpu.memory_space<vmem_shared>>) offsets(%dma_start3A_52 : memref<128xi32, #tpu.memory_space<vmem>>) semaphore(%run_scoped3A_49 : memref<!tpu.dma_semaphore, #tpu.memory_space<semaphore_mem>>) {add = true}
        %dma_wait3A_56 = arith.constant 0 : i32
        %dma_wait3A_57 = tpu.memref_slice %arg8[%run_scoped3A_48, %dma_wait3A_56] : memref<40x128xi32, #tpu.memory_space<vmem>> -> memref<1x128xi32, #tpu.memory_space<vmem>>
        %dma_wait3A_58 = tpu.memref_squeeze %dma_wait3A_57 : memref<1x128xi32, #tpu.memory_space<vmem>> -> memref<128xi32, #tpu.memory_space<vmem>>
        %dma_wait3A_59 = arith.constant 0 : i32
        %dma_wait3A_60 = arith.constant 0 : i32
        %dma_wait3A_61 = tpu.memref_slice %arg11[%dma_wait3A_59, %dma_wait3A_60] : memref<10240x128xf32, #tpu.memory_space<vmem_shared>> -> memref<10240x128xf32, #tpu.memory_space<vmem_shared>>
        tpu.wait_indirect_dma semaphore(%run_scoped3A_49 : memref<!tpu.dma_semaphore, #tpu.memory_space<semaphore_mem>>) src(%arg10 : memref<128x128xf32, #tpu.memory_space<vmem>>) dst(%dma_wait3A_61 : memref<10240x128xf32, #tpu.memory_space<vmem_shared>>)
        tpu.yield
      }) : () -> ()
    } else {
    }
    %barrier3A_11 = arith.constant 0 : index
    tpu.barrier barrier_id(%barrier3A_11)
    %mul3A_12 = arith.constant 640 : i32
    %mul3A_13 = arith.muli %arg1, %mul3A_12 : i32
    %mul3A_14 = arith.constant 640 : i32
    %mul3A_15 = arith.muli %arg1, %mul3A_14 : i32
    "tpu.region"() ({
      %run_scoped3A = tpu.sem_alloc : memref<!tpu.dma_semaphore, #tpu.memory_space<semaphore_mem>>
      %dma_start3A = arith.constant 0 : i32
      %dma_start3A_16 = tpu.memref_slice %arg6[%arg0, %mul3A_15, %dma_start3A] : memref<2x10240x128xf32, #tpu.memory_space<hbm>> -> memref<1x640x128xf32, #tpu.memory_space<hbm>>
      %dma_start3A_17 = tpu.memref_squeeze %dma_start3A_16 : memref<1x640x128xf32, #tpu.memory_space<hbm>> -> memref<640x128xf32, #tpu.memory_space<hbm>>
      %dma_start3A_18 = arith.constant 0 : i32
      %dma_start3A_19 = tpu.memref_slice %arg11[%mul3A_13, %dma_start3A_18] : memref<10240x128xf32, #tpu.memory_space<vmem_shared>> -> memref<640x128xf32, #tpu.memory_space<vmem_shared>>
      tpu.enqueue_dma source(%dma_start3A_19 : memref<640x128xf32, #tpu.memory_space<vmem_shared>>) target(%dma_start3A_17 : memref<640x128xf32, #tpu.memory_space<hbm>>) target_semaphore(%run_scoped3A : memref<!tpu.dma_semaphore, #tpu.memory_space<semaphore_mem>>)
      %dma_wait3A = arith.constant 0 : i32
      %dma_wait3A_20 = tpu.memref_slice %arg6[%arg0, %mul3A_15, %dma_wait3A] : memref<2x10240x128xf32, #tpu.memory_space<hbm>> -> memref<1x640x128xf32, #tpu.memory_space<hbm>>
      %dma_wait3A_21 = tpu.memref_squeeze %dma_wait3A_20 : memref<1x640x128xf32, #tpu.memory_space<hbm>> -> memref<640x128xf32, #tpu.memory_space<hbm>>
      %dma_wait3A_22 = arith.constant 0 : i32
      %dma_wait3A_23 = tpu.memref_slice %arg11[%mul3A_13, %dma_wait3A_22] : memref<10240x128xf32, #tpu.memory_space<vmem_shared>> -> memref<640x128xf32, #tpu.memory_space<vmem_shared>>
      tpu.wait_dma2 semaphore(%run_scoped3A : memref<!tpu.dma_semaphore, #tpu.memory_space<semaphore_mem>>) src(%dma_wait3A_23 : memref<640x128xf32, #tpu.memory_space<vmem_shared>>) dst(%dma_wait3A_21 : memref<640x128xf32, #tpu.memory_space<hbm>>)
      tpu.yield
    }) : () -> ()
    return
  }
}

module attributes {stable_mosaic.version = 14 : i64} {
  func.func @_mm_scale_body(%arg0: i32, %arg1: memref<5120x128xf32, #tpu.memory_space<vmem>>, %arg2: memref<128x128xf32, #tpu.memory_space<vmem>>, %arg3: memref<32x5120xf32, #tpu.memory_space<vmem>>, %arg4: memref<5120x128xf32, #tpu.memory_space<vmem>>) attributes {dimension_semantics = [#tpu.dimension_semantics<arbitrary>], iteration_bounds = array<i64: 2>, scalar_prefetch = 0 : i64, scratch_operands = 0 : i64, tpu.core_type = #tpu.core_type<tc>, window_params = [{transform_indices = @transform_0, window_bounds = array<i64: 5120, 128>}, {pipeline_mode = #tpu.pipeline_mode<synchronous>, transform_indices = @transform_1, window_bounds = array<i64: 128, 128>}, {transform_indices = @transform_2, window_bounds = array<i64: 32, 5120>}, {transform_indices = @transform_3, window_bounds = array<i64: 5120, 128>}]} {
    %get3A = arith.constant 0 : index
    %get3A_0 = arith.constant 0 : index
    %get3A_1 = vector.load %arg1[%get3A, %get3A_0] : memref<5120x128xf32, #tpu.memory_space<vmem>>, vector<5120x128xf32>
    %get3A_2 = arith.constant 0 : index
    %get3A_3 = arith.constant 0 : index
    %get3A_4 = vector.load %arg2[%get3A_2, %get3A_3] : memref<128x128xf32, #tpu.memory_space<vmem>>, vector<128x128xf32>
    %dot_general3A = arith.constant dense<0.000000e+00> : vector<5120x128xf32>
    %dot_general3A_5 = tpu.matmul %get3A_1, %get3A_4, %dot_general3A {dimension_numbers = #tpu.dot_dimension_numbers<[1], [0], [0], [1], [0, 0, 1, 1], [], []>, transpose_lhs_hint = false} : vector<5120x128xf32>, vector<128x128xf32>, vector<5120x128xf32> -> vector<5120x128xf32>
    %get3A_6 = arith.constant 0 : index
    %get3A_7 = arith.constant 0 : index
    %get3A_8 = vector.load %arg3[%get3A_6, %get3A_7] : memref<32x5120xf32, #tpu.memory_space<vmem>>, vector<32x5120xf32>
    %reduce_sum3A = arith.constant dense<0.000000e+00> : vector<5120xf32>
    %reduce_sum3A_9 = vector.multi_reduction <add>, %get3A_8, %reduce_sum3A [0] : vector<32x5120xf32> to vector<5120xf32>
    %add3A = arith.constant 1.000000e+00 : f32
    %add3A_10 = vector.broadcast %add3A : f32 to vector<5120xf32>
    %add3A_11 = arith.addf %reduce_sum3A_9, %add3A_10 : vector<5120xf32>
    %rsqrt3A = math.rsqrt %add3A_11 : vector<5120xf32>
    %broadcast_in_dim3A = vector.shape_cast %rsqrt3A : vector<5120xf32> to vector<5120x1xf32>
    %mul3A = vector.broadcast %broadcast_in_dim3A : vector<5120x1xf32> to vector<5120x128xf32>
    %mul3A_12 = arith.mulf %dot_general3A_5, %mul3A : vector<5120x128xf32>
    %swap3A = arith.constant 0 : index
    %swap3A_13 = arith.constant 0 : index
    %swap3A_14 = vector.load %arg4[%swap3A, %swap3A_13] : memref<5120x128xf32, #tpu.memory_space<vmem>>, vector<5120x128xf32>
    tpu.vector_store %arg4[%swap3A, %swap3A_13], %mul3A_12 {strides = array<i32>} : memref<5120x128xf32, #tpu.memory_space<vmem>>, vector<5120x128xf32>,
    return
  }
  func.func @transform_0(%arg0: i32) -> (i32, i32) {
    %c0_i32 = arith.constant 0 : i32
    %c0_i32_0 = arith.constant 0 : i32
    return %arg0, %c0_i32 : i32, i32
  }
  func.func @transform_1(%arg0: i32) -> (i32, i32) {
    %c0_i32 = arith.constant 0 : i32
    %c0_i32_0 = arith.constant 0 : i32
    %c0_i32_1 = arith.constant 0 : i32
    return %c0_i32, %c0_i32_0 : i32, i32
  }
  func.func @transform_2(%arg0: i32) -> (i32, i32) {
    %c0_i32 = arith.constant 0 : i32
    %c0_i32_0 = arith.constant 0 : i32
    return %c0_i32, %arg0 : i32, i32
  }
  func.func @transform_3(%arg0: i32) -> (i32, i32) {
    %c0_i32 = arith.constant 0 : i32
    %c0_i32_0 = arith.constant 0 : i32
    return %arg0, %c0_i32 : i32, i32
  }
}

module attributes {stable_mosaic.version = 14 : i64} {
  func.func @_layer2_body(%arg0: i32, %arg1: memref<2x5120x128xf32, #tpu.memory_space<vmem>>, %arg2: memref<5120x128xf32, #tpu.memory_space<vmem>>, %arg3: memref<32x5120xf32, #tpu.memory_space<vmem>>, %arg4: memref<1x128xf32, #tpu.memory_space<vmem>>, %arg5: memref<128x128xf32, #tpu.memory_space<vmem>>, %arg6: memref<5120x128xf32, #tpu.memory_space<vmem>>) attributes {dimension_semantics = [#tpu.dimension_semantics<arbitrary>], iteration_bounds = array<i64: 2>, scalar_prefetch = 0 : i64, scratch_operands = 0 : i64, tpu.core_type = #tpu.core_type<tc>, window_params = [{transform_indices = @transform_0, window_bounds = array<i64: 2, 5120, 128>}, {transform_indices = @transform_1, window_bounds = array<i64: 5120, 128>}, {transform_indices = @transform_2, window_bounds = array<i64: 32, 5120>}, {pipeline_mode = #tpu.pipeline_mode<synchronous>, transform_indices = @transform_3, window_bounds = array<i64: 1, 128>}, {pipeline_mode = #tpu.pipeline_mode<synchronous>, transform_indices = @transform_4, window_bounds = array<i64: 128, 128>}, {transform_indices = @transform_5, window_bounds = array<i64: 5120, 128>}]} {
    %get3A = arith.constant 0 : index
    %get3A_0 = arith.constant 0 : index
    %get3A_1 = vector.load %arg3[%get3A, %get3A_0] : memref<32x5120xf32, #tpu.memory_space<vmem>>, vector<32x5120xf32>
    %reduce_sum3A = arith.constant dense<0.000000e+00> : vector<5120xf32>
    %reduce_sum3A_2 = vector.multi_reduction <add>, %get3A_1, %reduce_sum3A [0] : vector<32x5120xf32> to vector<5120xf32>
    %add3A = arith.constant 1.000000e+00 : f32
    %add3A_3 = vector.broadcast %add3A : f32 to vector<5120xf32>
    %add3A_4 = arith.addf %reduce_sum3A_2, %add3A_3 : vector<5120xf32>
    %rsqrt3A = math.rsqrt %add3A_4 : vector<5120xf32>
    %broadcast_in_dim3A = vector.shape_cast %rsqrt3A : vector<5120xf32> to vector<5120x1xf32>
    %get3A_5 = arith.constant 0 : index
    %get3A_6 = arith.constant 0 : index
    %get3A_7 = arith.constant 0 : index
    %get3A_8 = vector.load %arg1[%get3A_5, %get3A_6, %get3A_7] : memref<2x5120x128xf32, #tpu.memory_space<vmem>>, vector<1x5120x128xf32>
    %get3A_9 = vector.shape_cast %get3A_8 : vector<1x5120x128xf32> to vector<5120x128xf32>
    %get3A_10 = arith.constant 1 : index
    %get3A_11 = arith.constant 0 : index
    %get3A_12 = arith.constant 0 : index
    %get3A_13 = vector.load %arg1[%get3A_10, %get3A_11, %get3A_12] : memref<2x5120x128xf32, #tpu.memory_space<vmem>>, vector<1x5120x128xf32>
    %get3A_14 = vector.shape_cast %get3A_13 : vector<1x5120x128xf32> to vector<5120x128xf32>
    %add3A_15 = arith.addf %get3A_9, %get3A_14 : vector<5120x128xf32>
    %get3A_16 = arith.constant 0 : index
    %get3A_17 = arith.constant 0 : index
    %get3A_18 = vector.load %arg2[%get3A_16, %get3A_17] : memref<5120x128xf32, #tpu.memory_space<vmem>>, vector<5120x128xf32>
    %add3A_19 = arith.addf %add3A_15, %get3A_18 : vector<5120x128xf32>
    %mul3A = vector.broadcast %broadcast_in_dim3A : vector<5120x1xf32> to vector<5120x128xf32>
    %mul3A_20 = arith.mulf %mul3A, %add3A_19 : vector<5120x128xf32>
    %get3A_21 = arith.constant 0 : index
    %get3A_22 = arith.constant 0 : index
    %get3A_23 = vector.load %arg4[%get3A_21, %get3A_22] : memref<1x128xf32, #tpu.memory_space<vmem>>, vector<1x128xf32>
    %add3A_24 = vector.broadcast %get3A_23 : vector<1x128xf32> to vector<5120x128xf32>
    %add3A_25 = arith.addf %mul3A_20, %add3A_24 : vector<5120x128xf32>
    %max3A = arith.constant 0.000000e+00 : f32
    %max3A_26 = vector.broadcast %max3A : f32 to vector<5120x128xf32>
    %max3A_27 = arith.maximumf %add3A_25, %max3A_26 : vector<5120x128xf32>
    %get3A_28 = arith.constant 0 : index
    %get3A_29 = arith.constant 0 : index
    %get3A_30 = vector.load %arg5[%get3A_28, %get3A_29] : memref<128x128xf32, #tpu.memory_space<vmem>>, vector<128x128xf32>
    %dot_general3A = arith.constant dense<0.000000e+00> : vector<5120x128xf32>
    %dot_general3A_31 = tpu.matmul %max3A_27, %get3A_30, %dot_general3A {dimension_numbers = #tpu.dot_dimension_numbers<[1], [0], [0], [1], [0, 0, 1, 1], [], []>, transpose_lhs_hint = false} : vector<5120x128xf32>, vector<128x128xf32>, vector<5120x128xf32> -> vector<5120x128xf32>
    %broadcast_in_dim3A_32 = vector.shape_cast %rsqrt3A : vector<5120xf32> to vector<5120x1xf32>
    %mul3A_33 = vector.broadcast %broadcast_in_dim3A_32 : vector<5120x1xf32> to vector<5120x128xf32>
    %mul3A_34 = arith.mulf %dot_general3A_31, %mul3A_33 : vector<5120x128xf32>
    %swap3A = arith.constant 0 : index
    %swap3A_35 = arith.constant 0 : index
    %swap3A_36 = vector.load %arg6[%swap3A, %swap3A_35] : memref<5120x128xf32, #tpu.memory_space<vmem>>, vector<5120x128xf32>
    tpu.vector_store %arg6[%swap3A, %swap3A_35], %mul3A_34 {strides = array<i32>} : memref<5120x128xf32, #tpu.memory_space<vmem>>, vector<5120x128xf32>,
    return
  }
  func.func @transform_0(%arg0: i32) -> (i32, i32, i32) {
    %c0_i32 = arith.constant 0 : i32
    %c0_i32_0 = arith.constant 0 : i32
    %c0_i32_1 = arith.constant 0 : i32
    return %c0_i32, %arg0, %c0_i32_0 : i32, i32, i32
  }
  func.func @transform_1(%arg0: i32) -> (i32, i32) {
    %c0_i32 = arith.constant 0 : i32
    %c0_i32_0 = arith.constant 0 : i32
    return %arg0, %c0_i32 : i32, i32
  }
  func.func @transform_2(%arg0: i32) -> (i32, i32) {
    %c0_i32 = arith.constant 0 : i32
    %c0_i32_0 = arith.constant 0 : i32
    return %c0_i32, %arg0 : i32, i32
  }
  func.func @transform_3(%arg0: i32) -> (i32, i32) {
    %c0_i32 = arith.constant 0 : i32
    %c0_i32_0 = arith.constant 0 : i32
    %c0_i32_1 = arith.constant 0 : i32
    return %c0_i32, %c0_i32_0 : i32, i32
  }
  func.func @transform_4(%arg0: i32) -> (i32, i32) {
    %c0_i32 = arith.constant 0 : i32
    %c0_i32_0 = arith.constant 0 : i32
    %c0_i32_1 = arith.constant 0 : i32
    return %c0_i32, %c0_i32_0 : i32, i32
  }
  func.func @transform_5(%arg0: i32) -> (i32, i32) {
    %c0_i32 = arith.constant 0 : i32
    %c0_i32_0 = arith.constant 0 : i32
    return %arg0, %c0_i32 : i32, i32
  }
}

module attributes {stable_mosaic.version = 14 : i64} {
  func.func @_pool_body(%arg0: i32, %arg1: memref<2x5120x128xf32, #tpu.memory_space<vmem>>, %arg2: memref<5120x128xf32, #tpu.memory_space<vmem>>, %arg3: memref<32x5120xf32, #tpu.memory_space<vmem>>, %arg4: memref<1x1x5120xi32, #tpu.memory_space<vmem>>, %arg5: memref<1x128xf32, #tpu.memory_space<vmem>>, %arg6: memref<64x128xf32, #tpu.memory_space<vmem>>, %arg7: memref<64x128xf32, #tpu.memory_space<vmem>>) attributes {dimension_semantics = [#tpu.dimension_semantics<arbitrary>], iteration_bounds = array<i64: 2>, scalar_prefetch = 0 : i64, scratch_operands = 1 : i64, tpu.core_type = #tpu.core_type<tc>, window_params = [{transform_indices = @transform_0, window_bounds = array<i64: 2, 5120, 128>}, {transform_indices = @transform_1, window_bounds = array<i64: 5120, 128>}, {transform_indices = @transform_2, window_bounds = array<i64: 32, 5120>}, {transform_indices = @transform_3, window_bounds = array<i64: 1, 1, 5120>}, {pipeline_mode = #tpu.pipeline_mode<synchronous>, transform_indices = @transform_4, window_bounds = array<i64: 1, 128>}, {pipeline_mode = #tpu.pipeline_mode<synchronous>, transform_indices = @transform_5, window_bounds = array<i64: 64, 128>}]} {
    %get3A = arith.constant 0 : index
    %get3A_0 = arith.constant 0 : index
    %get3A_1 = vector.load %arg3[%get3A, %get3A_0] : memref<32x5120xf32, #tpu.memory_space<vmem>>, vector<32x5120xf32>
    %reduce_sum3A = arith.constant dense<0.000000e+00> : vector<5120xf32>
    %reduce_sum3A_2 = vector.multi_reduction <add>, %get3A_1, %reduce_sum3A [0] : vector<32x5120xf32> to vector<5120xf32>
    %add3A = arith.constant 1.000000e+00 : f32
    %add3A_3 = vector.broadcast %add3A : f32 to vector<5120xf32>
    %add3A_4 = arith.addf %reduce_sum3A_2, %add3A_3 : vector<5120xf32>
    %rsqrt3A = math.rsqrt %add3A_4 : vector<5120xf32>
    %broadcast_in_dim3A = vector.shape_cast %rsqrt3A : vector<5120xf32> to vector<5120x1xf32>
    %get3A_5 = arith.constant 0 : index
    %get3A_6 = arith.constant 0 : index
    %get3A_7 = arith.constant 0 : index
    %get3A_8 = vector.load %arg1[%get3A_5, %get3A_6, %get3A_7] : memref<2x5120x128xf32, #tpu.memory_space<vmem>>, vector<1x5120x128xf32>
    %get3A_9 = vector.shape_cast %get3A_8 : vector<1x5120x128xf32> to vector<5120x128xf32>
    %get3A_10 = arith.constant 1 : index
    %get3A_11 = arith.constant 0 : index
    %get3A_12 = arith.constant 0 : index
    %get3A_13 = vector.load %arg1[%get3A_10, %get3A_11, %get3A_12] : memref<2x5120x128xf32, #tpu.memory_space<vmem>>, vector<1x5120x128xf32>
    %get3A_14 = vector.shape_cast %get3A_13 : vector<1x5120x128xf32> to vector<5120x128xf32>
    %add3A_15 = arith.addf %get3A_9, %get3A_14 : vector<5120x128xf32>
    %get3A_16 = arith.constant 0 : index
    %get3A_17 = arith.constant 0 : index
    %get3A_18 = vector.load %arg2[%get3A_16, %get3A_17] : memref<5120x128xf32, #tpu.memory_space<vmem>>, vector<5120x128xf32>
    %add3A_19 = arith.addf %add3A_15, %get3A_18 : vector<5120x128xf32>
    %mul3A = vector.broadcast %broadcast_in_dim3A : vector<5120x1xf32> to vector<5120x128xf32>
    %mul3A_20 = arith.mulf %mul3A, %add3A_19 : vector<5120x128xf32>
    %iota3A = tpu.iota {dimensions = array<i32: 1>} : vector<5120x64xi32>
    %get3A_21 = arith.constant 0 : index
    %get3A_22 = arith.constant 0 : index
    %get3A_23 = arith.constant 0 : index
    %get3A_24 = vector.load %arg4[%get3A_21, %get3A_22, %get3A_23] : memref<1x1x5120xi32, #tpu.memory_space<vmem>>, vector<1x1x5120xi32>
    %get3A_25 = vector.shape_cast %get3A_24 : vector<1x1x5120xi32> to vector<5120xi32>
    %broadcast_in_dim3A_26 = vector.shape_cast %get3A_25 : vector<5120xi32> to vector<5120x1xi32>
    %eq3A = vector.broadcast %broadcast_in_dim3A_26 : vector<5120x1xi32> to vector<5120x64xi32>
    %eq3A_27 = arith.cmpi eq, %eq3A, %iota3A : vector<5120x64xi32>
    %convert_element_type3A = arith.extui %eq3A_27 : vector<5120x64xi1> to vector<5120x64xi32>
    %convert_element_type3A_28 = arith.sitofp %convert_element_type3A : vector<5120x64xi32> to vector<5120x64xf32>
    %dot_general3A = arith.constant dense<0.000000e+00> : vector<64x128xf32>
    %dot_general3A_29 = tpu.matmul %convert_element_type3A_28, %mul3A_20, %dot_general3A {dimension_numbers = #tpu.dot_dimension_numbers<[0], [0], [1], [1], [0, 1, 1, 1], [], []>, transpose_lhs_hint = false} : vector<5120x64xf32>, vector<5120x128xf32>, vector<64x128xf32> -> vector<64x128xf32>
    %reduce_sum3A_30 = arith.constant dense<0.000000e+00> : vector<64xf32>
    %reduce_sum3A_31 = vector.multi_reduction <add>, %convert_element_type3A_28, %reduce_sum3A_30 [0] : vector<5120x64xf32> to vector<64xf32>
    %eq3A_32 = arith.constant 0 : i32
    %eq3A_33 = arith.cmpi eq, %arg0, %eq3A_32 : i32
    %convert_element_type3A_34 = arith.extui %eq3A_33 : i1 to i32
    %cond3A = arith.constant 0 : i32
    %cond3A_35 = arith.cmpi ne, %convert_element_type3A_34, %cond3A : i32
    scf.if %cond3A_35 {
      %broadcast_in_dim3A_56 = arith.constant 0.000000e+00 : f32
      %broadcast_in_dim3A_57 = vector.broadcast %broadcast_in_dim3A_56 : f32 to vector<64x128xf32>
      %swap3A_58 = arith.constant 0 : index
      %swap3A_59 = arith.constant 0 : index
      %swap3A_60 = vector.load %arg6[%swap3A_58, %swap3A_59] : memref<64x128xf32, #tpu.memory_space<vmem>>, vector<64x128xf32>
      tpu.vector_store %arg6[%swap3A_58, %swap3A_59], %broadcast_in_dim3A_57 {strides = array<i32>} : memref<64x128xf32, #tpu.memory_space<vmem>>, vector<64x128xf32>,
      %broadcast_in_dim3A_61 = arith.constant 0.000000e+00 : f32
      %broadcast_in_dim3A_62 = vector.broadcast %broadcast_in_dim3A_61 : f32 to vector<64x128xf32>
      %swap3A_63 = arith.constant 0 : index
      %swap3A_64 = arith.constant 0 : index
      %swap3A_65 = vector.load %arg7[%swap3A_63, %swap3A_64] : memref<64x128xf32, #tpu.memory_space<vmem>>, vector<64x128xf32>
      tpu.vector_store %arg7[%swap3A_63, %swap3A_64], %broadcast_in_dim3A_62 {strides = array<i32>} : memref<64x128xf32, #tpu.memory_space<vmem>>, vector<64x128xf32>,
    } else {
    }
    %get3A_36 = arith.constant 0 : index
    %get3A_37 = arith.constant 0 : index
    %get3A_38 = vector.load %arg6[%get3A_36, %get3A_37] : memref<64x128xf32, #tpu.memory_space<vmem>>, vector<64x128xf32>
    %add3A_39 = arith.addf %get3A_38, %dot_general3A_29 : vector<64x128xf32>
    %swap3A = arith.constant 0 : index
    %swap3A_40 = arith.constant 0 : index
    %swap3A_41 = vector.load %arg6[%swap3A, %swap3A_40] : memref<64x128xf32, #tpu.memory_space<vmem>>, vector<64x128xf32>
    tpu.vector_store %arg6[%swap3A, %swap3A_40], %add3A_39 {strides = array<i32>} : memref<64x128xf32, #tpu.memory_space<vmem>>, vector<64x128xf32>,
    %get3A_42 = arith.constant 0 : index
    %get3A_43 = arith.constant 0 : index
    %get3A_44 = vector.load %arg7[%get3A_42, %get3A_43] : memref<64x128xf32, #tpu.memory_space<vmem>>, vector<64x128xf32>
    %broadcast_in_dim3A_45 = vector.shape_cast %reduce_sum3A_31 : vector<64xf32> to vector<64x1xf32>
    %add3A_46 = vector.broadcast %broadcast_in_dim3A_45 : vector<64x1xf32> to vector<64x128xf32>
    %add3A_47 = arith.addf %get3A_44, %add3A_46 : vector<64x128xf32>
    %swap3A_48 = arith.constant 0 : index
    %swap3A_49 = arith.constant 0 : index
    %swap3A_50 = vector.load %arg7[%swap3A_48, %swap3A_49] : memref<64x128xf32, #tpu.memory_space<vmem>>, vector<64x128xf32>
    tpu.vector_store %arg7[%swap3A_48, %swap3A_49], %add3A_47 {strides = array<i32>} : memref<64x128xf32, #tpu.memory_space<vmem>>, vector<64x128xf32>,
    %eq3A_51 = arith.constant 1 : i32
    %eq3A_52 = arith.cmpi eq, %arg0, %eq3A_51 : i32
    %convert_element_type3A_53 = arith.extui %eq3A_52 : i1 to i32
    %cond3A_54 = arith.constant 0 : i32
    %cond3A_55 = arith.cmpi ne, %convert_element_type3A_53, %cond3A_54 : i32
    scf.if %cond3A_55 {
      %get3A_56 = arith.constant 0 : index
      %get3A_57 = arith.constant 0 : index
      %get3A_58 = vector.load %arg6[%get3A_56, %get3A_57] : memref<64x128xf32, #tpu.memory_space<vmem>>, vector<64x128xf32>
      %get3A_59 = arith.constant 0 : index
      %get3A_60 = arith.constant 0 : index
      %get3A_61 = vector.load %arg7[%get3A_59, %get3A_60] : memref<64x128xf32, #tpu.memory_space<vmem>>, vector<64x128xf32>
      %max3A = arith.constant 1.000000e+00 : f32
      %max3A_62 = vector.broadcast %max3A : f32 to vector<64x128xf32>
      %max3A_63 = arith.maximumf %get3A_61, %max3A_62 : vector<64x128xf32>
      %div3A = arith.divf %get3A_58, %max3A_63 : vector<64x128xf32>
      %get3A_64 = arith.constant 0 : index
      %get3A_65 = arith.constant 0 : index
      %get3A_66 = vector.load %arg5[%get3A_64, %get3A_65] : memref<1x128xf32, #tpu.memory_space<vmem>>, vector<1x128xf32>
      %add3A_67 = vector.broadcast %get3A_66 : vector<1x128xf32> to vector<64x128xf32>
      %add3A_68 = arith.addf %div3A, %add3A_67 : vector<64x128xf32>
      %swap3A_69 = arith.constant 0 : index
      %swap3A_70 = arith.constant 0 : index
      %swap3A_71 = vector.load %arg6[%swap3A_69, %swap3A_70] : memref<64x128xf32, #tpu.memory_space<vmem>>, vector<64x128xf32>
      tpu.vector_store %arg6[%swap3A_69, %swap3A_70], %add3A_68 {strides = array<i32>} : memref<64x128xf32, #tpu.memory_space<vmem>>, vector<64x128xf32>,
    } else {
    }
    return
  }
  func.func @transform_0(%arg0: i32) -> (i32, i32, i32) {
    %c0_i32 = arith.constant 0 : i32
    %c0_i32_0 = arith.constant 0 : i32
    %c0_i32_1 = arith.constant 0 : i32
    return %c0_i32, %arg0, %c0_i32_0 : i32, i32, i32
  }
  func.func @transform_1(%arg0: i32) -> (i32, i32) {
    %c0_i32 = arith.constant 0 : i32
    %c0_i32_0 = arith.constant 0 : i32
    return %arg0, %c0_i32 : i32, i32
  }
  func.func @transform_2(%arg0: i32) -> (i32, i32) {
    %c0_i32 = arith.constant 0 : i32
    %c0_i32_0 = arith.constant 0 : i32
    return %c0_i32, %arg0 : i32, i32
  }
  func.func @transform_3(%arg0: i32) -> (i32, i32, i32) {
    %c0_i32 = arith.constant 0 : i32
    %c0_i32_0 = arith.constant 0 : i32
    %c0_i32_1 = arith.constant 0 : i32
    return %arg0, %c0_i32, %c0_i32_0 : i32, i32, i32
  }
  func.func @transform_4(%arg0: i32) -> (i32, i32) {
    %c0_i32 = arith.constant 0 : i32
    %c0_i32_0 = arith.constant 0 : i32
    %c0_i32_1 = arith.constant 0 : i32
    return %c0_i32, %c0_i32_0 : i32, i32
  }
  func.func @transform_5(%arg0: i32) -> (i32, i32) {
    %c0_i32 = arith.constant 0 : i32
    %c0_i32_0 = arith.constant 0 : i32
    %c0_i32_1 = arith.constant 0 : i32
    return %c0_i32, %c0_i32_0 : i32, i32
  }
}

</mosaic_0001>

<sc_bundles>
// kernel: kernel.11.cloned.1.call-start
scs
__scs_entry_jumppad:
0x0: {  	(pc) =	sbr.rel $0x88, $3  }
0x1: {  	(tag) =	ssettag $0x0;
	lr =	simm.s32 $0x1  }
0x2: {  	[smem:$0x3F9A] =	sst lr;
	_ =	strace $0xD0000000  }
0x3: {  	_ = 	snop  }
0x4: {  	_ = 	snop  }
0x5: {  	_ = 	snop  }
0x6: {  	_ = 	snop  }
0x7: {  	_ = 	snop  }
__scs_overlays_trampoline_lowered:
0x8: {  	[smem:$0x3FA9] =	sst s0  }
0x9: {  	[smem:$0x3FAA] =	sst s1  }
0xa: {  	[smem:$0x3FAB] =	sst s2  }
0xb: {  	[smem:$0x3FAC] =	sst s3  }
0xc: {  	[smem:$0x3FAD] =	sst s4  }
0xd: {  	[smem:$0x3FAE] =	sst s5  }
0xe: {  	[smem:$0x3FAF] =	sst s6  }
0xf: {  	[smem:$0x3FB0] =	sst s7  }
0x10: {  	[smem:$0x3FB1] =	sst s8  }
0x11: {  	[smem:$0x3FB2] =	sst s9;
	s0 =	simm.s32 @!p0 $0x0  }
0x12: {  	s1 =	sld [smem:$0x3F98];
	s0 =	simm.s32 @p0 $0x1  }
0x13: {  	[smem:$0x3FB3] =	sst s0;
	s0 =	simm.s32 @!p1 $0x0  }
0x14: {  	s2 =	sld [smem:$0x3F97];
	s0 =	simm.s32 @p1 $0x1  }
0x15: {  	[smem:$0x3FB4] =	sst s0;
	s0 =	simm.s32 @!p2 $0x0  }
0x16: {  	s3 =	sld [smem:$0x3FDB];
	s0 =	simm.s32 @p2 $0x1  }
0x17: {  	s4 =	simm.s32 $0x1BF5;
	[smem:$0x3FB6] =	sst s0  }
0x18: {  	s0 =	sld [smem:$0x3F99];
	_ =	swait.ge [sflag:s4], $0x0  }
0x19: {  	s7 =	sld [smem:$0x3F9A]  }
0x1a: {  	s8 =	sadd.s32 $0xFFFFE003, lr  }
0x1b: {  	s9 =	sadd.s32 $0xFFFFFEF7, lr;
	s5 =	simm.s32 $0xFFFFFFFF;
	p2 =	slt.u32 s8, $0xFFFFF086  }
0x1c: {  	p1 =	slt.u32 s9, $0xF7A;
	s5 =	simm.s32 @!p2 $0x0  }
0x1d: {  	s5 =	simm.s32 @p1 $0x1;
	p0 =	seq.s32 s7, s2  }
0x1e: {  	s7 =	smul.u32 @!p0 $0xF7A, s2;
	p2 =	seq.s32 @!p0 s5, $0x0  }
0x1f: {  	s9 =	smul.u32 $0xF7A, s1;
	s8 =	simm.s32 @!p0 $0x1BF5;
	p2 =	por !p2, p0  }
0x20: {  	[sflag:s8] =	ssyncset.s32 @!p0 $0xFFFFF086;
	s6 =	sadd.s32 @!p0 s3, s7;
	s7 =	simm.s32 @!p0 $0x108  }
0x21: {  	s3 =	sadd.s32 s3, s9;
	s6 =	sadd.s32 @!p0 $0x88, s6;
	s7 =	simm.s32 @p2 $0x1082  }
0x22: {  	[simem:s7], [sflag:s8] =	dma.local @!p0 [hbm:s6], $0xF7A  }
0x23: {  	s9 =	sor.u32 $0xD0000000, s2;
	s6 =	simm.s32 $0x108;
	_ =	swait.ge @!p0 [sflag:s8], $0x0  }
0x24: {  	s3 =	sadd.s32 $0x88, s3;
	s6 =	simm.s32 @!p1 $0x1082;
	[sflag:s4] =	ssyncset.s32 $0xFFFFF086  }
0x25: {  	[simem:s6], [sflag:s4] =	dma.local [hbm:s3], $0xF7A  }
0x26: {  	[smem:$0x3F9A] =	sst s1;
	(tag) =	ssettag s2;
	_ =	strace s9  }
0x27: {  	s1 =	sld [smem:$0x3FAA]  }
0x28: {  	s2 =	sld [smem:$0x3FAB]  }
0x29: {  	s4 =	sld [smem:$0x3FAD]  }
0x2a: {  	p0 =	seq.s32 s5, $0x0;
	s5 =	sld [smem:$0x3FAE]  }
0x2b: {  	s6 =	sld [smem:$0x3FAF]  }
0x2c: {  	s7 =	sld [smem:$0x3FB0]  }
0x2d: {  	s3 =	simm.s32 $0x108;
	s8 =	sld [smem:$0x3FB1]  }
0x2e: {  	s3 =	simm.s32 @!p0 $0x1082;
	s9 =	sld [smem:$0x3FB2]  }
0x2f: {  	lr =	sadd.s32 s0, s3;
	s0 =	sld [smem:$0x3FA9]  }
0x30: {  	s3 =	sld [smem:$0x3FAC]  }
0x31: {  	[smem:$0x3FB5] =	sst s10  }
0x32: {  	s10 =	sld [smem:$0x3FB3];
	_ =	sdelay $0x3  }
0x33: {  	p0 =	seq.s32 s10, $0x1;
	s10 =	sld [smem:$0x3FB5];
	_ =	sdelay $0x3  }
0x34: {  	[smem:$0x3FB5] =	sst s10  }
0x35: {  	s10 =	sld [smem:$0x3FB4];
	_ =	sdelay $0x3  }
0x36: {  	p1 =	seq.s32 s10, $0x1;
	s10 =	sld [smem:$0x3FB5];
	_ =	sdelay $0x3  }
0x37: {  	[smem:$0x3FB5] =	sst s10  }
0x38: {  	s10 =	sld [smem:$0x3FB6]  }
0x39: {  	_ = 	snop;
	(pc) =	sbr.ind lr, $3  }
0x3a: {  	_ = 	snop  }
0x3b: {  	_ = 	snop  }
0x3c: {  	p2 =	seq.s32 s10, $0x1;
	s10 =	sld [smem:$0x3FB5]  }
0x3d: {  	_ =	shalt  }
0x3e: {  	_ =	shalt  }
0x3f: {  	_ =	shalt  }
0x40: {  	_ =	shalt  }
0x41: {  	_ =	shalt  }
0x42: {  	_ =	shalt  }
0x43: {  	_ =	shalt  }
0x44: {  	_ =	shalt  }
0x45: {  	_ =	shalt  }
0x46: {  	_ =	shalt  }
0x47: {  	_ =	shalt  }
0x48: {  	_ =	shalt  }
0x49: {  	_ =	shalt  }
0x4a: {  	_ =	shalt  }
0x4b: {  	_ =	shalt  }
0x4c: {  	_ =	shalt  }
0x4d: {  	_ =	shalt  }
0x4e: {  	_ =	shalt  }
0x4f: {  	_ =	shalt  }
0x50: {  	_ =	shalt  }
0x51: {  	_ =	shalt  }
0x52: {  	_ =	shalt  }
0x53: {  	_ =	shalt  }
0x54: {  	_ =	shalt  }
0x55: {  	_ =	shalt  }
0x56: {  	_ =	shalt  }
0x57: {  	_ =	shalt  }
0x58: {  	_ =	shalt  }
0x59: {  	_ =	shalt  }
0x5a: {  	_ =	shalt  }
0x5b: {  	_ =	shalt  }
0x5c: {  	_ =	shalt  }
0x5d: {  	_ =	shalt  }
0x5e: {  	_ =	shalt  }
0x5f: {  	_ =	shalt  }
0x60: {  	_ =	shalt  }
0x61: {  	_ =	shalt  }
0x62: {  	_ =	shalt  }
0x63: {  	_ =	shalt  }
0x64: {  	_ =	shalt  }
0x65: {  	_ =	shalt  }
0x66: {  	_ =	shalt  }
0x67: {  	_ =	shalt  }
0x68: {  	_ =	shalt  }
0x69: {  	_ =	shalt  }
0x6a: {  	_ =	shalt  }
0x6b: {  	_ =	shalt  }
0x6c: {  	_ =	shalt  }
0x6d: {  	_ =	shalt  }
0x6e: {  	_ =	shalt  }
0x6f: {  	_ =	shalt  }
0x70: {  	_ =	shalt  }
0x71: {  	_ =	shalt  }
0x72: {  	_ =	shalt  }
0x73: {  	_ =	shalt  }
0x74: {  	_ =	shalt  }
0x75: {  	_ =	shalt  }
0x76: {  	_ =	shalt  }
0x77: {  	_ =	shalt  }
0x78: {  	_ =	shalt  }
0x79: {  	_ =	shalt  }
0x7a: {  	_ =	shalt  }
0x7b: {  	_ =	shalt  }
0x7c: {  	_ =	shalt  }
0x7d: {  	_ =	shalt  }
0x7e: {  	_ =	shalt  }
0x7f: {  	_ =	shalt  }
0x80: {  	_ =	shalt  }
0x81: {  	_ =	shalt  }
0x82: {  	_ =	shalt  }
0x83: {  	_ =	shalt  }
0x84: {  	_ =	shalt  }
0x85: {  	_ =	shalt  }
0x86: {  	_ =	shalt  }
0x87: {  	_ =	shalt  }
.Lfunc_end0:
.L_simem_size_0:
called_computation.1_lowered:
.L_overlay_start_0:
0x88: {  	s2 =	sld [smem:$0x3FD9]  }
0x89: {  	s3 =	sld [smem:$0x3FFE];
	_ =	sdelay $0x1  }
0x8a: {  	s1 =	srdreg.scid  }
0x8b: {  	s0 =	sand.u32 $0x1, s1  }
0x8c: {  	s17 =	sshll.u32 s0, $0xA;
	s2 =	sadd.s32 s3, s2  }
0x8d: {  	s2 =	sadd.s32 s2, s17  }
0x8e: {  	[smem:$0x3FC1] =	sst s2  }
0x8f: {  	_ = 	snop  }
0x90: {  	s2 =	sld [smem:$0x3FD0];
	(tm) =	ssettm $0x1  }
0x91: {  	s18 =	sld [smem:$0x3FFB];
	_ =	sdelay $0x3  }
0x92: {  	_ =	strace s18  }
0x93: {  	s3 =	sld [smem:$0x3FFC];
	_ =	sdelay $0x3  }
0x94: {  	_ =	strace s3  }
0x95: {  	s3 =	sld [smem:$0x3FFD];
	_ =	sdelay $0x3  }
0x96: {  	_ =	strace s3  }
0x97: {  	_ =	strace $0x8FFFFFFF  }
0x98: {  	s19 =	sld [smem:$0x3FDB];
	_ =	sdelay $0x1  }
0x99: {  	s4 =	simm.s32 $_scs_section_size  }
0x9a: {  	s5 =	simm.s32 $_size__tile_overlayer_lowered;
	s6 =	simm.s32 $_tile_overlayer_lowered  }
0x9b: {  	s22 =	simm.s32 $0x1BFF;
	s21 =	sshll.u32 s6, $0x1;
	s3 =	sadd.s32 s4, s19  }
0x9c: {  	s7 =	simm.s32 $0x0;
	s20 =	sshll.u32 s5, $0x1;
	s5 =	sadd.s32 s21, s3  }
0x9d: {  	[timem:s7], [sflag:s22] =	dma.local [hbm:s5], s20  }
0x9e: {  	_ =	swait.ge [sflag:s22], s20  }
0x9f: {  	s4 =	ssub.s32 $0x0, s20;
	[sflag:s22] =	ssyncset.done $0x0  }
0xa0: {  	[sflag:s22] =	ssyncadd.s32 s4;
	_ =	sdelay $0x1  }
0xa1: {  	s23 =	simm.s32 $0x1B8B  }
0xa2: {  	_ =	swait.ge [sflag:s23], $0x1  }
0xa3: {  	[sflag:s23] =	ssyncset.done $0x0  }
0xa4: {  	s25 =	simm.s32 $0x1B8E;
	s24 =	sld [smem:$0x3FFE];
	[sflag:s23] =	ssyncadd.s32 $0xFFFFFFFF  }
0xa5: {  	s26 =	simm.s32 $execute0_lowered;
	[smem:$0x3FD2] =	sst s25  }
0xa6: {  	s5 =	sshll.u32 s26, $0x1;
	_ =	strace $0x80000049;
	[dreg:$0x1] =	wrdreg $0xFFFFFFFF  }
0xa7: {  	s28 =	simm.s32 $_size_execute0_lowered;
	s3 =	sadd.s32 s3, s5;
	[dreg:$0x0] =	wrdreg $0x0  }
0xa8: {  	s5 =	sshll.u32 s28, $0x1;
	[dreg:$0x2] =	wrdreg s3  }
0xa9: {  	[dreg:$0x3] =	wrdreg s5  }
0xaa: {  	[dreg:$0x4] =	wrdreg $0xC0  }
0xab: {  	_ =	task [dreg:s7], $0x5FFFF  }
0xac: {  	[dreg:$0x1] =	wrdreg $0xFFFFFFFF  }
0xad: {  	[dreg:$0x0] =	wrdreg $0x60  }
0xae: {  	[dreg:$0x2] =	wrdreg s24  }
0xaf: {  	[dreg:$0x3] =	wrdreg s2  }
0xb0: {  	[dreg:$0x4] =	wrdreg $0xA8000  }
0xb1: {  	[dreg:$0x5] =	wrdreg $0x9  }
0xb2: {  	_ =	task.clear_ibuf [dreg:s7], $0x6FFFF;
	_ =	strace $0x90000049  }
0xb3: {  	s29 =	simm.s32 $0x9;
	_ =	strace $0x8000004B  }
0xb4: {  	_ =	swait.ge [sflag:s29], $0x1  }
0xb5: {  	[sflag:s29] =	ssyncadd.s32 $0xFFFFFFFF  }
0xb6: {  	_ =	strace $0x9000004B  }
0xb7: {  	_ =	sfence  }
0xb8: {  	s30 =	sld [smem:$0x0];
	_ =	sdelay $0x2  }
0xb9: {  	s31 =	sshll.u32 s1, $0xD;
	s1 =	sshrl.u32 s1, $0x2  }
0xba: {  	s3 =	sand.u32 $0x4000, s31;
	s1 =	sadd.s32 s1, s30  }
0xbb: {  	s0 =	sor.u32 s3, s0;
	s1 =	sshll.u32 s1, $0x11  }
0xbc: {  	s0 =	sor.u32 s1, s0  }
0xbd: {  	s0 =	sadd.s32 $0x8F2B, s0  }
0xbe: {  	[sflag:s0] =	ssyncadd.remote.s32 $0x1  }
0xbf: {  	_ =	sfence.sel $0xFFFF  }
0xc0: {  	[dreg:$0x0] =	wrdreg $0xFFFFFFFF;
	(pc) =	sbr.abs _section_cstart, $3  }
0xc1: {  	[dreg:$0x1] =	wrdreg $0xFFFFFFFF  }
0xc2: {  	_ =	task.clear_ibuf [dreg:s7], $0x2FFFF;
	_ =	strace $0x9FFFFFFF  }
0xc3: {  	(tm) =	ssettm $0x7FFFFFFF  }
tec
execute0_lowered:
.L_overlay_start_1:
0x0: {  	(tag) =	ssettag $0x1  }
0x1: {  	s0 =	rddreg [dreg:$0x0]  }
0x2: {  	s14 =	rddreg [dreg:$0x1]  }
0x3: {  	s2 =	rddreg [dreg:$0x2];
	s1 =	srdreg.scid;
	s4 =	simm.s32 $0x0  }
0x4: {  	s12 =	stileid.u32;
	s16 =	simm.s32 $0x3;
	s17 =	simm.s32 $0x1400  }
0x5: {  	s18 =	simm.s32 $0x80;
	s19 =	simm.s32 $0x2800;
	s20 =	simm.s32 $0x6800  }
0x6: {  	s21 =	simm.s32 $0x1;
	s23 =	simm.s32 $0x2;
	s22 =	simm.s32 $0x1C80  }
0x7: {  	s24 =	simm.s32 $0x1380;
	s28 =	simm.s32 $0x0;
	s1 =	sand.u32 $0x1, s1  }
0x8: {  	[smem:$0x7FF] =	sst s4;
	s7 =	smul.u32 $0x14000, s12;
	s5 =	sadd.s32 $0x16800, s0  }
0x9: {  	s13 =	sadd.s32 $0x2E00, s0;
	s6 =	sadd.s32 $0x3E800, s0;
	s8 =	smul.u32 $0x50000, s12  }
0xa: {  	s10 =	sshll.u32 s12, $0x1;
	s29 =	sshll.u32 s12, $0x6;
	s3 =	smul.u32 $0x140000, s1  }
0xb: {  	_ =	strace $0x8000004A;
	s25 =	ssub.s32 $0x2, s1;
	s1 =	sor.u32 s1, s10  }
0xc: {  	s9 =	sshrl.u32 s25, $0x1;
	s26 =	sshrl.u32 s8, $0x2;
	s30 =	smul.u32 $0x500, s1  }
0xd: {  	s8 =	sadd.s32 $0x180, s14;
	p0 =	seq.s32 s1, $0x1F;
	s1 =	simm.s32 $0x900  }
0xe: {  	s3 =	sadd.s32 s7, s3;
	s11 =	ssub.s32 s25, s9;
	s15 =	sadd.s32 s26, s2  }
.Ltmp0:
0xf: {  	s7 =	sor.u32 $0x1C03, s29;
	s25 =	simm.s32 $0x2700;
	(pc) =	sbr.rel .LBB2_1-.Ltmp0, $4  }
0x10: {  	s26 =	simm.s32 $0x2780;
	s3 =	sshrl.u32 s3, $0x3;
	s10 =	smax.u32 s11, $0x1  }
0x11: {  	s31 =	sadd.s32 $0x280, s30;
	s11 =	sadd.s32 s13, s30;
	s15 =	sshrl.u32 s15, $0x3  }
0x12: {  	s3 =	sadd.s32 s3, s0;
	s0 =	sadd.s32 $0xCA80, s0;
	s13 =	sadd.s32 s13, s31  }
0x13: {  	s9 =	sadd.s32 $0x41000, s3;
	s12 =	sadd.s32 s30, s0;
	s14 =	sadd.s32 s31, s0  }
.LBB2_8:
0x14: {  	s0 =	rddreg [dreg:$0x1]  }
0x15: {  	[tilespmem:s4], [sflag:$0x3] =	stream.linear.gather [hbm4b:s0+s4], $0xA00, $0x38;
	[tilespmem:$0x1E800] =	vst v63  }
0x16: {  	_ =	swait.ge [sflag:s16], $0xA00  }
0x17: {  	[sflag:s16] =	ssyncset.done $0x0  }
0x18: {  	[sflag:s16] =	ssyncadd.s32 $0xFFFFF600  }
0x19: {  	[tilespmem:s17], [sflag:$0x3] =	stream.linear.gather [hbm4b:s8+s4], $0xA00, $0x38;
	[tilespmem:$0x1E800] =	vst v63  }
0x1a: {  	_ =	swait.ge [sflag:s16], $0xA00  }
0x1b: {  	[sflag:s16] =	ssyncset.done $0x0  }
0x1c: {  	[sflag:s16] =	ssyncadd.s32 $0xFFFFF600  }
0x1d: {  	[tilespmem:s19], [sflag:$0x1] =	stream.indirect.gather [hbm4b:s5+s18], $0x80, s4, s18, $0xb8;
	[tilespmem:$0x1E800] =	vst v63  }
0x1e: {  	_ = 	snop  }
0x1f: {  	[tilespmem:s20], [sflag:$0x2] =	stream.indirect.gather [hbm4b:s5+s18], $0x80, s18, s18, $0xb8;
	[tilespmem:$0x1E800] =	vst v63  }
0x20: {  	_ =	swait.ge [sflag:s21], $0x4000  }
0x21: {  	[sflag:s21] =	ssyncset.done $0x0  }
0x22: {  	[sflag:s21] =	ssyncadd.s32 $0xFFFFC000  }
0x23: {  	[spmem:s2] =	stream.indirect.scatter.add.f32 [tilespmem:s19], [sflag:$0x3], $0x80, s17, s18, $0xb8;
	[tilespmem:$0x1E800] =	vst v63  }
0x24: {  	_ =	swait.ge [sflag:s16], $0x4000  }
0x25: {  	[sflag:s16] =	ssyncset.done $0x0  }
0x26: {  	s3 =	simm.s32 $0x100;
	[sflag:s16] =	ssyncadd.s32 $0xFFFFC000  }
0x27: {  	[tilespmem:s19], [sflag:$0x1] =	stream.indirect.gather [hbm4b:s5+s18], $0x80, s3, s18, $0xb8;
	[tilespmem:$0x1E800] =	vst v63  }
0x28: {  	_ =	swait.ge [sflag:s23], $0x4000  }
0x29: {  	[sflag:s23] =	ssyncset.done $0x0  }
0x2a: {  	s3 =	simm.s32 $0x1480;
	[sflag:s23] =	ssyncadd.s32 $0xFFFFC000  }
0x2b: {  	[spmem:s2] =	stream.indirect.scatter.add.f32 [tilespmem:s20], [sflag:$0x3], $0x80, s3, s18, $0xb8;
	[tilespmem:$0x1E800] =	vst v63  }
0x2c: {  	_ =	swait.ge [sflag:s16], $0x4000  }
0x2d: {  	[sflag:s16] =	ssyncset.done $0x0  }
0x2e: {  	s3 =	simm.s32 $0x180;
	[sflag:s16] =	ssyncadd.s32 $0xFFFFC000  }
0x2f: {  	[tilespmem:s20], [sflag:$0x2] =	stream.indirect.gather [hbm4b:s5+s18], $0x80, s3, s18, $0xb8;
	[tilespmem:$0x1E800] =	vst v63  }
0x30: {  	_ =	swait.ge [sflag:s21], $0x4000  }
0x31: {  	[sflag:s21] =	ssyncset.done $0x0  }
0x32: {  	s3 =	simm.s32 $0x1500;
	[sflag:s21] =	ssyncadd.s32 $0xFFFFC000  }
0x33: {  	[spmem:s2] =	stream.indirect.scatter.add.f32 [tilespmem:s19], [sflag:$0x3], $0x80, s3, s18, $0xb8;
	[tilespmem:$0x1E800] =	vst v63  }
0x34: {  	_ =	swait.ge [sflag:s16], $0x4000  }
0x35: {  	[sflag:s16] =	ssyncset.done $0x0  }
0x36: {  	s3 =	simm.s32 $0x200;
	[sflag:s16] =	ssyncadd.s32 $0xFFFFC000  }
0x37: {  	[tilespmem:s19], [sflag:$0x1] =	stream.indirect.gather [hbm4b:s5+s18], $0x80, s3, s18, $0xb8;
	[tilespmem:$0x1E800] =	vst v63  }
0x38: {  	_ =	swait.ge [sflag:s23], $0x4000  }
0x39: {  	[sflag:s23] =	ssyncset.done $0x0  }
0x3a: {  	s3 =	simm.s32 $0x1580;
	[sflag:s23] =	ssyncadd.s32 $0xFFFFC000  }
0x3b: {  	[spmem:s2] =	stream.indirect.scatter.add.f32 [tilespmem:s20], [sflag:$0x3], $0x80, s3, s18, $0xb8;
	[tilespmem:$0x1E800] =	vst v63  }
0x3c: {  	_ =	swait.ge [sflag:s16], $0x4000  }
0x3d: {  	[sflag:s16] =	ssyncset.done $0x0  }
0x3e: {  	s3 =	simm.s32 $0x280;
	[sflag:s16] =	ssyncadd.s32 $0xFFFFC000  }
0x3f: {  	[tilespmem:s20], [sflag:$0x2] =	stream.indirect.gather [hbm4b:s5+s18], $0x80, s3, s18, $0xb8;
	[tilespmem:$0x1E800] =	vst v63  }
0x40: {  	_ =	swait.ge [sflag:s21], $0x4000  }
0x41: {  	[sflag:s21] =	ssyncset.done $0x0  }
0x42: {  	s3 =	simm.s32 $0x1600;
	[sflag:s21] =	ssyncadd.s32 $0xFFFFC000  }
0x43: {  	[spmem:s2] =	stream.indirect.scatter.add.f32 [tilespmem:s19], [sflag:$0x3], $0x80, s3, s18, $0xb8;
	[tilespmem:$0x1E800] =	vst v63  }
0x44: {  	_ =	swait.ge [sflag:s16], $0x4000  }
0x45: {  	[sflag:s16] =	ssyncset.done $0x0  }
0x46: {  	s3 =	simm.s32 $0x300;
	[sflag:s16] =	ssyncadd.s32 $0xFFFFC000  }
0x47: {  	[tilespmem:s19], [sflag:$0x1] =	stream.indirect.gather [hbm4b:s5+s18], $0x80, s3, s18, $0xb8;
	[tilespmem:$0x1E800] =	vst v63  }
0x48: {  	_ =	swait.ge [sflag:s23], $0x4000  }
0x49: {  	[sflag:s23] =	ssyncset.done $0x0  }
0x4a: {  	s3 =	simm.s32 $0x1680;
	[sflag:s23] =	ssyncadd.s32 $0xFFFFC000  }
0x4b: {  	[spmem:s2] =	stream.indirect.scatter.add.f32 [tilespmem:s20], [sflag:$0x3], $0x80, s3, s18, $0xb8;
	[tilespmem:$0x1E800] =	vst v63  }
0x4c: {  	_ =	swait.ge [sflag:s16], $0x4000  }
0x4d: {  	[sflag:s16] =	ssyncset.done $0x0  }
0x4e: {  	s3 =	simm.s32 $0x380;
	[sflag:s16] =	ssyncadd.s32 $0xFFFFC000  }
0x4f: {  	[tilespmem:s20], [sflag:$0x2] =	stream.indirect.gather [hbm4b:s5+s18], $0x80, s3, s18, $0xb8;
	[tilespmem:$0x1E800] =	vst v63  }
0x50: {  	_ =	swait.ge [sflag:s21], $0x4000  }
0x51: {  	[sflag:s21] =	ssyncset.done $0x0  }
0x52: {  	s3 =	simm.s32 $0x1700;
	[sflag:s21] =	ssyncadd.s32 $0xFFFFC000  }
0x53: {  	[spmem:s2] =	stream.indirect.scatter.add.f32 [tilespmem:s19], [sflag:$0x3], $0x80, s3, s18, $0xb8;
	[tilespmem:$0x1E800] =	vst v63  }
0x54: {  	_ =	swait.ge [sflag:s16], $0x4000  }
0x55: {  	[sflag:s16] =	ssyncset.done $0x0  }
0x56: {  	s3 =	simm.s32 $0x400;
	[sflag:s16] =	ssyncadd.s32 $0xFFFFC000  }
0x57: {  	[tilespmem:s19], [sflag:$0x1] =	stream.indirect.gather [hbm4b:s5+s18], $0x80, s3, s18, $0xb8;
	[tilespmem:$0x1E800] =	vst v63  }
0x58: {  	_ =	swait.ge [sflag:s23], $0x4000  }
0x59: {  	[sflag:s23] =	ssyncset.done $0x0  }
0x5a: {  	s3 =	simm.s32 $0x1780;
	[sflag:s23] =	ssyncadd.s32 $0xFFFFC000  }
0x5b: {  	[spmem:s2] =	stream.indirect.scatter.add.f32 [tilespmem:s20], [sflag:$0x3], $0x80, s3, s18, $0xb8;
	[tilespmem:$0x1E800] =	vst v63  }
0x5c: {  	_ =	swait.ge [sflag:s16], $0x4000  }
0x5d: {  	[sflag:s16] =	ssyncset.done $0x0  }
0x5e: {  	s3 =	simm.s32 $0x480;
	[sflag:s16] =	ssyncadd.s32 $0xFFFFC000  }
0x5f: {  	[tilespmem:s20], [sflag:$0x2] =	stream.indirect.gather [hbm4b:s5+s18], $0x80, s3, s18, $0xb8;
	[tilespmem:$0x1E800] =	vst v63  }
0x60: {  	_ =	swait.ge [sflag:s21], $0x4000  }
0x61: {  	[sflag:s21] =	ssyncset.done $0x0  }
0x62: {  	s3 =	simm.s32 $0x1800;
	[sflag:s21] =	ssyncadd.s32 $0xFFFFC000  }
0x63: {  	[spmem:s2] =	stream.indirect.scatter.add.f32 [tilespmem:s19], [sflag:$0x3], $0x80, s3, s18, $0xb8;
	[tilespmem:$0x1E800] =	vst v63  }
0x64: {  	_ =	swait.ge [sflag:s16], $0x4000  }
0x65: {  	[sflag:s16] =	ssyncset.done $0x0  }
0x66: {  	s3 =	simm.s32 $0x500;
	[sflag:s16] =	ssyncadd.s32 $0xFFFFC000  }
0x67: {  	[tilespmem:s19], [sflag:$0x1] =	stream.indirect.gather [hbm4b:s5+s18], $0x80, s3, s18, $0xb8;
	[tilespmem:$0x1E800] =	vst v63  }
0x68: {  	_ =	swait.ge [sflag:s23], $0x4000  }
0x69: {  	[sflag:s23] =	ssyncset.done $0x0  }
0x6a: {  	s3 =	simm.s32 $0x1880;
	[sflag:s23] =	ssyncadd.s32 $0xFFFFC000  }
0x6b: {  	[spmem:s2] =	stream.indirect.scatter.add.f32 [tilespmem:s20], [sflag:$0x3], $0x80, s3, s18, $0xb8;
	[tilespmem:$0x1E800] =	vst v63  }
0x6c: {  	_ =	swait.ge [sflag:s16], $0x4000  }
0x6d: {  	[sflag:s16] =	ssyncset.done $0x0  }
0x6e: {  	s3 =	simm.s32 $0x580;
	[sflag:s16] =	ssyncadd.s32 $0xFFFFC000  }
0x6f: {  	[tilespmem:s20], [sflag:$0x2] =	stream.indirect.gather [hbm4b:s5+s18], $0x80, s3, s18, $0xb8;
	[tilespmem:$0x1E800] =	vst v63  }
0x70: {  	_ =	swait.ge [sflag:s21], $0x4000  }
0x71: {  	[sflag:s21] =	ssyncset.done $0x0  }
0x72: {  	s3 =	simm.s32 $0x1900;
	[sflag:s21] =	ssyncadd.s32 $0xFFFFC000  }
0x73: {  	[spmem:s2] =	stream.indirect.scatter.add.f32 [tilespmem:s19], [sflag:$0x3], $0x80, s3, s18, $0xb8;
	[tilespmem:$0x1E800] =	vst v63  }
0x74: {  	_ =	swait.ge [sflag:s16], $0x4000  }
0x75: {  	[sflag:s16] =	ssyncset.done $0x0  }
0x76: {  	s3 =	simm.s32 $0x600;
	[sflag:s16] =	ssyncadd.s32 $0xFFFFC000  }
0x77: {  	[tilespmem:s19], [sflag:$0x1] =	stream.indirect.gather [hbm4b:s5+s18], $0x80, s3, s18, $0xb8;
	[tilespmem:$0x1E800] =	vst v63  }
0x78: {  	_ =	swait.ge [sflag:s23], $0x4000  }
0x79: {  	[sflag:s23] =	ssyncset.done $0x0  }
0x7a: {  	s3 =	simm.s32 $0x1980;
	[sflag:s23] =	ssyncadd.s32 $0xFFFFC000  }
0x7b: {  	[spmem:s2] =	stream.indirect.scatter.add.f32 [tilespmem:s20], [sflag:$0x3], $0x80, s3, s18, $0xb8;
	[tilespmem:$0x1E800] =	vst v63  }
0x7c: {  	_ =	swait.ge [sflag:s16], $0x4000  }
0x7d: {  	[sflag:s16] =	ssyncset.done $0x0  }
0x7e: {  	s3 =	simm.s32 $0x680;
	[sflag:s16] =	ssyncadd.s32 $0xFFFFC000  }
0x7f: {  	[tilespmem:s20], [sflag:$0x2] =	stream.indirect.gather [hbm4b:s5+s18], $0x80, s3, s18, $0xb8;
	[tilespmem:$0x1E800] =	vst v63  }
0x80: {  	_ =	swait.ge [sflag:s21], $0x4000  }
0x81: {  	[sflag:s21] =	ssyncset.done $0x0  }
0x82: {  	s3 =	simm.s32 $0x1A00;
	[sflag:s21] =	ssyncadd.s32 $0xFFFFC000  }
0x83: {  	[spmem:s2] =	stream.indirect.scatter.add.f32 [tilespmem:s19], [sflag:$0x3], $0x80, s3, s18, $0xb8;
	[tilespmem:$0x1E800] =	vst v63  }
0x84: {  	_ =	swait.ge [sflag:s16], $0x4000  }
0x85: {  	[sflag:s16] =	ssyncset.done $0x0  }
0x86: {  	s3 =	simm.s32 $0x700;
	[sflag:s16] =	ssyncadd.s32 $0xFFFFC000  }
0x87: {  	[tilespmem:s19], [sflag:$0x1] =	stream.indirect.gather [hbm4b:s5+s18], $0x80, s3, s18, $0xb8;
	[tilespmem:$0x1E800] =	vst v63  }
0x88: {  	_ =	swait.ge [sflag:s23], $0x4000  }
0x89: {  	[sflag:s23] =	ssyncset.done $0x0  }
0x8a: {  	s3 =	simm.s32 $0x1A80;
	[sflag:s23] =	ssyncadd.s32 $0xFFFFC000  }
0x8b: {  	[spmem:s2] =	stream.indirect.scatter.add.f32 [tilespmem:s20], [sflag:$0x3], $0x80, s3, s18, $0xb8;
	[tilespmem:$0x1E800] =	vst v63  }
0x8c: {  	_ =	swait.ge [sflag:s16], $0x4000  }
0x8d: {  	[sflag:s16] =	ssyncset.done $0x0  }
0x8e: {  	s3 =	simm.s32 $0x780;
	[sflag:s16] =	ssyncadd.s32 $0xFFFFC000  }
0x8f: {  	[tilespmem:s20], [sflag:$0x2] =	stream.indirect.gather [hbm4b:s5+s18], $0x80, s3, s18, $0xb8;
	[tilespmem:$0x1E800] =	vst v63  }
0x90: {  	_ =	swait.ge [sflag:s21], $0x4000  }
0x91: {  	[sflag:s21] =	ssyncset.done $0x0  }
0x92: {  	s3 =	simm.s32 $0x1B00;
	[sflag:s21] =	ssyncadd.s32 $0xFFFFC000  }
0x93: {  	[spmem:s2] =	stream.indirect.scatter.add.f32 [tilespmem:s19], [sflag:$0x3], $0x80, s3, s18, $0xb8;
	[tilespmem:$0x1E800] =	vst v63  }
0x94: {  	_ =	swait.ge [sflag:s16], $0x4000  }
0x95: {  	[sflag:s16] =	ssyncset.done $0x0  }
0x96: {  	s3 =	simm.s32 $0x800;
	[sflag:s16] =	ssyncadd.s32 $0xFFFFC000  }
0x97: {  	[tilespmem:s19], [sflag:$0x1] =	stream.indirect.gather [hbm4b:s5+s18], $0x80, s3, s18, $0xb8;
	[tilespmem:$0x1E800] =	vst v63  }
0x98: {  	_ =	swait.ge [sflag:s23], $0x4000  }
0x99: {  	[sflag:s23] =	ssyncset.done $0x0  }
0x9a: {  	s3 =	simm.s32 $0x1B80;
	[sflag:s23] =	ssyncadd.s32 $0xFFFFC000  }
0x9b: {  	[spmem:s2] =	stream.indirect.scatter.add.f32 [tilespmem:s20], [sflag:$0x3], $0x80, s3, s18, $0xb8;
	[tilespmem:$0x1E800] =	vst v63  }
0x9c: {  	_ =	swait.ge [sflag:s16], $0x4000  }
0x9d: {  	[sflag:s16] =	ssyncset.done $0x0  }
0x9e: {  	s3 =	simm.s32 $0x880;
	[sflag:s16] =	ssyncadd.s32 $0xFFFFC000  }
0x9f: {  	[tilespmem:s20], [sflag:$0x2] =	stream.indirect.gather [hbm4b:s5+s18], $0x80, s3, s18, $0xb8;
	[tilespmem:$0x1E800] =	vst v63  }
0xa0: {  	_ =	swait.ge [sflag:s21], $0x4000  }
0xa1: {  	[sflag:s21] =	ssyncset.done $0x0  }
0xa2: {  	s3 =	simm.s32 $0x1C00;
	[sflag:s21] =	ssyncadd.s32 $0xFFFFC000  }
0xa3: {  	[spmem:s2] =	stream.indirect.scatter.add.f32 [tilespmem:s19], [sflag:$0x3], $0x80, s3, s18, $0xb8;
	[tilespmem:$0x1E800] =	vst v63  }
0xa4: {  	_ =	swait.ge [sflag:s16], $0x4000  }
0xa5: {  	[sflag:s16] =	ssyncset.done $0x0  }
0xa6: {  	[sflag:s16] =	ssyncadd.s32 $0xFFFFC000  }
0xa7: {  	[tilespmem:s19], [sflag:$0x1] =	stream.indirect.gather [hbm4b:s5+s18], $0x80, s1, s18, $0xb8;
	[tilespmem:$0x1E800] =	vst v63  }
0xa8: {  	_ =	swait.ge [sflag:s23], $0x4000  }
0xa9: {  	[sflag:s23] =	ssyncset.done $0x0  }
0xaa: {  	[sflag:s23] =	ssyncadd.s32 $0xFFFFC000  }
0xab: {  	[spmem:s2] =	stream.indirect.scatter.add.f32 [tilespmem:s20], [sflag:$0x3], $0x80, s22, s18, $0xb8;
	[tilespmem:$0x1E800] =	vst v63  }
0xac: {  	_ =	swait.ge [sflag:s16], $0x4000  }
0xad: {  	s29 =	simm.s32 $0x1D80;
	[sflag:s16] =	ssyncset.done $0x0  }
0xae: {  	s30 =	simm.s32 $0x1D00;
	s31 =	simm.s32 $0x980;
	[sflag:s16] =	ssyncadd.s32 $0xFFFFC000  }
.LBB2_9:
0xaf: {  	[tilespmem:s20], [sflag:$0x2] =	stream.indirect.gather [hbm4b:s5+s18], $0x80, s31, s18, $0xb8;
	[tilespmem:$0x1E800] =	vst v63  }
0xb0: {  	_ =	swait.ge [sflag:s21], $0x4000  }
0xb1: {  	[sflag:s21] =	ssyncset.done $0x0  }
0xb2: {  	[sflag:s21] =	ssyncadd.s32 $0xFFFFC000  }
0xb3: {  	[spmem:s2] =	stream.indirect.scatter.add.f32 [tilespmem:s19], [sflag:$0x3], $0x80, s30, s18, $0xb8;
	[tilespmem:$0x1E800] =	vst v63  }
0xb4: {  	_ =	swait.ge [sflag:s16], $0x4000  }
0xb5: {  	[sflag:s16] =	ssyncset.done $0x0  }
0xb6: {  	[sflag:s16] =	ssyncadd.s32 $0xFFFFC000  }
0xb7: {  	_ =	swait.ge [sflag:s23], $0x4000  }
0xb8: {  	[sflag:s23] =	ssyncset.done $0x0  }
0xb9: {  	[sflag:s23] =	ssyncadd.s32 $0xFFFFC000  }
0xba: {  	[spmem:s2] =	stream.indirect.scatter.add.f32 [tilespmem:s20], [sflag:$0x3], $0x80, s29, s18, $0xb8;
	[tilespmem:$0x1E800] =	vst v63  }
0xbb: {  	_ =	swait.ge [sflag:s16], $0x4000  }
0xbc: {  	s28 =	sadd.s32 $0x1, s28;
	[sflag:s16] =	ssyncset.done $0x0  }
0xbd: {  	p1 =	sne.s32 s28, s10;
	[sflag:s16] =	ssyncadd.s32 $0xFFFFC000  }
.Ltmp1:
0xbe: {  	[bflag:$0x0] =	sbarrier.arrive $0xFFFF;
	(pc) =	sbr.rel @!p1 .LBB2_10-.Ltmp1, $4  }
0xbf: {  	[hbm:s9], [sflag:s7] =	dma.local [spmem:s15], $0x2800  }
0xc0: {  	_ =	swait.ge [sflag:s16], $0x2800  }
0xc1: {  	[sflag:s16] =	ssyncset.done $0x0  }
0xc2: {  	[sflag:s16] =	ssyncadd.s32 $0xFFFFD800  }
.LBB2_1:
0xc3: {  	[spmem:s15], [sflag:s7] =	dma.local [hbm:s6], $0x2800  }
.Ltmp2:
0xc4: {  	_ =	swait.ge [sflag:s16], $0x2800;
	(pc) =	sbr.rel @p0 .LBB2_8-.Ltmp2, $3  }
0xc5: {  	[sflag:s16] =	ssyncset.done $0x0  }
0xc6: {  	[sflag:s16] =	ssyncadd.s32 $0xFFFFD800  }
0xc7: {  	[bflag:$0x0] =	sbarrier.arrive $0xFFFF;
	_ =	sdelay $0x1  }
0xc8: {  	s29 =	simm.s32 $0x0  }
0xc9: {  	[tilespmem:s29], [sflag:$0x3] =	stream.linear.gather [hbm4b:s11+s29], $0x1400, $0x38;
	[tilespmem:$0x1E800] =	vst v63  }
0xca: {  	_ =	swait.ge [sflag:s16], $0x1400  }
0xcb: {  	[sflag:s16] =	ssyncset.done $0x0  }
0xcc: {  	[sflag:s16] =	ssyncadd.s32 $0xFFFFEC00  }
0xcd: {  	[tilespmem:s17], [sflag:$0x3] =	stream.linear.gather [hbm4b:s12+s29], $0x1400, $0x38;
	[tilespmem:$0x1E800] =	vst v63  }
0xce: {  	_ =	swait.ge [sflag:s16], $0x1400  }
0xcf: {  	[sflag:s16] =	ssyncset.done $0x0  }
0xd0: {  	[sflag:s16] =	ssyncadd.s32 $0xFFFFEC00  }
0xd1: {  	[tilespmem:s19], [sflag:$0x1] =	stream.indirect.gather [hbm4b:s5+s18], $0x80, s29, s18, $0xb8;
	[tilespmem:$0x1E800] =	vst v63  }
0xd2: {  	s29 =	simm.s32 $0x80  }
0xd3: {  	[tilespmem:s20], [sflag:$0x2] =	stream.indirect.gather [hbm4b:s5+s18], $0x80, s29, s18, $0xb8;
	[tilespmem:$0x1E800] =	vst v63  }
0xd4: {  	_ =	swait.ge [sflag:s21], $0x4000  }
0xd5: {  	[sflag:s21] =	ssyncset.done $0x0  }
0xd6: {  	s29 =	simm.s32 $0x1400;
	[sflag:s21] =	ssyncadd.s32 $0xFFFFC000  }
0xd7: {  	[spmem:s2] =	stream.indirect.scatter.add.f32 [tilespmem:s19], [sflag:$0x3], $0x80, s29, s18, $0xb8;
	[tilespmem:$0x1E800] =	vst v63  }
0xd8: {  	_ =	swait.ge [sflag:s16], $0x4000  }
0xd9: {  	[sflag:s16] =	ssyncset.done $0x0  }
0xda: {  	s29 =	simm.s32 $0x100;
	[sflag:s16] =	ssyncadd.s32 $0xFFFFC000  }
0xdb: {  	[tilespmem:s19], [sflag:$0x1] =	stream.indirect.gather [hbm4b:s5+s18], $0x80, s29, s18, $0xb8;
	[tilespmem:$0x1E800] =	vst v63  }
0xdc: {  	_ =	swait.ge [sflag:s23], $0x4000  }
0xdd: {  	[sflag:s23] =	ssyncset.done $0x0  }
0xde: {  	s29 =	simm.s32 $0x1480;
	[sflag:s23] =	ssyncadd.s32 $0xFFFFC000  }
0xdf: {  	[spmem:s2] =	stream.indirect.scatter.add.f32 [tilespmem:s20], [sflag:$0x3], $0x80, s29, s18, $0xb8;
	[tilespmem:$0x1E800] =	vst v63  }
0xe0: {  	_ =	swait.ge [sflag:s16], $0x4000  }
0xe1: {  	s30 =	simm.s32 $0x800;
	s29 =	simm.s32 $0x100;
	[sflag:s16] =	ssyncset.done $0x0  }
.LBB2_3:
0xe2: {  	s31 =	sadd.s32 $0x80, s29  }
0xe3: {  	[sflag:s16] =	ssyncadd.s32 $0xFFFFC000;
	s0 =	smov.u32 s30;
	s3 =	sadd.s32 $0x400, s30  }
0xe4: {  	[tilespmem:s20], [sflag:$0x2] =	stream.indirect.gather [hbm4b:s5+s18], $0x80, s31, s18, $0xb8;
	[tilespmem:$0x1E800] =	vst v63  }
0xe5: {  	p1 =	sne.s32 s30, $0x4800;
	_ =	swait.ge [sflag:s21], $0x4000  }
0xe6: {  	[sflag:s21] =	ssyncset.done $0x0  }
0xe7: {  	s30 =	sadd.s32 $0x1400, s29;
	[sflag:s21] =	ssyncadd.s32 $0xFFFFC000  }
0xe8: {  	[spmem:s2] =	stream.indirect.scatter.add.f32 [tilespmem:s19], [sflag:$0x3], $0x80, s30, s18, $0xb8;
	[tilespmem:$0x1E800] =	vst v63  }
0xe9: {  	_ =	swait.ge [sflag:s16], $0x4000  }
0xea: {  	[sflag:s16] =	ssyncset.done $0x0  }
0xeb: {  	s30 =	sadd.s32 $0x100, s29;
	[sflag:s16] =	ssyncadd.s32 $0xFFFFC000  }
0xec: {  	[tilespmem:s19], [sflag:$0x1] =	stream.indirect.gather [hbm4b:s5+s18], $0x80, s30, s18, $0xb8;
	[tilespmem:$0x1E800] =	vst v63  }
0xed: {  	_ =	swait.ge [sflag:s23], $0x4000  }
.Ltmp3:
0xee: {  	[sflag:s23] =	ssyncset.done $0x0;
	(pc) =	sbr.rel @p1 .LBB2_3-.Ltmp3, $4  }
0xef: {  	s29 =	sadd.s32 $0x1480, s29;
	[sflag:s23] =	ssyncadd.s32 $0xFFFFC000  }
0xf0: {  	[spmem:s2] =	stream.indirect.scatter.add.f32 [tilespmem:s20], [sflag:$0x3], $0x80, s29, s18, $0xb8;
	[tilespmem:$0x1E800] =	vst v63  }
0xf1: {  	_ =	swait.ge [sflag:s16], $0x4000  }
0xf2: {  	s30 =	smov.u32 s3;
	s29 =	sshra.s32 s0, $0x2;
	[sflag:s16] =	ssyncset.done $0x0  }
0xf3: {  	s0 =	sadd.s32 $0x80, s29;
	[sflag:s16] =	ssyncadd.s32 $0xFFFFC000  }
0xf4: {  	[tilespmem:s20], [sflag:$0x2] =	stream.indirect.gather [hbm4b:s5+s18], $0x80, s0, s18, $0xb8;
	[tilespmem:$0x1E800] =	vst v63  }
0xf5: {  	_ =	swait.ge [sflag:s21], $0x4000  }
0xf6: {  	[sflag:s21] =	ssyncset.done $0x0  }
0xf7: {  	s31 =	sadd.s32 $0x1400, s29;
	[sflag:s21] =	ssyncadd.s32 $0xFFFFC000  }
0xf8: {  	[spmem:s2] =	stream.indirect.scatter.add.f32 [tilespmem:s19], [sflag:$0x3], $0x80, s31, s18, $0xb8;
	[tilespmem:$0x1E800] =	vst v63  }
0xf9: {  	_ =	swait.ge [sflag:s16], $0x4000  }
0xfa: {  	[sflag:s16] =	ssyncset.done $0x0  }
0xfb: {  	s3 =	sadd.s32 $0x100, s29;
	[sflag:s16] =	ssyncadd.s32 $0xFFFFC000  }
0xfc: {  	[tilespmem:s19], [sflag:$0x1] =	stream.indirect.gather [hbm4b:s5+s18], $0x80, s3, s18, $0xb8;
	[tilespmem:$0x1E800] =	vst v63  }
0xfd: {  	_ =	swait.ge [sflag:s23], $0x4000  }
0xfe: {  	[sflag:s23] =	ssyncset.done $0x0  }
0xff: {  	s30 =	sadd.s32 $0x1480, s29;
	[sflag:s23] =	ssyncadd.s32 $0xFFFFC000  }
0x100: {  	[spmem:s2] =	stream.indirect.scatter.add.f32 [tilespmem:s20], [sflag:$0x3], $0x80, s30, s18, $0xb8;
	[tilespmem:$0x1E800] =	vst v63  }
0x101: {  	_ =	swait.ge [sflag:s16], $0x4000  }
0x102: {  	[sflag:s16] =	ssyncset.done $0x0  }
0x103: {  	[sflag:s16] =	ssyncadd.s32 $0xFFFFC000  }
0x104: {  	[tilespmem:s20], [sflag:$0x2] =	stream.indirect.gather [hbm4b:s5+s18], $0x80, s24, s18, $0xb8;
	[tilespmem:$0x1E800] =	vst v63  }
0x105: {  	_ =	swait.ge [sflag:s21], $0x4000  }
0x106: {  	[sflag:s21] =	ssyncset.done $0x0  }
0x107: {  	[sflag:s21] =	ssyncadd.s32 $0xFFFFC000  }
0x108: {  	[spmem:s2] =	stream.indirect.scatter.add.f32 [tilespmem:s19], [sflag:$0x3], $0x80, s25, s18, $0xb8;
	[tilespmem:$0x1E800] =	vst v63  }
0x109: {  	_ =	swait.ge [sflag:s16], $0x4000  }
0x10a: {  	[sflag:s16] =	ssyncset.done $0x0  }
0x10b: {  	[sflag:s16] =	ssyncadd.s32 $0xFFFFC000  }
0x10c: {  	_ =	swait.ge [sflag:s23], $0x4000  }
0x10d: {  	[sflag:s23] =	ssyncset.done $0x0  }
0x10e: {  	[sflag:s23] =	ssyncadd.s32 $0xFFFFC000  }
0x10f: {  	[spmem:s2] =	stream.indirect.scatter.add.f32 [tilespmem:s20], [sflag:$0x3], $0x80, s26, s18, $0xb8;
	[tilespmem:$0x1E800] =	vst v63  }
0x110: {  	_ =	swait.ge [sflag:s16], $0x4000  }
0x111: {  	[sflag:s16] =	ssyncset.done $0x0  }
0x112: {  	s31 =	simm.s32 $0x0;
	[sflag:s16] =	ssyncadd.s32 $0xFFFFC000  }
0x113: {  	[tilespmem:s31], [sflag:$0x3] =	stream.linear.gather [hbm4b:s13+s31], $0x1400, $0x38;
	[tilespmem:$0x1E800] =	vst v63  }
0x114: {  	_ =	swait.ge [sflag:s16], $0x1400  }
0x115: {  	[sflag:s16] =	ssyncset.done $0x0  }
0x116: {  	p2 =	por $0x0, $0x0;
	[sflag:s16] =	ssyncadd.s32 $0xFFFFEC00  }
0x117: {  	[tilespmem:s17], [sflag:$0x3] =	stream.linear.gather [hbm4b:s14+s31], $0x1400, $0x38;
	[tilespmem:$0x1E800] =	vst v63  }
.Ltmp4:
0x118: {  	_ = 	snop;
	(pc) =	sbr.rel @p2 .LBB2_7-.Ltmp4, $4  }
0x119: {  	_ =	swait.ge [sflag:s16], $0x1400  }
0x11a: {  	[sflag:s16] =	ssyncset.done $0x0  }
0x11b: {  	s29 =	simm.s32 $0x0;
	p1 =	por $0x0, $0x0;
	[sflag:s16] =	ssyncadd.s32 $0xFFFFEC00  }
0x11c: {  	[tilespmem:s19], [sflag:$0x1] =	stream.indirect.gather [hbm4b:s5+s18], $0x80, s31, s18, $0xb8;
	[tilespmem:$0x1E800] =	vst v63  }
0x11d: {  	s0 =	simm.s32 $0x80  }
0x11e: {  	[tilespmem:s20], [sflag:$0x2] =	stream.indirect.gather [hbm4b:s5+s18], $0x80, s0, s18, $0xb8;
	[tilespmem:$0x1E800] =	vst v63  }
0x11f: {  	_ =	swait.ge [sflag:s21], $0x4000  }
0x120: {  	[sflag:s21] =	ssyncset.done $0x0  }
0x121: {  	s31 =	simm.s32 $0x1400;
	[sflag:s21] =	ssyncadd.s32 $0xFFFFC000  }
0x122: {  	[spmem:s2] =	stream.indirect.scatter.add.f32 [tilespmem:s19], [sflag:$0x3], $0x80, s31, s18, $0xb8;
	[tilespmem:$0x1E800] =	vst v63  }
0x123: {  	_ =	swait.ge [sflag:s16], $0x4000  }
0x124: {  	[sflag:s16] =	ssyncset.done $0x0  }
0x125: {  	s3 =	simm.s32 $0x100;
	[sflag:s16] =	ssyncadd.s32 $0xFFFFC000  }
0x126: {  	[tilespmem:s19], [sflag:$0x1] =	stream.indirect.gather [hbm4b:s5+s18], $0x80, s3, s18, $0xb8;
	[tilespmem:$0x1E800] =	vst v63  }
0x127: {  	p2 =	por $0x0, $0x0;
	_ =	swait.ge [sflag:s23], $0x4000  }
.Ltmp5:
0x128: {  	[sflag:s23] =	ssyncset.done $0x0;
	(pc) =	sbr.rel @p2 .LBB2_7-.Ltmp5, $4  }
0x129: {  	s31 =	simm.s32 $0x1480;
	[sflag:s23] =	ssyncadd.s32 $0xFFFFC000  }
0x12a: {  	[spmem:s2] =	stream.indirect.scatter.add.f32 [tilespmem:s20], [sflag:$0x3], $0x80, s31, s18, $0xb8;
	[tilespmem:$0x1E800] =	vst v63  }
0x12b: {  	s30 =	simm.s32 $0x800;
	_ =	swait.ge [sflag:s16], $0x4000  }
0x12c: {  	s29 =	simm.s32 $0x100;
	p1 =	por $0x1, $0x1;
	[sflag:s16] =	ssyncset.done $0x0  }
.LBB2_6:
0x12d: {  	s0 =	sadd.s32 $0x80, s29  }
0x12e: {  	[sflag:s16] =	ssyncadd.s32 $0xFFFFC000;
	s3 =	smov.u32 s30;
	s31 =	sadd.s32 $0x400, s30  }
0x12f: {  	[tilespmem:s20], [sflag:$0x2] =	stream.indirect.gather [hbm4b:s5+s18], $0x80, s0, s18, $0xb8;
	[tilespmem:$0x1E800] =	vst v63  }
0x130: {  	p2 =	seq.s32 s30, $0x4800;
	_ =	swait.ge [sflag:s21], $0x4000  }
0x131: {  	[sflag:s21] =	ssyncset.done $0x0  }
0x132: {  	s0 =	sadd.s32 $0x1400, s29;
	[sflag:s21] =	ssyncadd.s32 $0xFFFFC000  }
0x133: {  	[spmem:s2] =	stream.indirect.scatter.add.f32 [tilespmem:s19], [sflag:$0x3], $0x80, s0, s18, $0xb8;
	[tilespmem:$0x1E800] =	vst v63  }
0x134: {  	_ =	swait.ge [sflag:s16], $0x4000  }
0x135: {  	[sflag:s16] =	ssyncset.done $0x0  }
0x136: {  	s0 =	sadd.s32 $0x100, s29;
	[sflag:s16] =	ssyncadd.s32 $0xFFFFC000  }
0x137: {  	[tilespmem:s19], [sflag:$0x1] =	stream.indirect.gather [hbm4b:s5+s18], $0x80, s0, s18, $0xb8;
	[tilespmem:$0x1E800] =	vst v63  }
0x138: {  	_ =	swait.ge [sflag:s23], $0x4000  }
.Ltmp6:
0x139: {  	[sflag:s23] =	ssyncset.done $0x0;
	(pc) =	sbr.rel @!p2 .LBB2_6-.Ltmp6, $4  }
0x13a: {  	s0 =	sadd.s32 $0x1480, s29;
	[sflag:s23] =	ssyncadd.s32 $0xFFFFC000  }
0x13b: {  	[spmem:s2] =	stream.indirect.scatter.add.f32 [tilespmem:s20], [sflag:$0x3], $0x80, s0, s18, $0xb8;
	[tilespmem:$0x1E800] =	vst v63  }
0x13c: {  	_ =	swait.ge [sflag:s16], $0x4000  }
0x13d: {  	s30 =	smov.u32 s31;
	s29 =	sshra.s32 s3, $0x2;
	[sflag:s16] =	ssyncset.done $0x0  }
.LBB2_7:
0x13e: {  	s0 =	sadd.s32 $0x80, s29;
	[sflag:s16] =	ssyncadd.s32 @p1 $0xFFFFC000  }
0x13f: {  	[tilespmem:s20], [sflag:$0x2] =	stream.indirect.gather [hbm4b:s5+s18], $0x80, s0, s18, $0xb8;
	[tilespmem:$0x1E800] =	vst v63  }
0x140: {  	_ =	swait.ge [sflag:s21], $0x4000  }
0x141: {  	[sflag:s21] =	ssyncset.done $0x0  }
0x142: {  	s3 =	sadd.s32 $0x1400, s29;
	[sflag:s21] =	ssyncadd.s32 $0xFFFFC000  }
0x143: {  	[spmem:s2] =	stream.indirect.scatter.add.f32 [tilespmem:s19], [sflag:$0x3], $0x80, s3, s18, $0xb8;
	[tilespmem:$0x1E800] =	vst v63  }
0x144: {  	_ =	swait.ge [sflag:s16], $0x4000  }
0x145: {  	[sflag:s16] =	ssyncset.done $0x0  }
0x146: {  	s3 =	sadd.s32 $0x100, s29;
	[sflag:s16] =	ssyncadd.s32 $0xFFFFC000  }
0x147: {  	[tilespmem:s19], [sflag:$0x1] =	stream.indirect.gather [hbm4b:s5+s18], $0x80, s3, s18, $0xb8;
	[tilespmem:$0x1E800] =	vst v63  }
0x148: {  	_ =	swait.ge [sflag:s23], $0x4000  }
0x149: {  	[sflag:s23] =	ssyncset.done $0x0  }
.Ltmp7:
0x14a: {  	s3 =	sadd.s32 $0x1480, s29;
	[sflag:s23] =	ssyncadd.s32 $0xFFFFC000;
	(pc) =	sbr.rel .LBB2_9-.Ltmp7, $4  }
0x14b: {  	[spmem:s2] =	stream.indirect.scatter.add.f32 [tilespmem:s20], [sflag:$0x3], $0x80, s3, s18, $0xb8;
	[tilespmem:$0x1E800] =	vst v63  }
0x14c: {  	_ =	swait.ge [sflag:s16], $0x4000  }
0x14d: {  	s30 =	simm.s32 $0x2700;
	[sflag:s16] =	ssyncset.done $0x0  }
0x14e: {  	s31 =	simm.s32 $0x1380;
	s29 =	simm.s32 $0x2780;
	[sflag:s16] =	ssyncadd.s32 $0xFFFFC000  }
.LBB2_10:
0x14f: {  	_ =	sfence.sel $0x180000  }
0x150: {  	[bflag:$0x0] =	sbarrier.arrive $0xFFFF  }
0x151: {  	_ =	strace $0x9000004A  }
0x152: {  	s0 =	stileid.u32;
	[bflag:$0x2] =	sbarrier.arrive $0xFFFF  }
0x153: {  	p0 =	sne.s32 s0, $0x0;
	s0 =	rddreg [dreg:$0x3]  }
0x154: {  	s0 =	sadd.s32 @!p0 $0x100000, s0  }
0x155: {  	[sflag:s0] =	ssyncadd.tile.s32 @!p0 $0x1;
	_ =	shalt  }
.Lfunc_end2:
_tile_overlayer_lowered:
.L_overlay_start_2:
0x156: {  	(tag) =	ssettag $0x2  }
0x157: {  	s0 =	rddreg [dreg:$0x0];
	s2 =	stileid.u32  }
0x158: {  	s1 =	rddreg [dreg:$0x1];
	p0 =	sne.s32 s2, $0x0  }
0x159: {  	s3 =	rddreg [dreg:$0x2];
	[bflag:$0x3] =	sbarrier.arrive $0xFFFF;
	s2 =	simm.s32 @!p0 $0x1C03  }
0x15a: {  	[timem:s3], [sflag:s2] =	dma.local @!p0 [hbm:s0], s1  }
0x15b: {  	s0 =	simm.s32 @!p0 $0x3  }
0x15c: {  	_ =	swait.ge @!p0 [sflag:s0], s1  }
0x15d: {  	s1 =	ssub.s32 @!p0 $0x0, s1;
	[sflag:s0] =	ssyncset.done @!p0 $0x0  }
0x15e: {  	[sflag:s0] =	ssyncadd.s32 @!p0 s1  }
0x15f: {  	[bflag:$0x3] =	sbarrier.arrive $0xFFFF  }
0x160: {  	_ =	shalt  }

// kernel: kernel.14.cloned.1.call-start
scs
__scs_entry_jumppad:
0x0: {  	(pc) =	sbr.rel $0x88, $3  }
0x1: {  	(tag) =	ssettag $0x0;
	lr =	simm.s32 $0x1  }
0x2: {  	[smem:$0x3F9A] =	sst lr;
	_ =	strace $0xD0000000  }
0x3: {  	_ = 	snop  }
0x4: {  	_ = 	snop  }
0x5: {  	_ = 	snop  }
0x6: {  	_ = 	snop  }
0x7: {  	_ = 	snop  }
__scs_overlays_trampoline_lowered:
0x8: {  	[smem:$0x3FA9] =	sst s0  }
0x9: {  	[smem:$0x3FAA] =	sst s1  }
0xa: {  	[smem:$0x3FAB] =	sst s2  }
0xb: {  	[smem:$0x3FAC] =	sst s3  }
0xc: {  	[smem:$0x3FAD] =	sst s4  }
0xd: {  	[smem:$0x3FAE] =	sst s5  }
0xe: {  	[smem:$0x3FAF] =	sst s6  }
0xf: {  	[smem:$0x3FB0] =	sst s7  }
0x10: {  	[smem:$0x3FB1] =	sst s8  }
0x11: {  	[smem:$0x3FB2] =	sst s9;
	s0 =	simm.s32 @!p0 $0x0  }
0x12: {  	s1 =	sld [smem:$0x3F98];
	s0 =	simm.s32 @p0 $0x1  }
0x13: {  	[smem:$0x3FB3] =	sst s0;
	s0 =	simm.s32 @!p1 $0x0  }
0x14: {  	s2 =	sld [smem:$0x3F97];
	s0 =	simm.s32 @p1 $0x1  }
0x15: {  	[smem:$0x3FB4] =	sst s0;
	s0 =	simm.s32 @!p2 $0x0  }
0x16: {  	s3 =	sld [smem:$0x3FDB];
	s0 =	simm.s32 @p2 $0x1  }
0x17: {  	s4 =	simm.s32 $0x1BF5;
	[smem:$0x3FB6] =	sst s0  }
0x18: {  	s0 =	sld [smem:$0x3F99];
	_ =	swait.ge [sflag:s4], $0x0  }
0x19: {  	s7 =	sld [smem:$0x3F9A]  }
0x1a: {  	s8 =	sadd.s32 $0xFFFFE003, lr  }
0x1b: {  	s9 =	sadd.s32 $0xFFFFFEF7, lr;
	s5 =	simm.s32 $0xFFFFFFFF;
	p2 =	slt.u32 s8, $0xFFFFF086  }
0x1c: {  	p1 =	slt.u32 s9, $0xF7A;
	s5 =	simm.s32 @!p2 $0x0  }
0x1d: {  	s5 =	simm.s32 @p1 $0x1;
	p0 =	seq.s32 s7, s2  }
0x1e: {  	s7 =	smul.u32 @!p0 $0xF7A, s2;
	p2 =	seq.s32 @!p0 s5, $0x0  }
0x1f: {  	s9 =	smul.u32 $0xF7A, s1;
	s8 =	simm.s32 @!p0 $0x1BF5;
	p2 =	por !p2, p0  }
0x20: {  	[sflag:s8] =	ssyncset.s32 @!p0 $0xFFFFF086;
	s6 =	sadd.s32 @!p0 s3, s7;
	s7 =	simm.s32 @!p0 $0x108  }
0x21: {  	s3 =	sadd.s32 s3, s9;
	s6 =	sadd.s32 @!p0 $0x88, s6;
	s7 =	simm.s32 @p2 $0x1082  }
0x22: {  	[simem:s7], [sflag:s8] =	dma.local @!p0 [hbm:s6], $0xF7A  }
0x23: {  	s9 =	sor.u32 $0xD0000000, s2;
	s6 =	simm.s32 $0x108;
	_ =	swait.ge @!p0 [sflag:s8], $0x0  }
0x24: {  	s3 =	sadd.s32 $0x88, s3;
	s6 =	simm.s32 @!p1 $0x1082;
	[sflag:s4] =	ssyncset.s32 $0xFFFFF086  }
0x25: {  	[simem:s6], [sflag:s4] =	dma.local [hbm:s3], $0xF7A  }
0x26: {  	[smem:$0x3F9A] =	sst s1;
	(tag) =	ssettag s2;
	_ =	strace s9  }
0x27: {  	s1 =	sld [smem:$0x3FAA]  }
0x28: {  	s2 =	sld [smem:$0x3FAB]  }
0x29: {  	s4 =	sld [smem:$0x3FAD]  }
0x2a: {  	p0 =	seq.s32 s5, $0x0;
	s5 =	sld [smem:$0x3FAE]  }
0x2b: {  	s6 =	sld [smem:$0x3FAF]  }
0x2c: {  	s7 =	sld [smem:$0x3FB0]  }
0x2d: {  	s3 =	simm.s32 $0x108;
	s8 =	sld [smem:$0x3FB1]  }
0x2e: {  	s3 =	simm.s32 @!p0 $0x1082;
	s9 =	sld [smem:$0x3FB2]  }
0x2f: {  	lr =	sadd.s32 s0, s3;
	s0 =	sld [smem:$0x3FA9]  }
0x30: {  	s3 =	sld [smem:$0x3FAC]  }
0x31: {  	[smem:$0x3FB5] =	sst s10  }
0x32: {  	s10 =	sld [smem:$0x3FB3];
	_ =	sdelay $0x3  }
0x33: {  	p0 =	seq.s32 s10, $0x1;
	s10 =	sld [smem:$0x3FB5];
	_ =	sdelay $0x3  }
0x34: {  	[smem:$0x3FB5] =	sst s10  }
0x35: {  	s10 =	sld [smem:$0x3FB4];
	_ =	sdelay $0x3  }
0x36: {  	p1 =	seq.s32 s10, $0x1;
	s10 =	sld [smem:$0x3FB5];
	_ =	sdelay $0x3  }
0x37: {  	[smem:$0x3FB5] =	sst s10  }
0x38: {  	s10 =	sld [smem:$0x3FB6]  }
0x39: {  	_ = 	snop;
	(pc) =	sbr.ind lr, $3  }
0x3a: {  	_ = 	snop  }
0x3b: {  	_ = 	snop  }
0x3c: {  	p2 =	seq.s32 s10, $0x1;
	s10 =	sld [smem:$0x3FB5]  }
0x3d: {  	_ =	shalt  }
0x3e: {  	_ =	shalt  }
0x3f: {  	_ =	shalt  }
0x40: {  	_ =	shalt  }
0x41: {  	_ =	shalt  }
0x42: {  	_ =	shalt  }
0x43: {  	_ =	shalt  }
0x44: {  	_ =	shalt  }
0x45: {  	_ =	shalt  }
0x46: {  	_ =	shalt  }
0x47: {  	_ =	shalt  }
0x48: {  	_ =	shalt  }
0x49: {  	_ =	shalt  }
0x4a: {  	_ =	shalt  }
0x4b: {  	_ =	shalt  }
0x4c: {  	_ =	shalt  }
0x4d: {  	_ =	shalt  }
0x4e: {  	_ =	shalt  }
0x4f: {  	_ =	shalt  }
0x50: {  	_ =	shalt  }
0x51: {  	_ =	shalt  }
0x52: {  	_ =	shalt  }
0x53: {  	_ =	shalt  }
0x54: {  	_ =	shalt  }
0x55: {  	_ =	shalt  }
0x56: {  	_ =	shalt  }
0x57: {  	_ =	shalt  }
0x58: {  	_ =	shalt  }
0x59: {  	_ =	shalt  }
0x5a: {  	_ =	shalt  }
0x5b: {  	_ =	shalt  }
0x5c: {  	_ =	shalt  }
0x5d: {  	_ =	shalt  }
0x5e: {  	_ =	shalt  }
0x5f: {  	_ =	shalt  }
0x60: {  	_ =	shalt  }
0x61: {  	_ =	shalt  }
0x62: {  	_ =	shalt  }
0x63: {  	_ =	shalt  }
0x64: {  	_ =	shalt  }
0x65: {  	_ =	shalt  }
0x66: {  	_ =	shalt  }
0x67: {  	_ =	shalt  }
0x68: {  	_ =	shalt  }
0x69: {  	_ =	shalt  }
0x6a: {  	_ =	shalt  }
0x6b: {  	_ =	shalt  }
0x6c: {  	_ =	shalt  }
0x6d: {  	_ =	shalt  }
0x6e: {  	_ =	shalt  }
0x6f: {  	_ =	shalt  }
0x70: {  	_ =	shalt  }
0x71: {  	_ =	shalt  }
0x72: {  	_ =	shalt  }
0x73: {  	_ =	shalt  }
0x74: {  	_ =	shalt  }
0x75: {  	_ =	shalt  }
0x76: {  	_ =	shalt  }
0x77: {  	_ =	shalt  }
0x78: {  	_ =	shalt  }
0x79: {  	_ =	shalt  }
0x7a: {  	_ =	shalt  }
0x7b: {  	_ =	shalt  }
0x7c: {  	_ =	shalt  }
0x7d: {  	_ =	shalt  }
0x7e: {  	_ =	shalt  }
0x7f: {  	_ =	shalt  }
0x80: {  	_ =	shalt  }
0x81: {  	_ =	shalt  }
0x82: {  	_ =	shalt  }
0x83: {  	_ =	shalt  }
0x84: {  	_ =	shalt  }
0x85: {  	_ =	shalt  }
0x86: {  	_ =	shalt  }
0x87: {  	_ =	shalt  }
.Lfunc_end0:
.L_simem_size_0:
called_computation.2_lowered:
.L_overlay_start_0:
0x88: {  	s2 =	sld [smem:$0x3FD9]  }
0x89: {  	s3 =	sld [smem:$0x3FFE];
	_ =	sdelay $0x1  }
0x8a: {  	s1 =	srdreg.scid  }
0x8b: {  	s0 =	sand.u32 $0x1, s1  }
0x8c: {  	s17 =	sshll.u32 s0, $0xA;
	s2 =	sadd.s32 s3, s2  }
0x8d: {  	s2 =	sadd.s32 s2, s17  }
0x8e: {  	[smem:$0x3FC1] =	sst s2  }
0x8f: {  	_ = 	snop  }
0x90: {  	s2 =	sld [smem:$0x3FD0];
	(tm) =	ssettm $0x1  }
0x91: {  	s18 =	sld [smem:$0x3FFB];
	_ =	sdelay $0x3  }
0x92: {  	_ =	strace s18  }
0x93: {  	s3 =	sld [smem:$0x3FFC];
	_ =	sdelay $0x3  }
0x94: {  	_ =	strace s3  }
0x95: {  	s3 =	sld [smem:$0x3FFD];
	_ =	sdelay $0x3  }
0x96: {  	_ =	strace s3  }
0x97: {  	_ =	strace $0x8FFFFFFF  }
0x98: {  	s19 =	sld [smem:$0x3FDB];
	_ =	sdelay $0x1  }
0x99: {  	s4 =	simm.s32 $_scs_section_size  }
0x9a: {  	s5 =	simm.s32 $_size__tile_overlayer_lowered;
	s6 =	simm.s32 $_tile_overlayer_lowered  }
0x9b: {  	s22 =	simm.s32 $0x1BFF;
	s21 =	sshll.u32 s6, $0x1;
	s3 =	sadd.s32 s4, s19  }
0x9c: {  	s7 =	simm.s32 $0x0;
	s20 =	sshll.u32 s5, $0x1;
	s5 =	sadd.s32 s21, s3  }
0x9d: {  	[timem:s7], [sflag:s22] =	dma.local [hbm:s5], s20  }
0x9e: {  	_ =	swait.ge [sflag:s22], s20  }
0x9f: {  	s4 =	ssub.s32 $0x0, s20;
	[sflag:s22] =	ssyncset.done $0x0  }
0xa0: {  	[sflag:s22] =	ssyncadd.s32 s4;
	_ =	sdelay $0x1  }
0xa1: {  	s23 =	simm.s32 $0x1B8B  }
0xa2: {  	_ =	swait.ge [sflag:s23], $0x1  }
0xa3: {  	[sflag:s23] =	ssyncset.done $0x0  }
0xa4: {  	s25 =	simm.s32 $0x1B8E;
	s24 =	sld [smem:$0x3FFE];
	[sflag:s23] =	ssyncadd.s32 $0xFFFFFFFF  }
0xa5: {  	s26 =	simm.s32 $execute0_lowered;
	[smem:$0x3FD2] =	sst s25  }
0xa6: {  	s5 =	sshll.u32 s26, $0x1;
	_ =	strace $0x8000004C;
	[dreg:$0x1] =	wrdreg $0xFFFFFFFF  }
0xa7: {  	s28 =	simm.s32 $_size_execute0_lowered;
	s3 =	sadd.s32 s3, s5;
	[dreg:$0x0] =	wrdreg $0x0  }
0xa8: {  	s5 =	sshll.u32 s28, $0x1;
	[dreg:$0x2] =	wrdreg s3  }
0xa9: {  	[dreg:$0x3] =	wrdreg s5  }
0xaa: {  	[dreg:$0x4] =	wrdreg $0xC0  }
0xab: {  	_ =	task [dreg:s7], $0x5FFFF  }
0xac: {  	[dreg:$0x1] =	wrdreg $0xFFFFFFFF  }
0xad: {  	[dreg:$0x0] =	wrdreg $0x60  }
0xae: {  	[dreg:$0x2] =	wrdreg s24  }
0xaf: {  	[dreg:$0x3] =	wrdreg s2  }
0xb0: {  	[dreg:$0x4] =	wrdreg $0xA8000  }
0xb1: {  	[dreg:$0x5] =	wrdreg $0x9  }
0xb2: {  	_ =	task.clear_ibuf [dreg:s7], $0x6FFFF;
	_ =	strace $0x9000004C  }
0xb3: {  	s29 =	simm.s32 $0x9;
	_ =	strace $0x8000004E  }
0xb4: {  	_ =	swait.ge [sflag:s29], $0x1  }
0xb5: {  	[sflag:s29] =	ssyncadd.s32 $0xFFFFFFFF  }
0xb6: {  	_ =	strace $0x9000004E  }
0xb7: {  	_ =	sfence  }
0xb8: {  	s30 =	sld [smem:$0x0];
	_ =	sdelay $0x2  }
0xb9: {  	s31 =	sshll.u32 s1, $0xD;
	s1 =	sshrl.u32 s1, $0x2  }
0xba: {  	s3 =	sand.u32 $0x4000, s31;
	s1 =	sadd.s32 s1, s30  }
0xbb: {  	s0 =	sor.u32 s3, s0;
	s1 =	sshll.u32 s1, $0x11  }
0xbc: {  	s0 =	sor.u32 s1, s0  }
0xbd: {  	s0 =	sadd.s32 $0x8F2B, s0  }
0xbe: {  	[sflag:s0] =	ssyncadd.remote.s32 $0x1  }
0xbf: {  	_ =	sfence.sel $0xFFFF  }
0xc0: {  	[dreg:$0x0] =	wrdreg $0xFFFFFFFF;
	(pc) =	sbr.abs _section_cstart, $3  }
0xc1: {  	[dreg:$0x1] =	wrdreg $0xFFFFFFFF  }
0xc2: {  	_ =	task.clear_ibuf [dreg:s7], $0x2FFFF;
	_ =	strace $0x9FFFFFFF  }
0xc3: {  	(tm) =	ssettm $0x7FFFFFFF  }
tec
execute0_lowered:
.L_overlay_start_1:
0x0: {  	(tag) =	ssettag $0x1  }
0x1: {  	s0 =	rddreg [dreg:$0x0]  }
0x2: {  	s14 =	rddreg [dreg:$0x1]  }
0x3: {  	s2 =	rddreg [dreg:$0x2];
	s1 =	srdreg.scid;
	s4 =	simm.s32 $0x0  }
0x4: {  	s12 =	stileid.u32;
	s16 =	simm.s32 $0x3;
	s17 =	simm.s32 $0x1400  }
0x5: {  	s18 =	simm.s32 $0x80;
	s19 =	simm.s32 $0x2800;
	s20 =	simm.s32 $0x6800  }
0x6: {  	s21 =	simm.s32 $0x1;
	s23 =	simm.s32 $0x2;
	s22 =	simm.s32 $0x1C80  }
0x7: {  	s24 =	simm.s32 $0x1380;
	s28 =	simm.s32 $0x0;
	s1 =	sand.u32 $0x1, s1  }
0x8: {  	[smem:$0x7FF] =	sst s4;
	s7 =	smul.u32 $0x14000, s12;
	s5 =	sadd.s32 $0x16800, s0  }
0x9: {  	s13 =	sadd.s32 $0x2E00, s0;
	s6 =	sadd.s32 $0x3E800, s0;
	s8 =	smul.u32 $0x50000, s12  }
0xa: {  	s10 =	sshll.u32 s12, $0x1;
	s29 =	sshll.u32 s12, $0x6;
	s3 =	smul.u32 $0x140000, s1  }
0xb: {  	_ =	strace $0x8000004D;
	s25 =	ssub.s32 $0x2, s1;
	s1 =	sor.u32 s1, s10  }
0xc: {  	s9 =	sshrl.u32 s25, $0x1;
	s26 =	sshrl.u32 s8, $0x2;
	s30 =	smul.u32 $0x500, s1  }
0xd: {  	s8 =	sadd.s32 $0x180, s14;
	p0 =	seq.s32 s1, $0x1F;
	s1 =	simm.s32 $0x900  }
0xe: {  	s3 =	sadd.s32 s7, s3;
	s11 =	ssub.s32 s25, s9;
	s15 =	sadd.s32 s26, s2  }
.Ltmp0:
0xf: {  	s7 =	sor.u32 $0x1C03, s29;
	s25 =	simm.s32 $0x2700;
	(pc) =	sbr.rel .LBB2_1-.Ltmp0, $4  }
0x10: {  	s26 =	simm.s32 $0x2780;
	s3 =	sshrl.u32 s3, $0x3;
	s10 =	smax.u32 s11, $0x1  }
0x11: {  	s31 =	sadd.s32 $0x280, s30;
	s11 =	sadd.s32 s13, s30;
	s15 =	sshrl.u32 s15, $0x3  }
0x12: {  	s3 =	sadd.s32 s3, s0;
	s0 =	sadd.s32 $0xCA80, s0;
	s13 =	sadd.s32 s13, s31  }
0x13: {  	s9 =	sadd.s32 $0x41000, s3;
	s12 =	sadd.s32 s30, s0;
	s14 =	sadd.s32 s31, s0  }
.LBB2_8:
0x14: {  	s0 =	rddreg [dreg:$0x1]  }
0x15: {  	[tilespmem:s4], [sflag:$0x3] =	stream.linear.gather [hbm4b:s0+s4], $0xA00, $0x38;
	[tilespmem:$0x1E800] =	vst v63  }
0x16: {  	_ =	swait.ge [sflag:s16], $0xA00  }
0x17: {  	[sflag:s16] =	ssyncset.done $0x0  }
0x18: {  	[sflag:s16] =	ssyncadd.s32 $0xFFFFF600  }
0x19: {  	[tilespmem:s17], [sflag:$0x3] =	stream.linear.gather [hbm4b:s8+s4], $0xA00, $0x38;
	[tilespmem:$0x1E800] =	vst v63  }
0x1a: {  	_ =	swait.ge [sflag:s16], $0xA00  }
0x1b: {  	[sflag:s16] =	ssyncset.done $0x0  }
0x1c: {  	[sflag:s16] =	ssyncadd.s32 $0xFFFFF600  }
0x1d: {  	[tilespmem:s19], [sflag:$0x1] =	stream.indirect.gather [hbm4b:s5+s18], $0x80, s4, s18, $0xb8;
	[tilespmem:$0x1E800] =	vst v63  }
0x1e: {  	_ = 	snop  }
0x1f: {  	[tilespmem:s20], [sflag:$0x2] =	stream.indirect.gather [hbm4b:s5+s18], $0x80, s18, s18, $0xb8;
	[tilespmem:$0x1E800] =	vst v63  }
0x20: {  	_ =	swait.ge [sflag:s21], $0x4000  }
0x21: {  	[sflag:s21] =	ssyncset.done $0x0  }
0x22: {  	[sflag:s21] =	ssyncadd.s32 $0xFFFFC000  }
0x23: {  	[spmem:s2] =	stream.indirect.scatter.add.f32 [tilespmem:s19], [sflag:$0x3], $0x80, s17, s18, $0xb8;
	[tilespmem:$0x1E800] =	vst v63  }
0x24: {  	_ =	swait.ge [sflag:s16], $0x4000  }
0x25: {  	[sflag:s16] =	ssyncset.done $0x0  }
0x26: {  	s3 =	simm.s32 $0x100;
	[sflag:s16] =	ssyncadd.s32 $0xFFFFC000  }
0x27: {  	[tilespmem:s19], [sflag:$0x1] =	stream.indirect.gather [hbm4b:s5+s18], $0x80, s3, s18, $0xb8;
	[tilespmem:$0x1E800] =	vst v63  }
0x28: {  	_ =	swait.ge [sflag:s23], $0x4000  }
0x29: {  	[sflag:s23] =	ssyncset.done $0x0  }
0x2a: {  	s3 =	simm.s32 $0x1480;
	[sflag:s23] =	ssyncadd.s32 $0xFFFFC000  }
0x2b: {  	[spmem:s2] =	stream.indirect.scatter.add.f32 [tilespmem:s20], [sflag:$0x3], $0x80, s3, s18, $0xb8;
	[tilespmem:$0x1E800] =	vst v63  }
0x2c: {  	_ =	swait.ge [sflag:s16], $0x4000  }
0x2d: {  	[sflag:s16] =	ssyncset.done $0x0  }
0x2e: {  	s3 =	simm.s32 $0x180;
	[sflag:s16] =	ssyncadd.s32 $0xFFFFC000  }
0x2f: {  	[tilespmem:s20], [sflag:$0x2] =	stream.indirect.gather [hbm4b:s5+s18], $0x80, s3, s18, $0xb8;
	[tilespmem:$0x1E800] =	vst v63  }
0x30: {  	_ =	swait.ge [sflag:s21], $0x4000  }
0x31: {  	[sflag:s21] =	ssyncset.done $0x0  }
0x32: {  	s3 =	simm.s32 $0x1500;
	[sflag:s21] =	ssyncadd.s32 $0xFFFFC000  }
0x33: {  	[spmem:s2] =	stream.indirect.scatter.add.f32 [tilespmem:s19], [sflag:$0x3], $0x80, s3, s18, $0xb8;
	[tilespmem:$0x1E800] =	vst v63  }
0x34: {  	_ =	swait.ge [sflag:s16], $0x4000  }
0x35: {  	[sflag:s16] =	ssyncset.done $0x0  }
0x36: {  	s3 =	simm.s32 $0x200;
	[sflag:s16] =	ssyncadd.s32 $0xFFFFC000  }
0x37: {  	[tilespmem:s19], [sflag:$0x1] =	stream.indirect.gather [hbm4b:s5+s18], $0x80, s3, s18, $0xb8;
	[tilespmem:$0x1E800] =	vst v63  }
0x38: {  	_ =	swait.ge [sflag:s23], $0x4000  }
0x39: {  	[sflag:s23] =	ssyncset.done $0x0  }
0x3a: {  	s3 =	simm.s32 $0x1580;
	[sflag:s23] =	ssyncadd.s32 $0xFFFFC000  }
0x3b: {  	[spmem:s2] =	stream.indirect.scatter.add.f32 [tilespmem:s20], [sflag:$0x3], $0x80, s3, s18, $0xb8;
	[tilespmem:$0x1E800] =	vst v63  }
0x3c: {  	_ =	swait.ge [sflag:s16], $0x4000  }
0x3d: {  	[sflag:s16] =	ssyncset.done $0x0  }
0x3e: {  	s3 =	simm.s32 $0x280;
	[sflag:s16] =	ssyncadd.s32 $0xFFFFC000  }
0x3f: {  	[tilespmem:s20], [sflag:$0x2] =	stream.indirect.gather [hbm4b:s5+s18], $0x80, s3, s18, $0xb8;
	[tilespmem:$0x1E800] =	vst v63  }
0x40: {  	_ =	swait.ge [sflag:s21], $0x4000  }
0x41: {  	[sflag:s21] =	ssyncset.done $0x0  }
0x42: {  	s3 =	simm.s32 $0x1600;
	[sflag:s21] =	ssyncadd.s32 $0xFFFFC000  }
0x43: {  	[spmem:s2] =	stream.indirect.scatter.add.f32 [tilespmem:s19], [sflag:$0x3], $0x80, s3, s18, $0xb8;
	[tilespmem:$0x1E800] =	vst v63  }
0x44: {  	_ =	swait.ge [sflag:s16], $0x4000  }
0x45: {  	[sflag:s16] =	ssyncset.done $0x0  }
0x46: {  	s3 =	simm.s32 $0x300;
	[sflag:s16] =	ssyncadd.s32 $0xFFFFC000  }
0x47: {  	[tilespmem:s19], [sflag:$0x1] =	stream.indirect.gather [hbm4b:s5+s18], $0x80, s3, s18, $0xb8;
	[tilespmem:$0x1E800] =	vst v63  }
0x48: {  	_ =	swait.ge [sflag:s23], $0x4000  }
0x49: {  	[sflag:s23] =	ssyncset.done $0x0  }
0x4a: {  	s3 =	simm.s32 $0x1680;
	[sflag:s23] =	ssyncadd.s32 $0xFFFFC000  }
0x4b: {  	[spmem:s2] =	stream.indirect.scatter.add.f32 [tilespmem:s20], [sflag:$0x3], $0x80, s3, s18, $0xb8;
	[tilespmem:$0x1E800] =	vst v63  }
0x4c: {  	_ =	swait.ge [sflag:s16], $0x4000  }
0x4d: {  	[sflag:s16] =	ssyncset.done $0x0  }
0x4e: {  	s3 =	simm.s32 $0x380;
	[sflag:s16] =	ssyncadd.s32 $0xFFFFC000  }
0x4f: {  	[tilespmem:s20], [sflag:$0x2] =	stream.indirect.gather [hbm4b:s5+s18], $0x80, s3, s18, $0xb8;
	[tilespmem:$0x1E800] =	vst v63  }
0x50: {  	_ =	swait.ge [sflag:s21], $0x4000  }
0x51: {  	[sflag:s21] =	ssyncset.done $0x0  }
0x52: {  	s3 =	simm.s32 $0x1700;
	[sflag:s21] =	ssyncadd.s32 $0xFFFFC000  }
0x53: {  	[spmem:s2] =	stream.indirect.scatter.add.f32 [tilespmem:s19], [sflag:$0x3], $0x80, s3, s18, $0xb8;
	[tilespmem:$0x1E800] =	vst v63  }
0x54: {  	_ =	swait.ge [sflag:s16], $0x4000  }
0x55: {  	[sflag:s16] =	ssyncset.done $0x0  }
0x56: {  	s3 =	simm.s32 $0x400;
	[sflag:s16] =	ssyncadd.s32 $0xFFFFC000  }
0x57: {  	[tilespmem:s19], [sflag:$0x1] =	stream.indirect.gather [hbm4b:s5+s18], $0x80, s3, s18, $0xb8;
	[tilespmem:$0x1E800] =	vst v63  }
0x58: {  	_ =	swait.ge [sflag:s23], $0x4000  }
0x59: {  	[sflag:s23] =	ssyncset.done $0x0  }
0x5a: {  	s3 =	simm.s32 $0x1780;
	[sflag:s23] =	ssyncadd.s32 $0xFFFFC000  }
0x5b: {  	[spmem:s2] =	stream.indirect.scatter.add.f32 [tilespmem:s20], [sflag:$0x3], $0x80, s3, s18, $0xb8;
	[tilespmem:$0x1E800] =	vst v63  }
0x5c: {  	_ =	swait.ge [sflag:s16], $0x4000  }
0x5d: {  	[sflag:s16] =	ssyncset.done $0x0  }
0x5e: {  	s3 =	simm.s32 $0x480;
	[sflag:s16] =	ssyncadd.s32 $0xFFFFC000  }
0x5f: {  	[tilespmem:s20], [sflag:$0x2] =	stream.indirect.gather [hbm4b:s5+s18], $0x80, s3, s18, $0xb8;
	[tilespmem:$0x1E800] =	vst v63  }
0x60: {  	_ =	swait.ge [sflag:s21], $0x4000  }
0x61: {  	[sflag:s21] =	ssyncset.done $0x0  }
0x62: {  	s3 =	simm.s32 $0x1800;
	[sflag:s21] =	ssyncadd.s32 $0xFFFFC000  }
0x63: {  	[spmem:s2] =	stream.indirect.scatter.add.f32 [tilespmem:s19], [sflag:$0x3], $0x80, s3, s18, $0xb8;
	[tilespmem:$0x1E800] =	vst v63  }
0x64: {  	_ =	swait.ge [sflag:s16], $0x4000  }
0x65: {  	[sflag:s16] =	ssyncset.done $0x0  }
0x66: {  	s3 =	simm.s32 $0x500;
	[sflag:s16] =	ssyncadd.s32 $0xFFFFC000  }
0x67: {  	[tilespmem:s19], [sflag:$0x1] =	stream.indirect.gather [hbm4b:s5+s18], $0x80, s3, s18, $0xb8;
	[tilespmem:$0x1E800] =	vst v63  }
0x68: {  	_ =	swait.ge [sflag:s23], $0x4000  }
0x69: {  	[sflag:s23] =	ssyncset.done $0x0  }
0x6a: {  	s3 =	simm.s32 $0x1880;
	[sflag:s23] =	ssyncadd.s32 $0xFFFFC000  }
0x6b: {  	[spmem:s2] =	stream.indirect.scatter.add.f32 [tilespmem:s20], [sflag:$0x3], $0x80, s3, s18, $0xb8;
	[tilespmem:$0x1E800] =	vst v63  }
0x6c: {  	_ =	swait.ge [sflag:s16], $0x4000  }
0x6d: {  	[sflag:s16] =	ssyncset.done $0x0  }
0x6e: {  	s3 =	simm.s32 $0x580;
	[sflag:s16] =	ssyncadd.s32 $0xFFFFC000  }
0x6f: {  	[tilespmem:s20], [sflag:$0x2] =	stream.indirect.gather [hbm4b:s5+s18], $0x80, s3, s18, $0xb8;
	[tilespmem:$0x1E800] =	vst v63  }
0x70: {  	_ =	swait.ge [sflag:s21], $0x4000  }
0x71: {  	[sflag:s21] =	ssyncset.done $0x0  }
0x72: {  	s3 =	simm.s32 $0x1900;
	[sflag:s21] =	ssyncadd.s32 $0xFFFFC000  }
0x73: {  	[spmem:s2] =	stream.indirect.scatter.add.f32 [tilespmem:s19], [sflag:$0x3], $0x80, s3, s18, $0xb8;
	[tilespmem:$0x1E800] =	vst v63  }
0x74: {  	_ =	swait.ge [sflag:s16], $0x4000  }
0x75: {  	[sflag:s16] =	ssyncset.done $0x0  }
0x76: {  	s3 =	simm.s32 $0x600;
	[sflag:s16] =	ssyncadd.s32 $0xFFFFC000  }
0x77: {  	[tilespmem:s19], [sflag:$0x1] =	stream.indirect.gather [hbm4b:s5+s18], $0x80, s3, s18, $0xb8;
	[tilespmem:$0x1E800] =	vst v63  }
0x78: {  	_ =	swait.ge [sflag:s23], $0x4000  }
0x79: {  	[sflag:s23] =	ssyncset.done $0x0  }
0x7a: {  	s3 =	simm.s32 $0x1980;
	[sflag:s23] =	ssyncadd.s32 $0xFFFFC000  }
0x7b: {  	[spmem:s2] =	stream.indirect.scatter.add.f32 [tilespmem:s20], [sflag:$0x3], $0x80, s3, s18, $0xb8;
	[tilespmem:$0x1E800] =	vst v63  }
0x7c: {  	_ =	swait.ge [sflag:s16], $0x4000  }
0x7d: {  	[sflag:s16] =	ssyncset.done $0x0  }
0x7e: {  	s3 =	simm.s32 $0x680;
	[sflag:s16] =	ssyncadd.s32 $0xFFFFC000  }
0x7f: {  	[tilespmem:s20], [sflag:$0x2] =	stream.indirect.gather [hbm4b:s5+s18], $0x80, s3, s18, $0xb8;
	[tilespmem:$0x1E800] =	vst v63  }
0x80: {  	_ =	swait.ge [sflag:s21], $0x4000  }
0x81: {  	[sflag:s21] =	ssyncset.done $0x0  }
0x82: {  	s3 =	simm.s32 $0x1A00;
	[sflag:s21] =	ssyncadd.s32 $0xFFFFC000  }
0x83: {  	[spmem:s2] =	stream.indirect.scatter.add.f32 [tilespmem:s19], [sflag:$0x3], $0x80, s3, s18, $0xb8;
	[tilespmem:$0x1E800] =	vst v63  }
0x84: {  	_ =	swait.ge [sflag:s16], $0x4000  }
0x85: {  	[sflag:s16] =	ssyncset.done $0x0  }
0x86: {  	s3 =	simm.s32 $0x700;
	[sflag:s16] =	ssyncadd.s32 $0xFFFFC000  }
0x87: {  	[tilespmem:s19], [sflag:$0x1] =	stream.indirect.gather [hbm4b:s5+s18], $0x80, s3, s18, $0xb8;
	[tilespmem:$0x1E800] =	vst v63  }
0x88: {  	_ =	swait.ge [sflag:s23], $0x4000  }
0x89: {  	[sflag:s23] =	ssyncset.done $0x0  }
0x8a: {  	s3 =	simm.s32 $0x1A80;
	[sflag:s23] =	ssyncadd.s32 $0xFFFFC000  }
0x8b: {  	[spmem:s2] =	stream.indirect.scatter.add.f32 [tilespmem:s20], [sflag:$0x3], $0x80, s3, s18, $0xb8;
	[tilespmem:$0x1E800] =	vst v63  }
0x8c: {  	_ =	swait.ge [sflag:s16], $0x4000  }
0x8d: {  	[sflag:s16] =	ssyncset.done $0x0  }
0x8e: {  	s3 =	simm.s32 $0x780;
	[sflag:s16] =	ssyncadd.s32 $0xFFFFC000  }
0x8f: {  	[tilespmem:s20], [sflag:$0x2] =	stream.indirect.gather [hbm4b:s5+s18], $0x80, s3, s18, $0xb8;
	[tilespmem:$0x1E800] =	vst v63  }
0x90: {  	_ =	swait.ge [sflag:s21], $0x4000  }
0x91: {  	[sflag:s21] =	ssyncset.done $0x0  }
0x92: {  	s3 =	simm.s32 $0x1B00;
	[sflag:s21] =	ssyncadd.s32 $0xFFFFC000  }
0x93: {  	[spmem:s2] =	stream.indirect.scatter.add.f32 [tilespmem:s19], [sflag:$0x3], $0x80, s3, s18, $0xb8;
	[tilespmem:$0x1E800] =	vst v63  }
0x94: {  	_ =	swait.ge [sflag:s16], $0x4000  }
0x95: {  	[sflag:s16] =	ssyncset.done $0x0  }
0x96: {  	s3 =	simm.s32 $0x800;
	[sflag:s16] =	ssyncadd.s32 $0xFFFFC000  }
0x97: {  	[tilespmem:s19], [sflag:$0x1] =	stream.indirect.gather [hbm4b:s5+s18], $0x80, s3, s18, $0xb8;
	[tilespmem:$0x1E800] =	vst v63  }
0x98: {  	_ =	swait.ge [sflag:s23], $0x4000  }
0x99: {  	[sflag:s23] =	ssyncset.done $0x0  }
0x9a: {  	s3 =	simm.s32 $0x1B80;
	[sflag:s23] =	ssyncadd.s32 $0xFFFFC000  }
0x9b: {  	[spmem:s2] =	stream.indirect.scatter.add.f32 [tilespmem:s20], [sflag:$0x3], $0x80, s3, s18, $0xb8;
	[tilespmem:$0x1E800] =	vst v63  }
0x9c: {  	_ =	swait.ge [sflag:s16], $0x4000  }
0x9d: {  	[sflag:s16] =	ssyncset.done $0x0  }
0x9e: {  	s3 =	simm.s32 $0x880;
	[sflag:s16] =	ssyncadd.s32 $0xFFFFC000  }
0x9f: {  	[tilespmem:s20], [sflag:$0x2] =	stream.indirect.gather [hbm4b:s5+s18], $0x80, s3, s18, $0xb8;
	[tilespmem:$0x1E800] =	vst v63  }
0xa0: {  	_ =	swait.ge [sflag:s21], $0x4000  }
0xa1: {  	[sflag:s21] =	ssyncset.done $0x0  }
0xa2: {  	s3 =	simm.s32 $0x1C00;
	[sflag:s21] =	ssyncadd.s32 $0xFFFFC000  }
0xa3: {  	[spmem:s2] =	stream.indirect.scatter.add.f32 [tilespmem:s19], [sflag:$0x3], $0x80, s3, s18, $0xb8;
	[tilespmem:$0x1E800] =	vst v63  }
0xa4: {  	_ =	swait.ge [sflag:s16], $0x4000  }
0xa5: {  	[sflag:s16] =	ssyncset.done $0x0  }
0xa6: {  	[sflag:s16] =	ssyncadd.s32 $0xFFFFC000  }
0xa7: {  	[tilespmem:s19], [sflag:$0x1] =	stream.indirect.gather [hbm4b:s5+s18], $0x80, s1, s18, $0xb8;
	[tilespmem:$0x1E800] =	vst v63  }
0xa8: {  	_ =	swait.ge [sflag:s23], $0x4000  }
0xa9: {  	[sflag:s23] =	ssyncset.done $0x0  }
0xaa: {  	[sflag:s23] =	ssyncadd.s32 $0xFFFFC000  }
0xab: {  	[spmem:s2] =	stream.indirect.scatter.add.f32 [tilespmem:s20], [sflag:$0x3], $0x80, s22, s18, $0xb8;
	[tilespmem:$0x1E800] =	vst v63  }
0xac: {  	_ =	swait.ge [sflag:s16], $0x4000  }
0xad: {  	s29 =	simm.s32 $0x1D80;
	[sflag:s16] =	ssyncset.done $0x0  }
0xae: {  	s30 =	simm.s32 $0x1D00;
	s31 =	simm.s32 $0x980;
	[sflag:s16] =	ssyncadd.s32 $0xFFFFC000  }
.LBB2_9:
0xaf: {  	[tilespmem:s20], [sflag:$0x2] =	stream.indirect.gather [hbm4b:s5+s18], $0x80, s31, s18, $0xb8;
	[tilespmem:$0x1E800] =	vst v63  }
0xb0: {  	_ =	swait.ge [sflag:s21], $0x4000  }
0xb1: {  	[sflag:s21] =	ssyncset.done $0x0  }
0xb2: {  	[sflag:s21] =	ssyncadd.s32 $0xFFFFC000  }
0xb3: {  	[spmem:s2] =	stream.indirect.scatter.add.f32 [tilespmem:s19], [sflag:$0x3], $0x80, s30, s18, $0xb8;
	[tilespmem:$0x1E800] =	vst v63  }
0xb4: {  	_ =	swait.ge [sflag:s16], $0x4000  }
0xb5: {  	[sflag:s16] =	ssyncset.done $0x0  }
0xb6: {  	[sflag:s16] =	ssyncadd.s32 $0xFFFFC000  }
0xb7: {  	_ =	swait.ge [sflag:s23], $0x4000  }
0xb8: {  	[sflag:s23] =	ssyncset.done $0x0  }
0xb9: {  	[sflag:s23] =	ssyncadd.s32 $0xFFFFC000  }
0xba: {  	[spmem:s2] =	stream.indirect.scatter.add.f32 [tilespmem:s20], [sflag:$0x3], $0x80, s29, s18, $0xb8;
	[tilespmem:$0x1E800] =	vst v63  }
0xbb: {  	_ =	swait.ge [sflag:s16], $0x4000  }
0xbc: {  	s28 =	sadd.s32 $0x1, s28;
	[sflag:s16] =	ssyncset.done $0x0  }
0xbd: {  	p1 =	sne.s32 s28, s10;
	[sflag:s16] =	ssyncadd.s32 $0xFFFFC000  }
.Ltmp1:
0xbe: {  	[bflag:$0x0] =	sbarrier.arrive $0xFFFF;
	(pc) =	sbr.rel @!p1 .LBB2_10-.Ltmp1, $4  }
0xbf: {  	[hbm:s9], [sflag:s7] =	dma.local [spmem:s15], $0x2800  }
0xc0: {  	_ =	swait.ge [sflag:s16], $0x2800  }
0xc1: {  	[sflag:s16] =	ssyncset.done $0x0  }
0xc2: {  	[sflag:s16] =	ssyncadd.s32 $0xFFFFD800  }
.LBB2_1:
0xc3: {  	[spmem:s15], [sflag:s7] =	dma.local [hbm:s6], $0x2800  }
.Ltmp2:
0xc4: {  	_ =	swait.ge [sflag:s16], $0x2800;
	(pc) =	sbr.rel @p0 .LBB2_8-.Ltmp2, $3  }
0xc5: {  	[sflag:s16] =	ssyncset.done $0x0  }
0xc6: {  	[sflag:s16] =	ssyncadd.s32 $0xFFFFD800  }
0xc7: {  	[bflag:$0x0] =	sbarrier.arrive $0xFFFF;
	_ =	sdelay $0x1  }
0xc8: {  	s29 =	simm.s32 $0x0  }
0xc9: {  	[tilespmem:s29], [sflag:$0x3] =	stream.linear.gather [hbm4b:s11+s29], $0x1400, $0x38;
	[tilespmem:$0x1E800] =	vst v63  }
0xca: {  	_ =	swait.ge [sflag:s16], $0x1400  }
0xcb: {  	[sflag:s16] =	ssyncset.done $0x0  }
0xcc: {  	[sflag:s16] =	ssyncadd.s32 $0xFFFFEC00  }
0xcd: {  	[tilespmem:s17], [sflag:$0x3] =	stream.linear.gather [hbm4b:s12+s29], $0x1400, $0x38;
	[tilespmem:$0x1E800] =	vst v63  }
0xce: {  	_ =	swait.ge [sflag:s16], $0x1400  }
0xcf: {  	[sflag:s16] =	ssyncset.done $0x0  }
0xd0: {  	[sflag:s16] =	ssyncadd.s32 $0xFFFFEC00  }
0xd1: {  	[tilespmem:s19], [sflag:$0x1] =	stream.indirect.gather [hbm4b:s5+s18], $0x80, s29, s18, $0xb8;
	[tilespmem:$0x1E800] =	vst v63  }
0xd2: {  	s29 =	simm.s32 $0x80  }
0xd3: {  	[tilespmem:s20], [sflag:$0x2] =	stream.indirect.gather [hbm4b:s5+s18], $0x80, s29, s18, $0xb8;
	[tilespmem:$0x1E800] =	vst v63  }
0xd4: {  	_ =	swait.ge [sflag:s21], $0x4000  }
0xd5: {  	[sflag:s21] =	ssyncset.done $0x0  }
0xd6: {  	s29 =	simm.s32 $0x1400;
	[sflag:s21] =	ssyncadd.s32 $0xFFFFC000  }
0xd7: {  	[spmem:s2] =	stream.indirect.scatter.add.f32 [tilespmem:s19], [sflag:$0x3], $0x80, s29, s18, $0xb8;
	[tilespmem:$0x1E800] =	vst v63  }
0xd8: {  	_ =	swait.ge [sflag:s16], $0x4000  }
0xd9: {  	[sflag:s16] =	ssyncset.done $0x0  }
0xda: {  	s29 =	simm.s32 $0x100;
	[sflag:s16] =	ssyncadd.s32 $0xFFFFC000  }
0xdb: {  	[tilespmem:s19], [sflag:$0x1] =	stream.indirect.gather [hbm4b:s5+s18], $0x80, s29, s18, $0xb8;
	[tilespmem:$0x1E800] =	vst v63  }
0xdc: {  	_ =	swait.ge [sflag:s23], $0x4000  }
0xdd: {  	[sflag:s23] =	ssyncset.done $0x0  }
0xde: {  	s29 =	simm.s32 $0x1480;
	[sflag:s23] =	ssyncadd.s32 $0xFFFFC000  }
0xdf: {  	[spmem:s2] =	stream.indirect.scatter.add.f32 [tilespmem:s20], [sflag:$0x3], $0x80, s29, s18, $0xb8;
	[tilespmem:$0x1E800] =	vst v63  }
0xe0: {  	_ =	swait.ge [sflag:s16], $0x4000  }
0xe1: {  	s30 =	simm.s32 $0x800;
	s29 =	simm.s32 $0x100;
	[sflag:s16] =	ssyncset.done $0x0  }
.LBB2_3:
0xe2: {  	s31 =	sadd.s32 $0x80, s29  }
0xe3: {  	[sflag:s16] =	ssyncadd.s32 $0xFFFFC000;
	s0 =	smov.u32 s30;
	s3 =	sadd.s32 $0x400, s30  }
0xe4: {  	[tilespmem:s20], [sflag:$0x2] =	stream.indirect.gather [hbm4b:s5+s18], $0x80, s31, s18, $0xb8;
	[tilespmem:$0x1E800] =	vst v63  }
0xe5: {  	p1 =	sne.s32 s30, $0x4800;
	_ =	swait.ge [sflag:s21], $0x4000  }
0xe6: {  	[sflag:s21] =	ssyncset.done $0x0  }
0xe7: {  	s30 =	sadd.s32 $0x1400, s29;
	[sflag:s21] =	ssyncadd.s32 $0xFFFFC000  }
0xe8: {  	[spmem:s2] =	stream.indirect.scatter.add.f32 [tilespmem:s19], [sflag:$0x3], $0x80, s30, s18, $0xb8;
	[tilespmem:$0x1E800] =	vst v63  }
0xe9: {  	_ =	swait.ge [sflag:s16], $0x4000  }
0xea: {  	[sflag:s16] =	ssyncset.done $0x0  }
0xeb: {  	s30 =	sadd.s32 $0x100, s29;
	[sflag:s16] =	ssyncadd.s32 $0xFFFFC000  }
0xec: {  	[tilespmem:s19], [sflag:$0x1] =	stream.indirect.gather [hbm4b:s5+s18], $0x80, s30, s18, $0xb8;
	[tilespmem:$0x1E800] =	vst v63  }
0xed: {  	_ =	swait.ge [sflag:s23], $0x4000  }
.Ltmp3:
0xee: {  	[sflag:s23] =	ssyncset.done $0x0;
	(pc) =	sbr.rel @p1 .LBB2_3-.Ltmp3, $4  }
0xef: {  	s29 =	sadd.s32 $0x1480, s29;
	[sflag:s23] =	ssyncadd.s32 $0xFFFFC000  }
0xf0: {  	[spmem:s2] =	stream.indirect.scatter.add.f32 [tilespmem:s20], [sflag:$0x3], $0x80, s29, s18, $0xb8;
	[tilespmem:$0x1E800] =	vst v63  }
0xf1: {  	_ =	swait.ge [sflag:s16], $0x4000  }
0xf2: {  	s30 =	smov.u32 s3;
	s29 =	sshra.s32 s0, $0x2;
	[sflag:s16] =	ssyncset.done $0x0  }
0xf3: {  	s0 =	sadd.s32 $0x80, s29;
	[sflag:s16] =	ssyncadd.s32 $0xFFFFC000  }
0xf4: {  	[tilespmem:s20], [sflag:$0x2] =	stream.indirect.gather [hbm4b:s5+s18], $0x80, s0, s18, $0xb8;
	[tilespmem:$0x1E800] =	vst v63  }
0xf5: {  	_ =	swait.ge [sflag:s21], $0x4000  }
0xf6: {  	[sflag:s21] =	ssyncset.done $0x0  }
0xf7: {  	s31 =	sadd.s32 $0x1400, s29;
	[sflag:s21] =	ssyncadd.s32 $0xFFFFC000  }
0xf8: {  	[spmem:s2] =	stream.indirect.scatter.add.f32 [tilespmem:s19], [sflag:$0x3], $0x80, s31, s18, $0xb8;
	[tilespmem:$0x1E800] =	vst v63  }
0xf9: {  	_ =	swait.ge [sflag:s16], $0x4000  }
0xfa: {  	[sflag:s16] =	ssyncset.done $0x0  }
0xfb: {  	s3 =	sadd.s32 $0x100, s29;
	[sflag:s16] =	ssyncadd.s32 $0xFFFFC000  }
0xfc: {  	[tilespmem:s19], [sflag:$0x1] =	stream.indirect.gather [hbm4b:s5+s18], $0x80, s3, s18, $0xb8;
	[tilespmem:$0x1E800] =	vst v63  }
0xfd: {  	_ =	swait.ge [sflag:s23], $0x4000  }
0xfe: {  	[sflag:s23] =	ssyncset.done $0x0  }
0xff: {  	s30 =	sadd.s32 $0x1480, s29;
	[sflag:s23] =	ssyncadd.s32 $0xFFFFC000  }
0x100: {  	[spmem:s2] =	stream.indirect.scatter.add.f32 [tilespmem:s20], [sflag:$0x3], $0x80, s30, s18, $0xb8;
	[tilespmem:$0x1E800] =	vst v63  }
0x101: {  	_ =	swait.ge [sflag:s16], $0x4000  }
0x102: {  	[sflag:s16] =	ssyncset.done $0x0  }
0x103: {  	[sflag:s16] =	ssyncadd.s32 $0xFFFFC000  }
0x104: {  	[tilespmem:s20], [sflag:$0x2] =	stream.indirect.gather [hbm4b:s5+s18], $0x80, s24, s18, $0xb8;
	[tilespmem:$0x1E800] =	vst v63  }
0x105: {  	_ =	swait.ge [sflag:s21], $0x4000  }
0x106: {  	[sflag:s21] =	ssyncset.done $0x0  }
0x107: {  	[sflag:s21] =	ssyncadd.s32 $0xFFFFC000  }
0x108: {  	[spmem:s2] =	stream.indirect.scatter.add.f32 [tilespmem:s19], [sflag:$0x3], $0x80, s25, s18, $0xb8;
	[tilespmem:$0x1E800] =	vst v63  }
0x109: {  	_ =	swait.ge [sflag:s16], $0x4000  }
0x10a: {  	[sflag:s16] =	ssyncset.done $0x0  }
0x10b: {  	[sflag:s16] =	ssyncadd.s32 $0xFFFFC000  }
0x10c: {  	_ =	swait.ge [sflag:s23], $0x4000  }
0x10d: {  	[sflag:s23] =	ssyncset.done $0x0  }
0x10e: {  	[sflag:s23] =	ssyncadd.s32 $0xFFFFC000  }
0x10f: {  	[spmem:s2] =	stream.indirect.scatter.add.f32 [tilespmem:s20], [sflag:$0x3], $0x80, s26, s18, $0xb8;
	[tilespmem:$0x1E800] =	vst v63  }
0x110: {  	_ =	swait.ge [sflag:s16], $0x4000  }
0x111: {  	[sflag:s16] =	ssyncset.done $0x0  }
0x112: {  	s31 =	simm.s32 $0x0;
	[sflag:s16] =	ssyncadd.s32 $0xFFFFC000  }
0x113: {  	[tilespmem:s31], [sflag:$0x3] =	stream.linear.gather [hbm4b:s13+s31], $0x1400, $0x38;
	[tilespmem:$0x1E800] =	vst v63  }
0x114: {  	_ =	swait.ge [sflag:s16], $0x1400  }
0x115: {  	[sflag:s16] =	ssyncset.done $0x0  }
0x116: {  	p2 =	por $0x0, $0x0;
	[sflag:s16] =	ssyncadd.s32 $0xFFFFEC00  }
0x117: {  	[tilespmem:s17], [sflag:$0x3] =	stream.linear.gather [hbm4b:s14+s31], $0x1400, $0x38;
	[tilespmem:$0x1E800] =	vst v63  }
.Ltmp4:
0x118: {  	_ = 	snop;
	(pc) =	sbr.rel @p2 .LBB2_7-.Ltmp4, $4  }
0x119: {  	_ =	swait.ge [sflag:s16], $0x1400  }
0x11a: {  	[sflag:s16] =	ssyncset.done $0x0  }
0x11b: {  	s29 =	simm.s32 $0x0;
	p1 =	por $0x0, $0x0;
	[sflag:s16] =	ssyncadd.s32 $0xFFFFEC00  }
0x11c: {  	[tilespmem:s19], [sflag:$0x1] =	stream.indirect.gather [hbm4b:s5+s18], $0x80, s31, s18, $0xb8;
	[tilespmem:$0x1E800] =	vst v63  }
0x11d: {  	s0 =	simm.s32 $0x80  }
0x11e: {  	[tilespmem:s20], [sflag:$0x2] =	stream.indirect.gather [hbm4b:s5+s18], $0x80, s0, s18, $0xb8;
	[tilespmem:$0x1E800] =	vst v63  }
0x11f: {  	_ =	swait.ge [sflag:s21], $0x4000  }
0x120: {  	[sflag:s21] =	ssyncset.done $0x0  }
0x121: {  	s31 =	simm.s32 $0x1400;
	[sflag:s21] =	ssyncadd.s32 $0xFFFFC000  }
0x122: {  	[spmem:s2] =	stream.indirect.scatter.add.f32 [tilespmem:s19], [sflag:$0x3], $0x80, s31, s18, $0xb8;
	[tilespmem:$0x1E800] =	vst v63  }
0x123: {  	_ =	swait.ge [sflag:s16], $0x4000  }
0x124: {  	[sflag:s16] =	ssyncset.done $0x0  }
0x125: {  	s3 =	simm.s32 $0x100;
	[sflag:s16] =	ssyncadd.s32 $0xFFFFC000  }
0x126: {  	[tilespmem:s19], [sflag:$0x1] =	stream.indirect.gather [hbm4b:s5+s18], $0x80, s3, s18, $0xb8;
	[tilespmem:$0x1E800] =	vst v63  }
0x127: {  	p2 =	por $0x0, $0x0;
	_ =	swait.ge [sflag:s23], $0x4000  }
.Ltmp5:
0x128: {  	[sflag:s23] =	ssyncset.done $0x0;
	(pc) =	sbr.rel @p2 .LBB2_7-.Ltmp5, $4  }
0x129: {  	s31 =	simm.s32 $0x1480;
	[sflag:s23] =	ssyncadd.s32 $0xFFFFC000  }
0x12a: {  	[spmem:s2] =	stream.indirect.scatter.add.f32 [tilespmem:s20], [sflag:$0x3], $0x80, s31, s18, $0xb8;
	[tilespmem:$0x1E800] =	vst v63  }
0x12b: {  	s30 =	simm.s32 $0x800;
	_ =	swait.ge [sflag:s16], $0x4000  }
0x12c: {  	s29 =	simm.s32 $0x100;
	p1 =	por $0x1, $0x1;
	[sflag:s16] =	ssyncset.done $0x0  }
.LBB2_6:
0x12d: {  	s0 =	sadd.s32 $0x80, s29  }
0x12e: {  	[sflag:s16] =	ssyncadd.s32 $0xFFFFC000;
	s3 =	smov.u32 s30;
	s31 =	sadd.s32 $0x400, s30  }
0x12f: {  	[tilespmem:s20], [sflag:$0x2] =	stream.indirect.gather [hbm4b:s5+s18], $0x80, s0, s18, $0xb8;
	[tilespmem:$0x1E800] =	vst v63  }
0x130: {  	p2 =	seq.s32 s30, $0x4800;
	_ =	swait.ge [sflag:s21], $0x4000  }
0x131: {  	[sflag:s21] =	ssyncset.done $0x0  }
0x132: {  	s0 =	sadd.s32 $0x1400, s29;
	[sflag:s21] =	ssyncadd.s32 $0xFFFFC000  }
0x133: {  	[spmem:s2] =	stream.indirect.scatter.add.f32 [tilespmem:s19], [sflag:$0x3], $0x80, s0, s18, $0xb8;
	[tilespmem:$0x1E800] =	vst v63  }
0x134: {  	_ =	swait.ge [sflag:s16], $0x4000  }
0x135: {  	[sflag:s16] =	ssyncset.done $0x0  }
0x136: {  	s0 =	sadd.s32 $0x100, s29;
	[sflag:s16] =	ssyncadd.s32 $0xFFFFC000  }
0x137: {  	[tilespmem:s19], [sflag:$0x1] =	stream.indirect.gather [hbm4b:s5+s18], $0x80, s0, s18, $0xb8;
	[tilespmem:$0x1E800] =	vst v63  }
0x138: {  	_ =	swait.ge [sflag:s23], $0x4000  }
.Ltmp6:
0x139: {  	[sflag:s23] =	ssyncset.done $0x0;
	(pc) =	sbr.rel @!p2 .LBB2_6-.Ltmp6, $4  }
0x13a: {  	s0 =	sadd.s32 $0x1480, s29;
	[sflag:s23] =	ssyncadd.s32 $0xFFFFC000  }
0x13b: {  	[spmem:s2] =	stream.indirect.scatter.add.f32 [tilespmem:s20], [sflag:$0x3], $0x80, s0, s18, $0xb8;
	[tilespmem:$0x1E800] =	vst v63  }
0x13c: {  	_ =	swait.ge [sflag:s16], $0x4000  }
0x13d: {  	s30 =	smov.u32 s31;
	s29 =	sshra.s32 s3, $0x2;
	[sflag:s16] =	ssyncset.done $0x0  }
.LBB2_7:
0x13e: {  	s0 =	sadd.s32 $0x80, s29;
	[sflag:s16] =	ssyncadd.s32 @p1 $0xFFFFC000  }
0x13f: {  	[tilespmem:s20], [sflag:$0x2] =	stream.indirect.gather [hbm4b:s5+s18], $0x80, s0, s18, $0xb8;
	[tilespmem:$0x1E800] =	vst v63  }
0x140: {  	_ =	swait.ge [sflag:s21], $0x4000  }
0x141: {  	[sflag:s21] =	ssyncset.done $0x0  }
0x142: {  	s3 =	sadd.s32 $0x1400, s29;
	[sflag:s21] =	ssyncadd.s32 $0xFFFFC000  }
0x143: {  	[spmem:s2] =	stream.indirect.scatter.add.f32 [tilespmem:s19], [sflag:$0x3], $0x80, s3, s18, $0xb8;
	[tilespmem:$0x1E800] =	vst v63  }
0x144: {  	_ =	swait.ge [sflag:s16], $0x4000  }
0x145: {  	[sflag:s16] =	ssyncset.done $0x0  }
0x146: {  	s3 =	sadd.s32 $0x100, s29;
	[sflag:s16] =	ssyncadd.s32 $0xFFFFC000  }
0x147: {  	[tilespmem:s19], [sflag:$0x1] =	stream.indirect.gather [hbm4b:s5+s18], $0x80, s3, s18, $0xb8;
	[tilespmem:$0x1E800] =	vst v63  }
0x148: {  	_ =	swait.ge [sflag:s23], $0x4000  }
0x149: {  	[sflag:s23] =	ssyncset.done $0x0  }
.Ltmp7:
0x14a: {  	s3 =	sadd.s32 $0x1480, s29;
	[sflag:s23] =	ssyncadd.s32 $0xFFFFC000;
	(pc) =	sbr.rel .LBB2_9-.Ltmp7, $4  }
0x14b: {  	[spmem:s2] =	stream.indirect.scatter.add.f32 [tilespmem:s20], [sflag:$0x3], $0x80, s3, s18, $0xb8;
	[tilespmem:$0x1E800] =	vst v63  }
0x14c: {  	_ =	swait.ge [sflag:s16], $0x4000  }
0x14d: {  	s30 =	simm.s32 $0x2700;
	[sflag:s16] =	ssyncset.done $0x0  }
0x14e: {  	s31 =	simm.s32 $0x1380;
	s29 =	simm.s32 $0x2780;
	[sflag:s16] =	ssyncadd.s32 $0xFFFFC000  }
.LBB2_10:
0x14f: {  	_ =	sfence.sel $0x180000  }
0x150: {  	[bflag:$0x0] =	sbarrier.arrive $0xFFFF  }
0x151: {  	_ =	strace $0x9000004D  }
0x152: {  	s0 =	stileid.u32;
	[bflag:$0x2] =	sbarrier.arrive $0xFFFF  }
0x153: {  	p0 =	sne.s32 s0, $0x0;
	s0 =	rddreg [dreg:$0x3]  }
0x154: {  	s0 =	sadd.s32 @!p0 $0x100000, s0  }
0x155: {  	[sflag:s0] =	ssyncadd.tile.s32 @!p0 $0x1;
	_ =	shalt  }
.Lfunc_end2:
_tile_overlayer_lowered:
.L_overlay_start_2:
0x156: {  	(tag) =	ssettag $0x2  }
0x157: {  	s0 =	rddreg [dreg:$0x0];
	s2 =	stileid.u32  }
0x158: {  	s1 =	rddreg [dreg:$0x1];
	p0 =	sne.s32 s2, $0x0  }
0x159: {  	s3 =	rddreg [dreg:$0x2];
	[bflag:$0x3] =	sbarrier.arrive $0xFFFF;
	s2 =	simm.s32 @!p0 $0x1C03  }
0x15a: {  	[timem:s3], [sflag:s2] =	dma.local @!p0 [hbm:s0], s1  }
0x15b: {  	s0 =	simm.s32 @!p0 $0x3  }
0x15c: {  	_ =	swait.ge @!p0 [sflag:s0], s1  }
0x15d: {  	s1 =	ssub.s32 @!p0 $0x0, s1;
	[sflag:s0] =	ssyncset.done @!p0 $0x0  }
0x15e: {  	[sflag:s0] =	ssyncadd.s32 @!p0 s1  }
0x15f: {  	[bflag:$0x3] =	sbarrier.arrive $0xFFFF  }
0x160: {  	_ =	shalt  }

// kernel: kernel.8.cloned.1.call-start
scs
__scs_entry_jumppad:
0x0: {  	(pc) =	sbr.rel $0x88, $3  }
0x1: {  	(tag) =	ssettag $0x0;
	lr =	simm.s32 $0x1  }
0x2: {  	[smem:$0x3F9A] =	sst lr;
	_ =	strace $0xD0000000  }
0x3: {  	_ = 	snop  }
0x4: {  	_ = 	snop  }
0x5: {  	_ = 	snop  }
0x6: {  	_ = 	snop  }
0x7: {  	_ = 	snop  }
__scs_overlays_trampoline_lowered:
0x8: {  	[smem:$0x3FA9] =	sst s0  }
0x9: {  	[smem:$0x3FAA] =	sst s1  }
0xa: {  	[smem:$0x3FAB] =	sst s2  }
0xb: {  	[smem:$0x3FAC] =	sst s3  }
0xc: {  	[smem:$0x3FAD] =	sst s4  }
0xd: {  	[smem:$0x3FAE] =	sst s5  }
0xe: {  	[smem:$0x3FAF] =	sst s6  }
0xf: {  	[smem:$0x3FB0] =	sst s7  }
0x10: {  	[smem:$0x3FB1] =	sst s8  }
0x11: {  	[smem:$0x3FB2] =	sst s9;
	s0 =	simm.s32 @!p0 $0x0  }
0x12: {  	s1 =	sld [smem:$0x3F98];
	s0 =	simm.s32 @p0 $0x1  }
0x13: {  	[smem:$0x3FB3] =	sst s0;
	s0 =	simm.s32 @!p1 $0x0  }
0x14: {  	s2 =	sld [smem:$0x3F97];
	s0 =	simm.s32 @p1 $0x1  }
0x15: {  	[smem:$0x3FB4] =	sst s0;
	s0 =	simm.s32 @!p2 $0x0  }
0x16: {  	s3 =	sld [smem:$0x3FDB];
	s0 =	simm.s32 @p2 $0x1  }
0x17: {  	s4 =	simm.s32 $0x1BF5;
	[smem:$0x3FB6] =	sst s0  }
0x18: {  	s0 =	sld [smem:$0x3F99];
	_ =	swait.ge [sflag:s4], $0x0  }
0x19: {  	s7 =	sld [smem:$0x3F9A]  }
0x1a: {  	s8 =	sadd.s32 $0xFFFFE003, lr  }
0x1b: {  	s9 =	sadd.s32 $0xFFFFFEF7, lr;
	s5 =	simm.s32 $0xFFFFFFFF;
	p2 =	slt.u32 s8, $0xFFFFF086  }
0x1c: {  	p1 =	slt.u32 s9, $0xF7A;
	s5 =	simm.s32 @!p2 $0x0  }
0x1d: {  	s5 =	simm.s32 @p1 $0x1;
	p0 =	seq.s32 s7, s2  }
0x1e: {  	s7 =	smul.u32 @!p0 $0xF7A, s2;
	p2 =	seq.s32 @!p0 s5, $0x0  }
0x1f: {  	s9 =	smul.u32 $0xF7A, s1;
	s8 =	simm.s32 @!p0 $0x1BF5;
	p2 =	por !p2, p0  }
0x20: {  	[sflag:s8] =	ssyncset.s32 @!p0 $0xFFFFF086;
	s6 =	sadd.s32 @!p0 s3, s7;
	s7 =	simm.s32 @!p0 $0x108  }
0x21: {  	s3 =	sadd.s32 s3, s9;
	s6 =	sadd.s32 @!p0 $0x88, s6;
	s7 =	simm.s32 @p2 $0x1082  }
0x22: {  	[simem:s7], [sflag:s8] =	dma.local @!p0 [hbm:s6], $0xF7A  }
0x23: {  	s9 =	sor.u32 $0xD0000000, s2;
	s6 =	simm.s32 $0x108;
	_ =	swait.ge @!p0 [sflag:s8], $0x0  }
0x24: {  	s3 =	sadd.s32 $0x88, s3;
	s6 =	simm.s32 @!p1 $0x1082;
	[sflag:s4] =	ssyncset.s32 $0xFFFFF086  }
0x25: {  	[simem:s6], [sflag:s4] =	dma.local [hbm:s3], $0xF7A  }
0x26: {  	[smem:$0x3F9A] =	sst s1;
	(tag) =	ssettag s2;
	_ =	strace s9  }
0x27: {  	s1 =	sld [smem:$0x3FAA]  }
0x28: {  	s2 =	sld [smem:$0x3FAB]  }
0x29: {  	s4 =	sld [smem:$0x3FAD]  }
0x2a: {  	p0 =	seq.s32 s5, $0x0;
	s5 =	sld [smem:$0x3FAE]  }
0x2b: {  	s6 =	sld [smem:$0x3FAF]  }
0x2c: {  	s7 =	sld [smem:$0x3FB0]  }
0x2d: {  	s3 =	simm.s32 $0x108;
	s8 =	sld [smem:$0x3FB1]  }
0x2e: {  	s3 =	simm.s32 @!p0 $0x1082;
	s9 =	sld [smem:$0x3FB2]  }
0x2f: {  	lr =	sadd.s32 s0, s3;
	s0 =	sld [smem:$0x3FA9]  }
0x30: {  	s3 =	sld [smem:$0x3FAC]  }
0x31: {  	[smem:$0x3FB5] =	sst s10  }
0x32: {  	s10 =	sld [smem:$0x3FB3];
	_ =	sdelay $0x3  }
0x33: {  	p0 =	seq.s32 s10, $0x1;
	s10 =	sld [smem:$0x3FB5];
	_ =	sdelay $0x3  }
0x34: {  	[smem:$0x3FB5] =	sst s10  }
0x35: {  	s10 =	sld [smem:$0x3FB4];
	_ =	sdelay $0x3  }
0x36: {  	p1 =	seq.s32 s10, $0x1;
	s10 =	sld [smem:$0x3FB5];
	_ =	sdelay $0x3  }
0x37: {  	[smem:$0x3FB5] =	sst s10  }
0x38: {  	s10 =	sld [smem:$0x3FB6]  }
0x39: {  	_ = 	snop;
	(pc) =	sbr.ind lr, $3  }
0x3a: {  	_ = 	snop  }
0x3b: {  	_ = 	snop  }
0x3c: {  	p2 =	seq.s32 s10, $0x1;
	s10 =	sld [smem:$0x3FB5]  }
0x3d: {  	_ =	shalt  }
0x3e: {  	_ =	shalt  }
0x3f: {  	_ =	shalt  }
0x40: {  	_ =	shalt  }
0x41: {  	_ =	shalt  }
0x42: {  	_ =	shalt  }
0x43: {  	_ =	shalt  }
0x44: {  	_ =	shalt  }
0x45: {  	_ =	shalt  }
0x46: {  	_ =	shalt  }
0x47: {  	_ =	shalt  }
0x48: {  	_ =	shalt  }
0x49: {  	_ =	shalt  }
0x4a: {  	_ =	shalt  }
0x4b: {  	_ =	shalt  }
0x4c: {  	_ =	shalt  }
0x4d: {  	_ =	shalt  }
0x4e: {  	_ =	shalt  }
0x4f: {  	_ =	shalt  }
0x50: {  	_ =	shalt  }
0x51: {  	_ =	shalt  }
0x52: {  	_ =	shalt  }
0x53: {  	_ =	shalt  }
0x54: {  	_ =	shalt  }
0x55: {  	_ =	shalt  }
0x56: {  	_ =	shalt  }
0x57: {  	_ =	shalt  }
0x58: {  	_ =	shalt  }
0x59: {  	_ =	shalt  }
0x5a: {  	_ =	shalt  }
0x5b: {  	_ =	shalt  }
0x5c: {  	_ =	shalt  }
0x5d: {  	_ =	shalt  }
0x5e: {  	_ =	shalt  }
0x5f: {  	_ =	shalt  }
0x60: {  	_ =	shalt  }
0x61: {  	_ =	shalt  }
0x62: {  	_ =	shalt  }
0x63: {  	_ =	shalt  }
0x64: {  	_ =	shalt  }
0x65: {  	_ =	shalt  }
0x66: {  	_ =	shalt  }
0x67: {  	_ =	shalt  }
0x68: {  	_ =	shalt  }
0x69: {  	_ =	shalt  }
0x6a: {  	_ =	shalt  }
0x6b: {  	_ =	shalt  }
0x6c: {  	_ =	shalt  }
0x6d: {  	_ =	shalt  }
0x6e: {  	_ =	shalt  }
0x6f: {  	_ =	shalt  }
0x70: {  	_ =	shalt  }
0x71: {  	_ =	shalt  }
0x72: {  	_ =	shalt  }
0x73: {  	_ =	shalt  }
0x74: {  	_ =	shalt  }
0x75: {  	_ =	shalt  }
0x76: {  	_ =	shalt  }
0x77: {  	_ =	shalt  }
0x78: {  	_ =	shalt  }
0x79: {  	_ =	shalt  }
0x7a: {  	_ =	shalt  }
0x7b: {  	_ =	shalt  }
0x7c: {  	_ =	shalt  }
0x7d: {  	_ =	shalt  }
0x7e: {  	_ =	shalt  }
0x7f: {  	_ =	shalt  }
0x80: {  	_ =	shalt  }
0x81: {  	_ =	shalt  }
0x82: {  	_ =	shalt  }
0x83: {  	_ =	shalt  }
0x84: {  	_ =	shalt  }
0x85: {  	_ =	shalt  }
0x86: {  	_ =	shalt  }
0x87: {  	_ =	shalt  }
.Lfunc_end0:
.L_simem_size_0:
called_computation_lowered:
.L_overlay_start_0:
0x88: {  	s2 =	sld [smem:$0x3FD9]  }
0x89: {  	s3 =	sld [smem:$0x3FFE];
	_ =	sdelay $0x1  }
0x8a: {  	s1 =	srdreg.scid  }
0x8b: {  	s0 =	sand.u32 $0x1, s1  }
0x8c: {  	s17 =	sshll.u32 s0, $0xA;
	s2 =	sadd.s32 s3, s2  }
0x8d: {  	s2 =	sadd.s32 s2, s17  }
0x8e: {  	[smem:$0x3FC1] =	sst s2  }
0x8f: {  	_ = 	snop  }
0x90: {  	s2 =	sld [smem:$0x3FD0];
	(tm) =	ssettm $0x1  }
0x91: {  	s18 =	sld [smem:$0x3FFB];
	_ =	sdelay $0x3  }
0x92: {  	_ =	strace s18  }
0x93: {  	s3 =	sld [smem:$0x3FFC];
	_ =	sdelay $0x3  }
0x94: {  	_ =	strace s3  }
0x95: {  	s3 =	sld [smem:$0x3FFD];
	_ =	sdelay $0x3  }
0x96: {  	_ =	strace s3  }
0x97: {  	_ =	strace $0x8FFFFFFF  }
0x98: {  	s19 =	sld [smem:$0x3FDB];
	_ =	sdelay $0x1  }
0x99: {  	s4 =	simm.s32 $_scs_section_size  }
0x9a: {  	s5 =	simm.s32 $_size__tile_overlayer_lowered;
	s6 =	simm.s32 $_tile_overlayer_lowered  }
0x9b: {  	s22 =	simm.s32 $0x1BFF;
	s21 =	sshll.u32 s6, $0x1;
	s3 =	sadd.s32 s4, s19  }
0x9c: {  	s7 =	simm.s32 $0x0;
	s20 =	sshll.u32 s5, $0x1;
	s5 =	sadd.s32 s21, s3  }
0x9d: {  	[timem:s7], [sflag:s22] =	dma.local [hbm:s5], s20  }
0x9e: {  	_ =	swait.ge [sflag:s22], s20  }
0x9f: {  	s4 =	ssub.s32 $0x0, s20;
	[sflag:s22] =	ssyncset.done $0x0  }
0xa0: {  	[sflag:s22] =	ssyncadd.s32 s4;
	_ =	sdelay $0x1  }
0xa1: {  	s23 =	simm.s32 $0x1B8B  }
0xa2: {  	_ =	swait.ge [sflag:s23], $0x1  }
0xa3: {  	[sflag:s23] =	ssyncset.done $0x0  }
0xa4: {  	s25 =	simm.s32 $0x1B8E;
	s24 =	sld [smem:$0x3FFE];
	[sflag:s23] =	ssyncadd.s32 $0xFFFFFFFF  }
0xa5: {  	s26 =	simm.s32 $execute0_lowered;
	[smem:$0x3FD2] =	sst s25  }
0xa6: {  	s5 =	sshll.u32 s26, $0x1;
	_ =	strace $0x80000046;
	[dreg:$0x1] =	wrdreg $0xFFFFFFFF  }
0xa7: {  	s28 =	simm.s32 $_size_execute0_lowered;
	s3 =	sadd.s32 s3, s5;
	[dreg:$0x0] =	wrdreg $0x0  }
0xa8: {  	s5 =	sshll.u32 s28, $0x1;
	[dreg:$0x2] =	wrdreg s3  }
0xa9: {  	[dreg:$0x3] =	wrdreg s5  }
0xaa: {  	[dreg:$0x4] =	wrdreg $0xC0  }
0xab: {  	_ =	task [dreg:s7], $0x5FFFF  }
0xac: {  	[dreg:$0x1] =	wrdreg $0xFFFFFFFF  }
0xad: {  	[dreg:$0x0] =	wrdreg $0x60  }
0xae: {  	[dreg:$0x2] =	wrdreg s24  }
0xaf: {  	[dreg:$0x3] =	wrdreg s2  }
0xb0: {  	[dreg:$0x4] =	wrdreg $0x9  }
0xb1: {  	_ =	task.clear_ibuf [dreg:s7], $0x5FFFF;
	_ =	strace $0x90000046  }
0xb2: {  	s29 =	simm.s32 $0x9;
	_ =	strace $0x80000048  }
0xb3: {  	_ =	swait.ge [sflag:s29], $0x1  }
0xb4: {  	[sflag:s29] =	ssyncadd.s32 $0xFFFFFFFF  }
0xb5: {  	_ =	strace $0x90000048  }
0xb6: {  	_ =	sfence  }
0xb7: {  	s30 =	sld [smem:$0x0];
	_ =	sdelay $0x2  }
0xb8: {  	s31 =	sshll.u32 s1, $0xD;
	s1 =	sshrl.u32 s1, $0x2  }
0xb9: {  	s3 =	sand.u32 $0x4000, s31;
	s1 =	sadd.s32 s1, s30  }
0xba: {  	s0 =	sor.u32 s3, s0;
	s1 =	sshll.u32 s1, $0x11  }
0xbb: {  	s0 =	sor.u32 s1, s0  }
0xbc: {  	s0 =	sadd.s32 $0x8F2B, s0  }
0xbd: {  	[sflag:s0] =	ssyncadd.remote.s32 $0x1  }
0xbe: {  	_ =	sfence.sel $0xFFFF  }
0xbf: {  	[dreg:$0x0] =	wrdreg $0xFFFFFFFF;
	(pc) =	sbr.abs _section_cstart, $3  }
0xc0: {  	[dreg:$0x1] =	wrdreg $0xFFFFFFFF  }
0xc1: {  	_ =	task.clear_ibuf [dreg:s7], $0x2FFFF;
	_ =	strace $0x9FFFFFFF  }
0xc2: {  	(tm) =	ssettm $0x7FFFFFFF  }
0xc3: {  	_ =	shalt  }
tec
execute0_lowered:
.L_overlay_start_1:
0x0: {  	(tag) =	ssettag $0x1  }
0x1: {  	s4 =	rddreg [dreg:$0x0]  }
0x2: {  	s5 =	rddreg [dreg:$0x1]  }
0x3: {  	s0 =	rddreg [dreg:$0x2]  }
0x4: {  	s2 =	srdreg.scid;
	s1 =	stileid.u32;
	s11 =	simm.s32 $0x400  }
0x5: {  	s12 =	simm.s32 $0x0;
	s6 =	sand.u32 $0x1, s2;
	s3 =	sshll.u32 s1, $0x1  }
0x6: {  	s7 =	sshrl.u32 s1, $0x2;
	s2 =	simm.s32 $0x0;
	s5 =	sadd.s32 $0x180, s5  }
0x7: {  	s8 =	sor.u32 s6, s3;
	s7 =	smul.u32 $0x14000, s7;
	[smem:$0x7FF] =	sst s2  }
0x8: {  	s3 =	sadd.s32 $0x16800, s4;
	s6 =	ssub.s32 $0x2, s6;
	s9 =	sshll.u32 s8, $0x7  }
0x9: {  	s10 =	smul.u32 $0x2800, s8;
	_ =	strace $0x80000047;
	s31 =	sshrl.u32 s6, $0x1  }
.Ltmp0:
0xa: {  	p0 =	seq.s32 s8, $0x1F;
	s9 =	sand.u32 $0x380, s9;
	(pc) =	sbr.rel .LBB2_1-.Ltmp0, $4  }
0xb: {  	s8 =	simm.s32 $0x2800;
	s7 =	sor.u32 s7, s9;
	s30 =	sshrl.u32 s10, $0x3  }
0xc: {  	s10 =	ssub.s32 s6, s31;
	s7 =	sshrl.u32 s7, $0x3;
	s9 =	sadd.s32 s4, s30  }
0xd: {  	s7 =	sadd.s32 s7, s4;
	s4 =	sadd.s32 $0xCA80, s9;
	s9 =	simm.s32 $0x1  }
0xe: {  	v0 =	vimm.f32 $1.000000000e+00;
	s6 =	sadd.s32 $0x16E00, s7;
	s7 =	smax.u32 s10, $0x1;
	s10 =	simm.s32 $0x80  }
.LBB2_7:
0xf: {  	_ =	sdelay $0x3  }
0x10: {  	[tilespmem:v3+s8+$0x0] =	vst.idx.add.f32.msk $0xffff, v0  }
0x11: {  	[tilespmem:v4+s8+$0x0] =	vst.idx.add.f32.msk $0xffff, v0  }
0x12: {  	v3 =	vld [tilespmem:s14+$0x40]  }
0x13: {  	v4 =	vld [tilespmem:s14+$0xFFFFFFC0];
	_ =	sdelay $0x6  }
0x14: {  	[tilespmem:v3+s8+$0x0] =	vst.idx.add.f32.msk $0xffff, v0  }
0x15: {  	[tilespmem:v4+s8+$0x0] =	vst.idx.add.f32.msk $0xffff, v0  }
0x16: {  	v3 =	vld [tilespmem:s14+$0x50]  }
0x17: {  	v4 =	vld [tilespmem:s14+$0xFFFFFFD0];
	_ =	sdelay $0x6  }
0x18: {  	[tilespmem:v3+s8+$0x0] =	vst.idx.add.f32.msk $0xffff, v0  }
0x19: {  	[tilespmem:v4+s8+$0x0] =	vst.idx.add.f32.msk $0xffff, v0  }
0x1a: {  	v3 =	vld [tilespmem:s14+$0x60]  }
0x1b: {  	v4 =	vld [tilespmem:s14+$0xFFFFFFE0];
	_ =	sdelay $0x4  }
0x1c: {  	[tilespmem:v1+s8+$0x0] =	vst.idx.add.f32.msk $0xffff, v0  }
0x1d: {  	v1 =	vld [tilespmem:s13+$0xFFFFFFF0]  }
0x1e: {  	[tilespmem:v3+s8+$0x0] =	vst.idx.add.f32.msk $0xffff, v0  }
0x1f: {  	[tilespmem:v4+s8+$0x0] =	vst.idx.add.f32.msk $0xffff, v0  }
0x20: {  	v3 =	vld [tilespmem:s14+$0x70]  }
0x21: {  	v4 =	vld [tilespmem:s14+$0xFFFFFFF0];
	_ =	sdelay $0x4  }
0x22: {  	[tilespmem:v2+s8+$0x0] =	vst.idx.add.f32.msk $0xffff, v0  }
0x23: {  	[tilespmem:v1+s8+$0x0] =	vst.idx.add.f32.msk $0xffff, v0  }
0x24: {  	[tilespmem:v3+s8+$0x0] =	vst.idx.add.f32.msk $0xffff, v0  }
0x25: {  	[tilespmem:v4+s8+$0x0] =	vst.idx.add.f32.msk $0xffff, v0  }
.LBB2_8:
0x26: {  	s12 =	sadd.s32 $0x1, s12  }
0x27: {  	p1 =	sne.s32 s12, s7  }
.Ltmp1:
0x28: {  	_ = 	snop;
	(pc) =	sbr.rel @!p1 .LBB2_9-.Ltmp1, $4  }
0x29: {  	[hbm4b:s6+s10] =	stream.strided.scatter [tilespmem:s8], [sflag:$0x1], $0x2800, s11, s10, $0x38;
	[tilespmem:$0x5000] =	vst v63  }
0x2a: {  	_ =	swait.ge [sflag:s9], $0x2800  }
0x2b: {  	[sflag:s9] =	ssyncset.done $0x0  }
0x2c: {  	[sflag:s9] =	ssyncadd.s32 $0xFFFFD800  }
.LBB2_1:
.Ltmp2:
0x2d: {  	(pc) =	sbr.rel @!p0 .LBB2_2-.Ltmp2, $4  }
0x2e: {  	[tilespmem:s8], [sflag:$0x1] =	stream.linear.gather [hbm4b:s3+s2], $0x2800, $0x38;
	[tilespmem:$0x5000] =	vst v63  }
0x2f: {  	_ =	swait.ge [sflag:s9], $0x2800  }
0x30: {  	[sflag:s9] =	ssyncset.done $0x0  }
0x31: {  	[sflag:s9] =	ssyncadd.s32 $0xFFFFD800  }
0x32: {  	[tilespmem:s2], [sflag:$0x1] =	stream.linear.gather [hbm4b:s5+s2], $0xA00, $0x38;
	[tilespmem:$0x5000] =	vst v63  }
0x33: {  	_ =	swait.ge [sflag:s9], $0xA00  }
0x34: {  	[sflag:s9] =	ssyncset.done $0x0  }
0x35: {  	s13 =	simm.s32 $0x80;
	[sflag:s9] =	ssyncadd.s32 $0xFFFFF600  }
0x36: {  	v1 =	vld [tilespmem:s13+$0x0];
	_ =	sdelay $0x3  }
0x37: {  	v2 =	vld [tilespmem:s13+$0xFFFFFF80];
	_ =	sdelay $0x3  }
0x38: {  	[tilespmem:v1+s8+$0x0] =	vst.idx.add.f32.msk $0xffff, v0  }
0x39: {  	v1 =	vld [tilespmem:s13+$0x10];
	_ =	sdelay $0x2  }
0x3a: {  	[tilespmem:v2+s8+$0x0] =	vst.idx.add.f32.msk $0xffff, v0  }
0x3b: {  	v2 =	vld [tilespmem:s13+$0xFFFFFF90];
	_ =	sdelay $0x3  }
0x3c: {  	[tilespmem:v1+s8+$0x0] =	vst.idx.add.f32.msk $0xffff, v0  }
0x3d: {  	v1 =	vld [tilespmem:s13+$0x20];
	_ =	sdelay $0x2  }
0x3e: {  	[tilespmem:v2+s8+$0x0] =	vst.idx.add.f32.msk $0xffff, v0  }
0x3f: {  	v2 =	vld [tilespmem:s13+$0xFFFFFFA0];
	_ =	sdelay $0x3  }
0x40: {  	[tilespmem:v1+s8+$0x0] =	vst.idx.add.f32.msk $0xffff, v0  }
0x41: {  	v1 =	vld [tilespmem:s13+$0x30]  }
0x42: {  	s14 =	simm.s32 $0x180  }
0x43: {  	v3 =	vld [tilespmem:s14+$0x0]  }
0x44: {  	[tilespmem:v2+s8+$0x0] =	vst.idx.add.f32.msk $0xffff, v0  }
0x45: {  	v2 =	vld [tilespmem:s13+$0xFFFFFFB0];
	_ =	sdelay $0x2  }
0x46: {  	v4 =	vld [tilespmem:s14+$0xFFFFFF80]  }
0x47: {  	[tilespmem:v1+s8+$0x0] =	vst.idx.add.f32.msk $0xffff, v0  }
0x48: {  	v1 =	vld [tilespmem:s13+$0x40]  }
0x49: {  	[tilespmem:v3+s8+$0x0] =	vst.idx.add.f32.msk $0xffff, v0  }
0x4a: {  	v3 =	vld [tilespmem:s14+$0x10]  }
0x4b: {  	[tilespmem:v2+s8+$0x0] =	vst.idx.add.f32.msk $0xffff, v0  }
0x4c: {  	v2 =	vld [tilespmem:s13+$0xFFFFFFC0];
	_ =	sdelay $0x1  }
0x4d: {  	[tilespmem:v4+s8+$0x0] =	vst.idx.add.f32.msk $0xffff, v0  }
0x4e: {  	v4 =	vld [tilespmem:s14+$0xFFFFFF90]  }
0x4f: {  	[tilespmem:v1+s8+$0x0] =	vst.idx.add.f32.msk $0xffff, v0  }
0x50: {  	v1 =	vld [tilespmem:s13+$0x50]  }
0x51: {  	[tilespmem:v3+s8+$0x0] =	vst.idx.add.f32.msk $0xffff, v0  }
0x52: {  	v3 =	vld [tilespmem:s14+$0x20]  }
0x53: {  	[tilespmem:v2+s8+$0x0] =	vst.idx.add.f32.msk $0xffff, v0  }
0x54: {  	v2 =	vld [tilespmem:s13+$0xFFFFFFD0];
	_ =	sdelay $0x1  }
0x55: {  	[tilespmem:v4+s8+$0x0] =	vst.idx.add.f32.msk $0xffff, v0  }
0x56: {  	v4 =	vld [tilespmem:s14+$0xFFFFFFA0]  }
0x57: {  	[tilespmem:v1+s8+$0x0] =	vst.idx.add.f32.msk $0xffff, v0  }
0x58: {  	v5 =	vld [tilespmem:s13+$0x60];
	_ =	sdelay $0x1  }
0x59: {  	[tilespmem:v3+s8+$0x0] =	vst.idx.add.f32.msk $0xffff, v0  }
0x5a: {  	[tilespmem:v2+s8+$0x0] =	vst.idx.add.f32.msk $0xffff, v0  }
0x5b: {  	v1 =	vld [tilespmem:s13+$0xFFFFFFE0]  }
0x5c: {  	v3 =	vld [tilespmem:s14+$0x30]  }
0x5d: {  	[tilespmem:v4+s8+$0x0] =	vst.idx.add.f32.msk $0xffff, v0  }
0x5e: {  	v4 =	vld [tilespmem:s14+$0xFFFFFFB0]  }
0x5f: {  	[tilespmem:v5+s8+$0x0] =	vst.idx.add.f32.msk $0xffff, v0  }
0x60: {  	s15 =	simm.s32 $0x2;
	s16 =	simm.s32 $0x280;
	v2 =	vld [tilespmem:s13+$0x70]  }
.LBB2_6:
0x61: {  	v5 =	vld [tilespmem:s16+$0x0];
	s15 =	sadd.s32 $0x2, s15  }
0x62: {  	v6 =	vld [tilespmem:s16+$0xFFFFFF80];
	p1 =	slt.u32 s15, $0x12  }
0x63: {  	[tilespmem:v1+s8+$0x0] =	vst.idx.add.f32.msk $0xffff, v0  }
0x64: {  	[tilespmem:v3+s8+$0x0] =	vst.idx.add.f32.msk $0xffff, v0  }
0x65: {  	v1 =	vld [tilespmem:s14+$0x40]  }
0x66: {  	[tilespmem:v4+s8+$0x0] =	vst.idx.add.f32.msk $0xffff, v0  }
0x67: {  	v3 =	vld [tilespmem:s14+$0xFFFFFFC0]  }
0x68: {  	[tilespmem:v2+s8+$0x0] =	vst.idx.add.f32.msk $0xffff, v0  }
0x69: {  	[tilespmem:v5+s8+$0x0] =	vst.idx.add.f32.msk $0xffff, v0  }
0x6a: {  	v2 =	vld [tilespmem:s16+$0x10]  }
0x6b: {  	[tilespmem:v6+s8+$0x0] =	vst.idx.add.f32.msk $0xffff, v0  }
0x6c: {  	v4 =	vld [tilespmem:s16+$0xFFFFFF90]  }
0x6d: {  	[tilespmem:v1+s8+$0x0] =	vst.idx.add.f32.msk $0xffff, v0  }
0x6e: {  	v1 =	vld [tilespmem:s14+$0x50]  }
0x6f: {  	[tilespmem:v3+s8+$0x0] =	vst.idx.add.f32.msk $0xffff, v0  }
0x70: {  	v3 =	vld [tilespmem:s14+$0xFFFFFFD0]  }
0x71: {  	v5 =	vld [tilespmem:s13+$0xFFFFFFF0];
	s13 =	smov.u32 s14;
	s14 =	smov.u32 s16  }
0x72: {  	[tilespmem:v2+s8+$0x0] =	vst.idx.add.f32.msk $0xffff, v0  }
0x73: {  	v2 =	vld [tilespmem:s16+$0x20]  }
0x74: {  	[tilespmem:v4+s8+$0x0] =	vst.idx.add.f32.msk $0xffff, v0  }
0x75: {  	v4 =	vld [tilespmem:s16+$0xFFFFFFA0]  }
0x76: {  	[tilespmem:v1+s8+$0x0] =	vst.idx.add.f32.msk $0xffff, v0  }
0x77: {  	v6 =	vld [tilespmem:s13+$0x60]  }
0x78: {  	[tilespmem:v3+s8+$0x0] =	vst.idx.add.f32.msk $0xffff, v0  }
0x79: {  	v1 =	vld [tilespmem:s13+$0xFFFFFFE0]  }
0x7a: {  	[tilespmem:v5+s8+$0x0] =	vst.idx.add.f32.msk $0xffff, v0  }
0x7b: {  	[tilespmem:v2+s8+$0x0] =	vst.idx.add.f32.msk $0xffff, v0  }
.Ltmp3:
0x7c: {  	v3 =	vld [tilespmem:s16+$0x30];
	(pc) =	sbr.rel @p1 .LBB2_6-.Ltmp3, $4  }
0x7d: {  	[tilespmem:v4+s8+$0x0] =	vst.idx.add.f32.msk $0xffff, v0  }
0x7e: {  	v4 =	vld [tilespmem:s16+$0xFFFFFFB0]  }
0x7f: {  	[tilespmem:v6+s8+$0x0] =	vst.idx.add.f32.msk $0xffff, v0  }
0x80: {  	s16 =	sadd.s32 $0x100, s16;
	v2 =	vld [tilespmem:s13+$0x70]  }
.Ltmp4:
0x81: {  	_ = 	snop;
	(pc) =	sbr.rel .LBB2_7-.Ltmp4, $1  }
0x82: {  	_ =	sdelay $0x3  }
.LBB2_2:
0x83: {  	[tilespmem:s2], [sflag:$0x1] =	stream.linear.gather [hbm4b:s4+s2], $0x2800, $0x38;
	[tilespmem:$0x5000] =	vst v63  }
0x84: {  	_ =	swait.ge [sflag:s9], $0x2800  }
0x85: {  	[sflag:s9] =	ssyncset.done $0x0  }
0x86: {  	s13 =	simm.s32 $0x80;
	[sflag:s9] =	ssyncadd.s32 $0xFFFFD800  }
0x87: {  	v1 =	vld [tilespmem:s13+$0x0];
	_ =	sdelay $0x3  }
0x88: {  	v2 =	vld [tilespmem:s13+$0xFFFFFF80];
	_ =	sdelay $0x3  }
0x89: {  	[tilespmem:v1+s8+$0x0] =	vst.idx.add.f32.msk $0xffff, v0  }
0x8a: {  	v1 =	vld [tilespmem:s13+$0x10];
	_ =	sdelay $0x2  }
0x8b: {  	[tilespmem:v2+s8+$0x0] =	vst.idx.add.f32.msk $0xffff, v0  }
0x8c: {  	v2 =	vld [tilespmem:s13+$0xFFFFFF90];
	_ =	sdelay $0x3  }
0x8d: {  	[tilespmem:v1+s8+$0x0] =	vst.idx.add.f32.msk $0xffff, v0  }
0x8e: {  	v1 =	vld [tilespmem:s13+$0x20];
	_ =	sdelay $0x2  }
0x8f: {  	[tilespmem:v2+s8+$0x0] =	vst.idx.add.f32.msk $0xffff, v0  }
0x90: {  	v2 =	vld [tilespmem:s13+$0xFFFFFFA0];
	_ =	sdelay $0x3  }
0x91: {  	[tilespmem:v1+s8+$0x0] =	vst.idx.add.f32.msk $0xffff, v0  }
0x92: {  	v1 =	vld [tilespmem:s13+$0x30]  }
0x93: {  	s14 =	simm.s32 $0x180  }
0x94: {  	v3 =	vld [tilespmem:s14+$0x0]  }
0x95: {  	[tilespmem:v2+s8+$0x0] =	vst.idx.add.f32.msk $0xffff, v0  }
0x96: {  	v2 =	vld [tilespmem:s13+$0xFFFFFFB0];
	_ =	sdelay $0x2  }
0x97: {  	v4 =	vld [tilespmem:s14+$0xFFFFFF80]  }
0x98: {  	[tilespmem:v1+s8+$0x0] =	vst.idx.add.f32.msk $0xffff, v0  }
0x99: {  	v1 =	vld [tilespmem:s13+$0x40]  }
0x9a: {  	[tilespmem:v3+s8+$0x0] =	vst.idx.add.f32.msk $0xffff, v0  }
0x9b: {  	v3 =	vld [tilespmem:s14+$0x10]  }
0x9c: {  	[tilespmem:v2+s8+$0x0] =	vst.idx.add.f32.msk $0xffff, v0  }
0x9d: {  	v2 =	vld [tilespmem:s13+$0xFFFFFFC0];
	_ =	sdelay $0x1  }
0x9e: {  	[tilespmem:v4+s8+$0x0] =	vst.idx.add.f32.msk $0xffff, v0  }
0x9f: {  	v4 =	vld [tilespmem:s14+$0xFFFFFF90]  }
0xa0: {  	[tilespmem:v1+s8+$0x0] =	vst.idx.add.f32.msk $0xffff, v0  }
0xa1: {  	v1 =	vld [tilespmem:s13+$0x50]  }
0xa2: {  	[tilespmem:v3+s8+$0x0] =	vst.idx.add.f32.msk $0xffff, v0  }
0xa3: {  	v3 =	vld [tilespmem:s14+$0x20]  }
0xa4: {  	[tilespmem:v2+s8+$0x0] =	vst.idx.add.f32.msk $0xffff, v0  }
0xa5: {  	v2 =	vld [tilespmem:s13+$0xFFFFFFD0];
	_ =	sdelay $0x1  }
0xa6: {  	[tilespmem:v4+s8+$0x0] =	vst.idx.add.f32.msk $0xffff, v0  }
0xa7: {  	v4 =	vld [tilespmem:s14+$0xFFFFFFA0]  }
0xa8: {  	[tilespmem:v1+s8+$0x0] =	vst.idx.add.f32.msk $0xffff, v0  }
0xa9: {  	v5 =	vld [tilespmem:s13+$0x60];
	_ =	sdelay $0x1  }
0xaa: {  	[tilespmem:v3+s8+$0x0] =	vst.idx.add.f32.msk $0xffff, v0  }
0xab: {  	[tilespmem:v2+s8+$0x0] =	vst.idx.add.f32.msk $0xffff, v0  }
0xac: {  	v1 =	vld [tilespmem:s13+$0xFFFFFFE0]  }
0xad: {  	v3 =	vld [tilespmem:s14+$0x30]  }
0xae: {  	[tilespmem:v4+s8+$0x0] =	vst.idx.add.f32.msk $0xffff, v0  }
0xaf: {  	v4 =	vld [tilespmem:s14+$0xFFFFFFB0]  }
0xb0: {  	[tilespmem:v5+s8+$0x0] =	vst.idx.add.f32.msk $0xffff, v0  }
0xb1: {  	s15 =	simm.s32 $0x2;
	s16 =	simm.s32 $0x280;
	v2 =	vld [tilespmem:s13+$0x70]  }
.LBB2_3:
0xb2: {  	v5 =	vld [tilespmem:s16+$0x0];
	s15 =	sadd.s32 $0x2, s15  }
0xb3: {  	v6 =	vld [tilespmem:s16+$0xFFFFFF80];
	p1 =	slt.u32 s15, $0x4E  }
0xb4: {  	[tilespmem:v1+s8+$0x0] =	vst.idx.add.f32.msk $0xffff, v0  }
0xb5: {  	[tilespmem:v3+s8+$0x0] =	vst.idx.add.f32.msk $0xffff, v0  }
0xb6: {  	v1 =	vld [tilespmem:s14+$0x40]  }
0xb7: {  	[tilespmem:v4+s8+$0x0] =	vst.idx.add.f32.msk $0xffff, v0  }
0xb8: {  	v3 =	vld [tilespmem:s14+$0xFFFFFFC0]  }
0xb9: {  	[tilespmem:v2+s8+$0x0] =	vst.idx.add.f32.msk $0xffff, v0  }
0xba: {  	[tilespmem:v5+s8+$0x0] =	vst.idx.add.f32.msk $0xffff, v0  }
0xbb: {  	v2 =	vld [tilespmem:s16+$0x10]  }
0xbc: {  	[tilespmem:v6+s8+$0x0] =	vst.idx.add.f32.msk $0xffff, v0  }
0xbd: {  	v4 =	vld [tilespmem:s16+$0xFFFFFF90]  }
0xbe: {  	[tilespmem:v1+s8+$0x0] =	vst.idx.add.f32.msk $0xffff, v0  }
0xbf: {  	v1 =	vld [tilespmem:s14+$0x50]  }
0xc0: {  	[tilespmem:v3+s8+$0x0] =	vst.idx.add.f32.msk $0xffff, v0  }
0xc1: {  	v3 =	vld [tilespmem:s14+$0xFFFFFFD0]  }
0xc2: {  	v5 =	vld [tilespmem:s13+$0xFFFFFFF0];
	s13 =	smov.u32 s14;
	s14 =	smov.u32 s16  }
0xc3: {  	[tilespmem:v2+s8+$0x0] =	vst.idx.add.f32.msk $0xffff, v0  }
0xc4: {  	v2 =	vld [tilespmem:s16+$0x20]  }
0xc5: {  	[tilespmem:v4+s8+$0x0] =	vst.idx.add.f32.msk $0xffff, v0  }
0xc6: {  	v4 =	vld [tilespmem:s16+$0xFFFFFFA0]  }
0xc7: {  	[tilespmem:v1+s8+$0x0] =	vst.idx.add.f32.msk $0xffff, v0  }
0xc8: {  	v6 =	vld [tilespmem:s13+$0x60]  }
0xc9: {  	[tilespmem:v3+s8+$0x0] =	vst.idx.add.f32.msk $0xffff, v0  }
0xca: {  	v1 =	vld [tilespmem:s13+$0xFFFFFFE0]  }
0xcb: {  	[tilespmem:v5+s8+$0x0] =	vst.idx.add.f32.msk $0xffff, v0  }
0xcc: {  	[tilespmem:v2+s8+$0x0] =	vst.idx.add.f32.msk $0xffff, v0  }
.Ltmp5:
0xcd: {  	v3 =	vld [tilespmem:s16+$0x30];
	(pc) =	sbr.rel @p1 .LBB2_3-.Ltmp5, $4  }
0xce: {  	[tilespmem:v4+s8+$0x0] =	vst.idx.add.f32.msk $0xffff, v0  }
0xcf: {  	v4 =	vld [tilespmem:s16+$0xFFFFFFB0]  }
0xd0: {  	[tilespmem:v6+s8+$0x0] =	vst.idx.add.f32.msk $0xffff, v0  }
0xd1: {  	s16 =	sadd.s32 $0x100, s16;
	v2 =	vld [tilespmem:s13+$0x70]  }
0xd2: {  	_ =	sdelay $0x3  }
0xd3: {  	[tilespmem:v3+s8+$0x0] =	vst.idx.add.f32.msk $0xffff, v0  }
0xd4: {  	v3 =	vld [tilespmem:s14+$0x40]  }
0xd5: {  	[tilespmem:v4+s8+$0x0] =	vst.idx.add.f32.msk $0xffff, v0  }
0xd6: {  	v4 =	vld [tilespmem:s14+$0xFFFFFFC0];
	_ =	sdelay $0x5  }
0xd7: {  	[tilespmem:v3+s8+$0x0] =	vst.idx.add.f32.msk $0xffff, v0  }
0xd8: {  	v3 =	vld [tilespmem:s14+$0x50]  }
0xd9: {  	[tilespmem:v4+s8+$0x0] =	vst.idx.add.f32.msk $0xffff, v0  }
0xda: {  	v4 =	vld [tilespmem:s14+$0xFFFFFFD0];
	_ =	sdelay $0x5  }
0xdb: {  	[tilespmem:v3+s8+$0x0] =	vst.idx.add.f32.msk $0xffff, v0  }
0xdc: {  	v3 =	vld [tilespmem:s14+$0x60]  }
0xdd: {  	[tilespmem:v4+s8+$0x0] =	vst.idx.add.f32.msk $0xffff, v0  }
0xde: {  	v4 =	vld [tilespmem:s14+$0xFFFFFFE0];
	_ =	sdelay $0x3  }
0xdf: {  	[tilespmem:v1+s8+$0x0] =	vst.idx.add.f32.msk $0xffff, v0  }
0xe0: {  	v1 =	vld [tilespmem:s13+$0xFFFFFFF0]  }
0xe1: {  	[tilespmem:v3+s8+$0x0] =	vst.idx.add.f32.msk $0xffff, v0  }
0xe2: {  	v3 =	vld [tilespmem:s14+$0x70]  }
0xe3: {  	[tilespmem:v4+s8+$0x0] =	vst.idx.add.f32.msk $0xffff, v0  }
0xe4: {  	v4 =	vld [tilespmem:s14+$0xFFFFFFF0];
	_ =	sdelay $0x3  }
.Ltmp6:
0xe5: {  	_ = 	snop;
	(pc) =	sbr.rel .LBB2_8-.Ltmp6, $4  }
0xe6: {  	[tilespmem:v2+s8+$0x0] =	vst.idx.add.f32.msk $0xffff, v0  }
0xe7: {  	[tilespmem:v1+s8+$0x0] =	vst.idx.add.f32.msk $0xffff, v0  }
0xe8: {  	[tilespmem:v3+s8+$0x0] =	vst.idx.add.f32.msk $0xffff, v0  }
0xe9: {  	[tilespmem:v4+s8+$0x0] =	vst.idx.add.f32.msk $0xffff, v0  }
.LBB2_9:
0xea: {  	_ =	sfence.sel $0x180000  }
0xeb: {  	[bflag:$0x0] =	sbarrier.arrive $0xFFFF  }
0xec: {  	p0 =	sne.s32 s1, $0x0;
	_ =	strace $0x90000047  }
0xed: {  	s0 =	sadd.s32 @!p0 $0x100000, s0;
	[bflag:$0x2] =	sbarrier.arrive $0xFFFF  }
0xee: {  	[sflag:s0] =	ssyncadd.tile.s32 @!p0 $0x1;
	_ =	shalt  }
.Lfunc_end2:
_tile_overlayer_lowered:
.L_overlay_start_2:
0xef: {  	(tag) =	ssettag $0x2  }
0xf0: {  	s0 =	rddreg [dreg:$0x0];
	s2 =	stileid.u32  }
0xf1: {  	s1 =	rddreg [dreg:$0x1];
	p0 =	sne.s32 s2, $0x0  }
0xf2: {  	s3 =	rddreg [dreg:$0x2];
	[bflag:$0x3] =	sbarrier.arrive $0xFFFF;
	s2 =	simm.s32 @!p0 $0x1C01  }
0xf3: {  	[timem:s3], [sflag:s2] =	dma.local @!p0 [hbm:s0], s1  }
0xf4: {  	s0 =	simm.s32 @!p0 $0x1  }
0xf5: {  	_ =	swait.ge @!p0 [sflag:s0], s1  }
0xf6: {  	s1 =	ssub.s32 @!p0 $0x0, s1;
	[sflag:s0] =	ssyncset.done @!p0 $0x0  }
0xf7: {  	[sflag:s0] =	ssyncadd.s32 @!p0 s1  }
0xf8: {  	[bflag:$0x3] =	sbarrier.arrive $0xFFFF  }
0xf9: {  	_ =	shalt  }

</sc_bundles>
